<compile_context>
chip_gen: v7x
topology: tpu7x:2x2x1
jax: 0.10.2.dev20260603
libtpu: 0.0.44.dev20260713+nightly
codegen_flags: <defaults>
</compile_context>

<pallas_src>
import functools
import math

import jax
import jax.numpy as jnp
from jax import lax
from jax.experimental import pallas as pl
from jax.experimental.pallas import tpu as pltpu
from jax.experimental.pallas import tpu_sc as plsc

NC = 2
NS = 16
NW = NC * NS
L = 16

_EPS = 1e-5
_NEG = -1e30



@functools.lru_cache(maxsize=None)
def _make_deg_kernel(E, N):
    EPW = E // NW
    assert E % NW == 0 and EPW % L == 0 and N % L == 0
    mesh = plsc.VectorSubcoreMesh(core_axis_name="c", subcore_axis_name="s")

    @functools.partial(
        pl.kernel,
        out_type=jax.ShapeDtypeStruct((NW, N), jnp.float32),
        mesh=mesh,
        scratch_types=[
            pltpu.VMEM((EPW,), jnp.int32),
            pltpu.VMEM((N,), jnp.float32),
        ],
        compiler_params=pltpu.CompilerParams(needs_layout_passes=False),
    )
    def deg_kernel(dst_hbm, out_hbm, idx_v, hist_v):
        c = lax.axis_index("c")
        s = lax.axis_index("s")
        wid = s * NC + c
        zeros = jnp.zeros((L,), jnp.float32)

        def zero_body(i, carry):
            hist_v[pl.ds(i * L, L)] = zeros
            return carry

        lax.fori_loop(0, N // L, zero_body, 0)
        pltpu.sync_copy(dst_hbm.at[pl.ds(wid * EPW, EPW)], idx_v)
        ones = jnp.ones((L,), jnp.float32)

        def body(i, carry):
            idx = idx_v[pl.ds(i * L, L)]
            plsc.addupdate_scatter(hist_v, [idx], ones)
            return carry

        lax.fori_loop(0, EPW // L, body, 0)
        pltpu.sync_copy(hist_v, out_hbm.at[wid])

    return deg_kernel


@functools.lru_cache(maxsize=None)
def _make_scatter_kernel(E, N, D, K=40, ZR=25, NB=5):
    EPW = E // NW
    NCH = EPW // K
    RPT = N // NS
    assert E % NW == 0 and EPW % K == 0 and K % 8 == 0 and K <= 128
    assert N % NS == 0 and RPT % ZR == 0 and D % L == 0 and NCH % NB == 0
    assert K >= ZR
    mesh = plsc.VectorSubcoreMesh(core_axis_name="c", subcore_axis_name="s")

    @functools.partial(
        pl.kernel,
        out_type=jax.ShapeDtypeStruct((NC, N, D), jnp.float32),
        mesh=mesh,
        scratch_types=[
            pltpu.VMEM((NCH, K), jnp.int32),
            pltpu.VMEM((NCH, K), jnp.int32),
            [pltpu.VMEM((K, D), jnp.float32)] * NB,
            pltpu.VMEM_SHARED((N, D), jnp.float32),
            [pltpu.SemaphoreType.DMA] * NB,
            [pltpu.SemaphoreType.DMA] * NB,
        ],
        compiler_params=pltpu.CompilerParams(use_tc_tiling_on_sc=False),
    )
    def scatter_kernel(t_hbm, src_hbm, dst_hbm, out_hbm,
                       srcall, dstall, rows, acc_sh, gsem, ssem):
        c = lax.axis_index("c")
        s = lax.axis_index("s")
        wid = s * NC + c
        pltpu.async_copy(src_hbm.at[pl.ds(wid * NCH, NCH)], srcall, gsem[0])
        pltpu.async_copy(dst_hbm.at[pl.ds(wid * NCH, NCH)], dstall, gsem[1])
        zeros = jnp.zeros((L,), jnp.float32)

        def zfill_body(r, carry):
            for j in range(D // L):
                rows[0][r, pl.ds(j * L, L)] = zeros
            return carry

        lax.fori_loop(0, ZR, zfill_body, 0)
        pltpu.make_async_copy(
            src_hbm.at[pl.ds(wid * NCH, NCH)], srcall, gsem[0]).wait()
        pltpu.make_async_copy(
            dst_hbm.at[pl.ds(wid * NCH, NCH)], dstall, gsem[1]).wait()

        for b in range(1, NB):
            pltpu.async_copy(t_hbm.at[srcall.at[b]], rows[b], gsem[b])

        @pl.when(c == 0)
        def _seed_t():
            pltpu.sync_copy(t_hbm.at[pl.ds(s * RPT, RPT)],
                            acc_sh.at[pl.ds(s * RPT, RPT)])

        def zero_body(i, carry):
            pltpu.sync_copy(rows[0].at[pl.ds(0, ZR)],
                            acc_sh.at[pl.ds(s * RPT + i * ZR, ZR)])
            return carry

        @pl.when(c != 0)
        def _seed_zero():
            lax.fori_loop(0, RPT // ZR, zero_body, 0)

        plsc.subcore_barrier()
        pltpu.async_copy(t_hbm.at[srcall.at[0]], rows[0], gsem[0])

        NP = NCH // NB

        def body(p, carry):
            c0 = p * NB
            for b in range(NB):
                pltpu.make_async_copy(
                    t_hbm.at[srcall.at[c0 + b]], rows[b], gsem[b]).wait()
                pltpu.async_copy(
                    rows[b], acc_sh.at[dstall.at[c0 + b]], ssem[b], add=True)

            @pl.when(p < NP - 1)
            def _prefetch():
                for b in range(NB):
                    pltpu.make_async_copy(
                        rows[b], acc_sh.at[dstall.at[c0 + b]], ssem[b]).wait()
                    pltpu.async_copy(
                        t_hbm.at[srcall.at[c0 + NB + b]], rows[b], gsem[b])

            return carry

        lax.fori_loop(0, NP, body, 0)
        for b in range(NB):
            pltpu.make_async_copy(
                rows[b], acc_sh.at[dstall.at[NCH - NB + b]], ssem[b]).wait()
        plsc.subcore_barrier()
        pltpu.sync_copy(acc_sh.at[pl.ds(s * RPT, RPT)],
                        out_hbm.at[c, pl.ds(s * RPT, RPT)])

    return scatter_kernel



def _tc_prep(degp_t, x, W1, R=5000):
    N, F = x.shape
    H = W1.shape[1]
    assert N % R == 0

    def body(degp_ref, x_ref, w_ref, dinv_ref, t_ref):
        deg = jnp.sum(degp_ref[...], axis=1, keepdims=True) + 1.0
        dinv = lax.rsqrt(deg)
        dinv_ref[...] = dinv
        t_ref[...] = jnp.dot(x_ref[...], w_ref[...],
                             preferred_element_type=jnp.float32) * dinv

    return pl.pallas_call(
        body,
        grid=(N // R,),
        in_specs=[
            pl.BlockSpec((R, NW), lambda i: (i, 0)),
            pl.BlockSpec((R, F), lambda i: (i, 0)),
            pl.BlockSpec((F, H), lambda i: (0, 0)),
        ],
        out_specs=[
            pl.BlockSpec((R, 1), lambda i: (i, 0)),
            pl.BlockSpec((R, H), lambda i: (i, 0)),
        ],
        out_shape=[
            jax.ShapeDtypeStruct((N, 1), jnp.float32),
            jax.ShapeDtypeStruct((N, H), jnp.float32),
        ],
    )(degp_t, x, W1)


def _tc_mid(sp, dinv, b, g, be, res, W, R=5000):
    _, N, Hp = sp.shape
    Hn = W.shape[1]
    assert N % R == 0
    bnscale = 1.0 / math.sqrt(1.0 + _EPS)
    with_res = res is not None

    def body(sp_ref, dinv_ref, b_ref, g_ref, be_ref, *rest):
        if with_res:
            res_ref, w_ref, out_ref = rest
        else:
            w_ref, out_ref = rest
        a = sp_ref[...]
        dinv = dinv_ref[...]
        u = (a[0] + a[1]) * dinv + b_ref[...]
        u = u * (g_ref[...] * bnscale) + be_ref[...]
        if with_res:
            u = u + res_ref[...]
        u = jnp.maximum(u, 0.0)
        out_ref[...] = jnp.dot(u, w_ref[...],
                               preferred_element_type=jnp.float32) * dinv

    in_specs = [
        pl.BlockSpec((NC, R, Hp), lambda i: (0, i, 0)),
        pl.BlockSpec((R, 1), lambda i: (i, 0)),
        pl.BlockSpec((1, Hp), lambda i: (0, 0)),
        pl.BlockSpec((1, Hp), lambda i: (0, 0)),
        pl.BlockSpec((1, Hp), lambda i: (0, 0)),
    ]
    args = [sp, dinv, b, g, be]
    if with_res:
        in_specs.append(pl.BlockSpec((R, Hp), lambda i: (i, 0)))
        args.append(res)
    in_specs.append(pl.BlockSpec((Hp, Hn), lambda i: (0, 0)))
    args.append(W)

    return pl.pallas_call(
        body,
        grid=(N // R,),
        in_specs=in_specs,
        out_specs=pl.BlockSpec((R, Hn), lambda i: (i, 0)),
        out_shape=jax.ShapeDtypeStruct((N, Hn), jnp.float32),
    )(*args)


def _tc_final(sp, dinv, b, R=5000):
    _, N, Cp = sp.shape
    assert N % R == 0

    def body(sp_ref, dinv_ref, b_ref, out_ref):
        a = sp_ref[...]
        u = (a[0] + a[1]) * dinv_ref[...] + b_ref[...]
        m = jnp.max(u, axis=1, keepdims=True)
        z = u - m
        out_ref[...] = z - jnp.log(jnp.sum(jnp.exp(z), axis=1, keepdims=True))

    return pl.pallas_call(
        body,
        grid=(N // R,),
        in_specs=[
            pl.BlockSpec((NC, R, Cp), lambda i: (0, i, 0)),
            pl.BlockSpec((R, 1), lambda i: (i, 0)),
            pl.BlockSpec((1, Cp), lambda i: (0, 0)),
        ],
        out_specs=pl.BlockSpec((R, Cp), lambda i: (i, 0)),
        out_shape=jax.ShapeDtypeStruct((N, Cp), jnp.float32),
    )(sp, dinv, b)



def kernel(x, edge_index, W1, b1, g1, be1, W2, b2, g2, be2, W3, b3):
    N, F = x.shape
    H = W1.shape[1]
    C = W3.shape[1]
    E = edge_index.shape[1]
    src = edge_index[0]
    dst = edge_index[1]

    Cp = ((C + L - 1) // L) * L
    W3p = jnp.pad(W3, ((0, 0), (0, Cp - C)))
    b3p = jnp.concatenate([b3, jnp.full((Cp - C,), _NEG, jnp.float32)])

    b1r, g1r, be1r = b1[None, :], g1[None, :], be1[None, :]
    b2r, g2r, be2r = b2[None, :], g2[None, :], be2[None, :]
    b3r = b3p[None, :]

    degp = _make_deg_kernel(E, N)(dst)
    dinv, t1 = _tc_prep(degp.T, x, W1)

    KH, KC = 40, 80
    scat_h = _make_scatter_kernel(E, N, H, KH)
    scat_c = _make_scatter_kernel(E, N, Cp, KC)
    src2h, dst2h = src.reshape(E // KH, KH), dst.reshape(E // KH, KH)
    src2c, dst2c = src.reshape(E // KC, KC), dst.reshape(E // KC, KC)

    s1 = scat_h(t1, src2h, dst2h)
    t2 = _tc_mid(s1, dinv, b1r, g1r, be1r, x, W2)
    s2 = scat_h(t2, src2h, dst2h)
    t3 = _tc_mid(s2, dinv, b2r, g2r, be2r, None, W3p)
    s3 = scat_c(t3, src2c, dst2c)
    out = _tc_final(s3, dinv, b3r)
    return out[:, :C]

# --- scband reference (transcript-rebuilt; emitter-appended) ---
"""Pipeline reference for scband-enhanced-graph-neural-network-4810363372589 (READ-ONLY COPY).

The authoritative reference and input builder live on the scoring server;
editing this copy changes nothing except your own understanding.
"""

import jax, jax.numpy as jnp
import numpy as np

N = 10000
E = 320000
F_IN = 128
H = 128
C = 40
EPS = 1e-5


def setup_inputs(seed: int = 0) -> dict:
    key = jax.random.key(seed)
    ks = jax.random.split(key, 12)
    x = jax.random.normal(ks[0], (N, F_IN), dtype=jnp.float32)
    edge_index = jax.random.randint(ks[1], (2, E), 0, N, dtype=jnp.int32)
    W1 = jax.random.normal(ks[2], (F_IN, H), dtype=jnp.float32) * 0.05
    b1 = jnp.zeros((H,), dtype=jnp.float32)
    g1 = jnp.ones((H,), dtype=jnp.float32)
    be1 = jnp.zeros((H,), dtype=jnp.float32)
    W2 = jax.random.normal(ks[3], (H, H), dtype=jnp.float32) * 0.05
    b2 = jnp.zeros((H,), dtype=jnp.float32)
    g2 = jnp.ones((H,), dtype=jnp.float32)
    be2 = jnp.zeros((H,), dtype=jnp.float32)
    W3 = jax.random.normal(ks[4], (H, C), dtype=jnp.float32) * 0.05
    b3 = jnp.zeros((C,), dtype=jnp.float32)
    return {"x": x, "edge_index": edge_index, "W1": W1, "b1": b1, "g1": g1, "be1": be1,
            "W2": W2, "b2": b2, "g2": g2, "be2": be2, "W3": W3, "b3": b3}


def _gcn_conv(x, edge_index, W, b):
    # PyG GCNConv: x' = D^{-1/2} (A+I) D^{-1/2} (X W) + b
    h = x @ W
    loop = jnp.arange(N, dtype=edge_index.dtype)
    src = jnp.concatenate([edge_index[0], loop])
    dst = jnp.concatenate([edge_index[1], loop])
    deg = jnp.zeros((N,), dtype=h.dtype).at[dst].add(1.0)
    dinv = jnp.where(deg > 0, jax.lax.rsqrt(deg), 0.0)
    norm = dinv[src] * dinv[dst]
    msg = h[src] * norm[:, None]
    out = jnp.zeros((N, h.shape[1]), dtype=h.dtype).at[dst].add(msg)
    return out + b


def _bn_eval(x, g, b):
    # BatchNorm1d in eval mode with running_mean=0, running_var=1
    return x / jnp.sqrt(1.0 + EPS) * g + b


def _log_softmax(x):
    m = jnp.max(x, axis=1, keepdims=True)
    z = x - m
    return z - jnp.log(jnp.sum(jnp.exp(z), axis=1, keepdims=True))


def reference(x, edge_index, W1, b1, g1, be1, W2, b2, g2, be2, W3, b3):
    original_x = x
    # layer 0
    h = _gcn_conv(x, edge_index, W1, b1)
    h = _bn_eval(h, g1, be1)
    # residual: hidden_dim == num_features, so residual applies at i == 0
    h = h + original_x
    h = jax.nn.relu(h)
    # dropout is a no-op in eval mode
    # layer 1
    h = _gcn_conv(h, edge_index, W2, b2)
    h = _bn_eval(h, g2, be2)
    h = jax.nn.relu(h)
    # layer 2 (output)
    h = _gcn_conv(h, edge_index, W3, b3)
    return _log_softmax(h)

if __name__ == "__main__":
    import jax
    _d = setup_inputs()
    print(jax.jit(kernel)(*tuple(_d.values())))

</pallas_src>

<mosaic_0001>
#map = affine_map<(d0, d1) -> (0, 0)>
#map1 = affine_map<(d0, d1) -> (0, 0, 0)>
module attributes {stable_mosaic.version = 14 : i64} {
  func.func @scatter_kernel(%arg0: i32, %arg1: i32, %arg2: memref<10000x48xf32, #tpu.memory_space<hbm>>, %arg3: memref<4000x80xi32, #tpu.memory_space<hbm>>, %arg4: memref<4000x80xi32, #tpu.memory_space<hbm>>, %arg5: memref<2x10000x48xf32, #tpu.memory_space<hbm>>, %arg6: memref<125x80xi32, #tpu.memory_space<vmem>>, %arg7: memref<125x80xi32, #tpu.memory_space<vmem>>, %arg8: memref<80x48xf32, #tpu.memory_space<vmem>>, %arg9: memref<80x48xf32, #tpu.memory_space<vmem>>, %arg10: memref<80x48xf32, #tpu.memory_space<vmem>>, %arg11: memref<80x48xf32, #tpu.memory_space<vmem>>, %arg12: memref<80x48xf32, #tpu.memory_space<vmem>>, %arg13: memref<10000x48xf32, #tpu.memory_space<vmem_shared>>, %arg14: memref<!tpu.dma_semaphore, #tpu.memory_space<semaphore_mem>>, %arg15: memref<!tpu.dma_semaphore, #tpu.memory_space<semaphore_mem>>, %arg16: memref<!tpu.dma_semaphore, #tpu.memory_space<semaphore_mem>>, %arg17: memref<!tpu.dma_semaphore, #tpu.memory_space<semaphore_mem>>, %arg18: memref<!tpu.dma_semaphore, #tpu.memory_space<semaphore_mem>>, %arg19: memref<!tpu.dma_semaphore, #tpu.memory_space<semaphore_mem>>, %arg20: memref<!tpu.dma_semaphore, #tpu.memory_space<semaphore_mem>>, %arg21: memref<!tpu.dma_semaphore, #tpu.memory_space<semaphore_mem>>, %arg22: memref<!tpu.dma_semaphore, #tpu.memory_space<semaphore_mem>>, %arg23: memref<!tpu.dma_semaphore, #tpu.memory_space<semaphore_mem>>) attributes {dimension_semantics = [#tpu.dimension_semantics<core_parallel>, #tpu.dimension_semantics<subcore_parallel>], iteration_bounds = array<i64: 2, 16>, scalar_prefetch = 0 : i64, scratch_operands = 18 : i64, tpu.core_type = #tpu.core_type<sc_vector_subcore>, window_params = [{transform_indices = #map}, {transform_indices = #map}, {transform_indices = #map}, {transform_indices = #map1}]} {
    %mul3A = arith.constant 2 : i32
    %mul3A_0 = arith.muli %arg1, %mul3A : i32
    %add3A = arith.addi %mul3A_0, %arg0 : i32
    %mul3A_1 = arith.constant 125 : i32
    %mul3A_2 = arith.muli %add3A, %mul3A_1 : i32
    %dma_start3A = arith.constant 0 : i32
    %dma_start3A_3 = tpu.memref_slice %arg3[%mul3A_2, %dma_start3A] : memref<4000x80xi32, #tpu.memory_space<hbm>> -> memref<125x80xi32, #tpu.memory_space<hbm>>
    %dma_start3A_4 = arith.constant 0 : i32
    %dma_start3A_5 = tpu.memref_slice %arg3[%mul3A_2, %dma_start3A_4] : memref<4000x80xi32, #tpu.memory_space<hbm>> -> memref<125x80xi32, #tpu.memory_space<hbm>>
    tpu.enqueue_dma source(%dma_start3A_5 : memref<125x80xi32, #tpu.memory_space<hbm>>) target(%arg6 : memref<125x80xi32, #tpu.memory_space<vmem>>) target_semaphore(%arg14 : memref<!tpu.dma_semaphore, #tpu.memory_space<semaphore_mem>>)
    %mul3A_6 = arith.constant 125 : i32
    %mul3A_7 = arith.muli %add3A, %mul3A_6 : i32
    %dma_start3A_8 = arith.constant 0 : i32
    %dma_start3A_9 = tpu.memref_slice %arg4[%mul3A_7, %dma_start3A_8] : memref<4000x80xi32, #tpu.memory_space<hbm>> -> memref<125x80xi32, #tpu.memory_space<hbm>>
    %dma_start3A_10 = arith.constant 0 : i32
    %dma_start3A_11 = tpu.memref_slice %arg4[%mul3A_7, %dma_start3A_10] : memref<4000x80xi32, #tpu.memory_space<hbm>> -> memref<125x80xi32, #tpu.memory_space<hbm>>
    tpu.enqueue_dma source(%dma_start3A_11 : memref<125x80xi32, #tpu.memory_space<hbm>>) target(%arg7 : memref<125x80xi32, #tpu.memory_space<vmem>>) target_semaphore(%arg15 : memref<!tpu.dma_semaphore, #tpu.memory_space<semaphore_mem>>)
    %broadcast_in_dim3A = arith.constant 0.000000e+00 : f32
    %broadcast_in_dim3A_12 = vector.broadcast %broadcast_in_dim3A : f32 to vector<16xf32>
    %scan3A = arith.constant 0 : i32
    %scan3A_13 = arith.constant 0 : i32
    %scan3A_14 = arith.constant 25 : i32
    %scan3A_15 = arith.addi %scan3A_13, %scan3A_14 : i32
    %scan3A_16 = arith.constant 1 : i32
    scf.for %scan3A_116 = %scan3A_13 to %scan3A_15 step %scan3A_16  : i32 {
      %swap3A = arith.index_cast %scan3A_116 : i32 to index
      %swap3A_117 = arith.constant 0 : index
      %swap3A_118 = tpu.vector_load %arg8[%swap3A, %swap3A_117] {strides = array<i32>} : memref<80x48xf32, #tpu.memory_space<vmem>>, vector<1x16xf32>,
      %swap3A_119 = vector.shape_cast %swap3A_118 : vector<1x16xf32> to vector<16xf32>
      %swap3A_120 = vector.shape_cast %broadcast_in_dim3A_12 : vector<16xf32> to vector<1x16xf32>
      tpu.vector_store %arg8[%swap3A, %swap3A_117], %swap3A_120 {strides = array<i32>} : memref<80x48xf32, #tpu.memory_space<vmem>>, vector<1x16xf32>,
      %swap3A_121 = arith.index_cast %scan3A_116 : i32 to index
      %swap3A_122 = arith.constant 16 : index
      %swap3A_123 = tpu.vector_load %arg8[%swap3A_121, %swap3A_122] {strides = array<i32>} : memref<80x48xf32, #tpu.memory_space<vmem>>, vector<1x16xf32>,
      %swap3A_124 = vector.shape_cast %swap3A_123 : vector<1x16xf32> to vector<16xf32>
      %swap3A_125 = vector.shape_cast %broadcast_in_dim3A_12 : vector<16xf32> to vector<1x16xf32>
      tpu.vector_store %arg8[%swap3A_121, %swap3A_122], %swap3A_125 {strides = array<i32>} : memref<80x48xf32, #tpu.memory_space<vmem>>, vector<1x16xf32>,
      %swap3A_126 = arith.index_cast %scan3A_116 : i32 to index
      %swap3A_127 = arith.constant 32 : index
      %swap3A_128 = tpu.vector_load %arg8[%swap3A_126, %swap3A_127] {strides = array<i32>} : memref<80x48xf32, #tpu.memory_space<vmem>>, vector<1x16xf32>,
      %swap3A_129 = vector.shape_cast %swap3A_128 : vector<1x16xf32> to vector<16xf32>
      %swap3A_130 = vector.shape_cast %broadcast_in_dim3A_12 : vector<16xf32> to vector<1x16xf32>
      tpu.vector_store %arg8[%swap3A_126, %swap3A_127], %swap3A_130 {strides = array<i32>} : memref<80x48xf32, #tpu.memory_space<vmem>>, vector<1x16xf32>,
    }
    %scan3A_17 = arith.constant 25 : i32
    %mul3A_18 = arith.constant 125 : i32
    %mul3A_19 = arith.muli %add3A, %mul3A_18 : i32
    %dma_wait3A = arith.constant 0 : i32
    %dma_wait3A_20 = tpu.memref_slice %arg3[%mul3A_19, %dma_wait3A] : memref<4000x80xi32, #tpu.memory_space<hbm>> -> memref<125x80xi32, #tpu.memory_space<hbm>>
    %dma_wait3A_21 = arith.constant 0 : i32
    %dma_wait3A_22 = tpu.memref_slice %arg3[%mul3A_19, %dma_wait3A_21] : memref<4000x80xi32, #tpu.memory_space<hbm>> -> memref<125x80xi32, #tpu.memory_space<hbm>>
    tpu.wait_dma2 semaphore(%arg14 : memref<!tpu.dma_semaphore, #tpu.memory_space<semaphore_mem>>) src(%dma_wait3A_22 : memref<125x80xi32, #tpu.memory_space<hbm>>) dst(%arg6 : memref<125x80xi32, #tpu.memory_space<vmem>>)
    %mul3A_23 = arith.constant 125 : i32
    %mul3A_24 = arith.muli %add3A, %mul3A_23 : i32
    %dma_wait3A_25 = arith.constant 0 : i32
    %dma_wait3A_26 = tpu.memref_slice %arg4[%mul3A_24, %dma_wait3A_25] : memref<4000x80xi32, #tpu.memory_space<hbm>> -> memref<125x80xi32, #tpu.memory_space<hbm>>
    %dma_wait3A_27 = arith.constant 0 : i32
    %dma_wait3A_28 = tpu.memref_slice %arg4[%mul3A_24, %dma_wait3A_27] : memref<4000x80xi32, #tpu.memory_space<hbm>> -> memref<125x80xi32, #tpu.memory_space<hbm>>
    tpu.wait_dma2 semaphore(%arg15 : memref<!tpu.dma_semaphore, #tpu.memory_space<semaphore_mem>>) src(%dma_wait3A_28 : memref<125x80xi32, #tpu.memory_space<hbm>>) dst(%arg7 : memref<125x80xi32, #tpu.memory_space<vmem>>)
    %dma_start3A_29 = arith.constant 1 : i32
    %dma_start3A_30 = arith.constant 0 : i32
    %dma_start3A_31 = tpu.memref_slice %arg6[%dma_start3A_29, %dma_start3A_30] : memref<125x80xi32, #tpu.memory_space<vmem>> -> memref<1x80xi32, #tpu.memory_space<vmem>>
    %dma_start3A_32 = tpu.memref_squeeze %dma_start3A_31 : memref<1x80xi32, #tpu.memory_space<vmem>> -> memref<80xi32, #tpu.memory_space<vmem>>
    %dma_start3A_33 = arith.constant 0 : i32
    %dma_start3A_34 = arith.constant 0 : i32
    %dma_start3A_35 = tpu.memref_slice %arg2[%dma_start3A_33, %dma_start3A_34] : memref<10000x48xf32, #tpu.memory_space<hbm>> -> memref<10000x48xf32, #tpu.memory_space<hbm>>
    tpu.enqueue_indirect_dma source(%dma_start3A_35 : memref<10000x48xf32, #tpu.memory_space<hbm>>) target(%arg9 : memref<80x48xf32, #tpu.memory_space<vmem>>) offsets(%dma_start3A_32 : memref<80xi32, #tpu.memory_space<vmem>>) semaphore(%arg15 : memref<!tpu.dma_semaphore, #tpu.memory_space<semaphore_mem>>)
    %dma_start3A_36 = arith.constant 2 : i32
    %dma_start3A_37 = arith.constant 0 : i32
    %dma_start3A_38 = tpu.memref_slice %arg6[%dma_start3A_36, %dma_start3A_37] : memref<125x80xi32, #tpu.memory_space<vmem>> -> memref<1x80xi32, #tpu.memory_space<vmem>>
    %dma_start3A_39 = tpu.memref_squeeze %dma_start3A_38 : memref<1x80xi32, #tpu.memory_space<vmem>> -> memref<80xi32, #tpu.memory_space<vmem>>
    %dma_start3A_40 = arith.constant 0 : i32
    %dma_start3A_41 = arith.constant 0 : i32
    %dma_start3A_42 = tpu.memref_slice %arg2[%dma_start3A_40, %dma_start3A_41] : memref<10000x48xf32, #tpu.memory_space<hbm>> -> memref<10000x48xf32, #tpu.memory_space<hbm>>
    tpu.enqueue_indirect_dma source(%dma_start3A_42 : memref<10000x48xf32, #tpu.memory_space<hbm>>) target(%arg10 : memref<80x48xf32, #tpu.memory_space<vmem>>) offsets(%dma_start3A_39 : memref<80xi32, #tpu.memory_space<vmem>>) semaphore(%arg16 : memref<!tpu.dma_semaphore, #tpu.memory_space<semaphore_mem>>)
    %dma_start3A_43 = arith.constant 3 : i32
    %dma_start3A_44 = arith.constant 0 : i32
    %dma_start3A_45 = tpu.memref_slice %arg6[%dma_start3A_43, %dma_start3A_44] : memref<125x80xi32, #tpu.memory_space<vmem>> -> memref<1x80xi32, #tpu.memory_space<vmem>>
    %dma_start3A_46 = tpu.memref_squeeze %dma_start3A_45 : memref<1x80xi32, #tpu.memory_space<vmem>> -> memref<80xi32, #tpu.memory_space<vmem>>
    %dma_start3A_47 = arith.constant 0 : i32
    %dma_start3A_48 = arith.constant 0 : i32
    %dma_start3A_49 = tpu.memref_slice %arg2[%dma_start3A_47, %dma_start3A_48] : memref<10000x48xf32, #tpu.memory_space<hbm>> -> memref<10000x48xf32, #tpu.memory_space<hbm>>
    tpu.enqueue_indirect_dma source(%dma_start3A_49 : memref<10000x48xf32, #tpu.memory_space<hbm>>) target(%arg11 : memref<80x48xf32, #tpu.memory_space<vmem>>) offsets(%dma_start3A_46 : memref<80xi32, #tpu.memory_space<vmem>>) semaphore(%arg17 : memref<!tpu.dma_semaphore, #tpu.memory_space<semaphore_mem>>)
    %dma_start3A_50 = arith.constant 4 : i32
    %dma_start3A_51 = arith.constant 0 : i32
    %dma_start3A_52 = tpu.memref_slice %arg6[%dma_start3A_50, %dma_start3A_51] : memref<125x80xi32, #tpu.memory_space<vmem>> -> memref<1x80xi32, #tpu.memory_space<vmem>>
    %dma_start3A_53 = tpu.memref_squeeze %dma_start3A_52 : memref<1x80xi32, #tpu.memory_space<vmem>> -> memref<80xi32, #tpu.memory_space<vmem>>
    %dma_start3A_54 = arith.constant 0 : i32
    %dma_start3A_55 = arith.constant 0 : i32
    %dma_start3A_56 = tpu.memref_slice %arg2[%dma_start3A_54, %dma_start3A_55] : memref<10000x48xf32, #tpu.memory_space<hbm>> -> memref<10000x48xf32, #tpu.memory_space<hbm>>
    tpu.enqueue_indirect_dma source(%dma_start3A_56 : memref<10000x48xf32, #tpu.memory_space<hbm>>) target(%arg12 : memref<80x48xf32, #tpu.memory_space<vmem>>) offsets(%dma_start3A_53 : memref<80xi32, #tpu.memory_space<vmem>>) semaphore(%arg18 : memref<!tpu.dma_semaphore, #tpu.memory_space<semaphore_mem>>)
    %eq3A = arith.constant 0 : i32
    %eq3A_57 = arith.cmpi eq, %arg0, %eq3A : i32
    %convert_element_type3A = arith.extui %eq3A_57 : i1 to i32
    %cond3A = arith.constant 0 : i32
    %cond3A_58 = arith.cmpi ne, %convert_element_type3A, %cond3A : i32
    scf.if %cond3A_58 {
      %mul3A_116 = arith.constant 625 : i32
      %mul3A_117 = arith.muli %arg1, %mul3A_116 : i32
      %mul3A_118 = arith.constant 625 : i32
      %mul3A_119 = arith.muli %arg1, %mul3A_118 : i32
      "tpu.region"() ({
        %run_scoped3A = tpu.sem_alloc : memref<!tpu.dma_semaphore, #tpu.memory_space<semaphore_mem>>
        %dma_start3A_120 = arith.constant 0 : i32
        %dma_start3A_121 = tpu.memref_slice %arg13[%mul3A_119, %dma_start3A_120] : memref<10000x48xf32, #tpu.memory_space<vmem_shared>> -> memref<625x48xf32, #tpu.memory_space<vmem_shared>>
        %dma_start3A_122 = arith.constant 0 : i32
        %dma_start3A_123 = tpu.memref_slice %arg2[%mul3A_117, %dma_start3A_122] : memref<10000x48xf32, #tpu.memory_space<hbm>> -> memref<625x48xf32, #tpu.memory_space<hbm>>
        tpu.enqueue_dma source(%dma_start3A_123 : memref<625x48xf32, #tpu.memory_space<hbm>>) target(%dma_start3A_121 : memref<625x48xf32, #tpu.memory_space<vmem_shared>>) target_semaphore(%run_scoped3A : memref<!tpu.dma_semaphore, #tpu.memory_space<semaphore_mem>>)
        %dma_wait3A_124 = arith.constant 0 : i32
        %dma_wait3A_125 = tpu.memref_slice %arg13[%mul3A_119, %dma_wait3A_124] : memref<10000x48xf32, #tpu.memory_space<vmem_shared>> -> memref<625x48xf32, #tpu.memory_space<vmem_shared>>
        %dma_wait3A_126 = arith.constant 0 : i32
        %dma_wait3A_127 = tpu.memref_slice %arg2[%mul3A_117, %dma_wait3A_126] : memref<10000x48xf32, #tpu.memory_space<hbm>> -> memref<625x48xf32, #tpu.memory_space<hbm>>
        tpu.wait_dma2 semaphore(%run_scoped3A : memref<!tpu.dma_semaphore, #tpu.memory_space<semaphore_mem>>) src(%dma_wait3A_127 : memref<625x48xf32, #tpu.memory_space<hbm>>) dst(%dma_wait3A_125 : memref<625x48xf32, #tpu.memory_space<vmem_shared>>)
        tpu.yield
      }) : () -> ()
    } else {
    }
    %ne3A = arith.constant 0 : i32
    %ne3A_59 = arith.cmpi ne, %arg0, %ne3A : i32
    %convert_element_type3A_60 = arith.extui %ne3A_59 : i1 to i32
    %cond3A_61 = arith.constant 0 : i32
    %cond3A_62 = arith.cmpi ne, %convert_element_type3A_60, %cond3A_61 : i32
    scf.if %cond3A_62 {
      %scan3A_116 = arith.constant 0 : i32
      %scan3A_117 = arith.constant 0 : i32
      %scan3A_118 = arith.constant 25 : i32
      %scan3A_119 = arith.addi %scan3A_117, %scan3A_118 : i32
      %scan3A_120 = arith.constant 1 : i32
      scf.for %scan3A_122 = %scan3A_117 to %scan3A_119 step %scan3A_120  : i32 {
        %mul3A_123 = arith.constant 625 : i32
        %mul3A_124 = arith.muli %arg1, %mul3A_123 : i32
        %mul3A_125 = arith.constant 25 : i32
        %mul3A_126 = arith.muli %scan3A_122, %mul3A_125 : i32
        %add3A_127 = arith.addi %mul3A_124, %mul3A_126 : i32
        "tpu.region"() ({
          %run_scoped3A = tpu.sem_alloc : memref<!tpu.dma_semaphore, #tpu.memory_space<semaphore_mem>>
          %dma_start3A_128 = arith.constant 0 : i32
          %dma_start3A_129 = arith.constant 0 : i32
          %dma_start3A_130 = tpu.memref_slice %arg8[%dma_start3A_128, %dma_start3A_129] : memref<80x48xf32, #tpu.memory_space<vmem>> -> memref<25x48xf32, #tpu.memory_space<vmem>>
          %dma_start3A_131 = arith.constant 0 : i32
          %dma_start3A_132 = tpu.memref_slice %arg13[%add3A_127, %dma_start3A_131] : memref<10000x48xf32, #tpu.memory_space<vmem_shared>> -> memref<25x48xf32, #tpu.memory_space<vmem_shared>>
          %dma_start3A_133 = arith.constant 0 : i32
          %dma_start3A_134 = tpu.memref_slice %arg13[%add3A_127, %dma_start3A_133] : memref<10000x48xf32, #tpu.memory_space<vmem_shared>> -> memref<25x48xf32, #tpu.memory_space<vmem_shared>>
          %dma_start3A_135 = arith.constant 0 : i32
          %dma_start3A_136 = arith.constant 0 : i32
          %dma_start3A_137 = tpu.memref_slice %arg8[%dma_start3A_135, %dma_start3A_136] : memref<80x48xf32, #tpu.memory_space<vmem>> -> memref<25x48xf32, #tpu.memory_space<vmem>>
          tpu.enqueue_dma source(%dma_start3A_137 : memref<25x48xf32, #tpu.memory_space<vmem>>) target(%dma_start3A_134 : memref<25x48xf32, #tpu.memory_space<vmem_shared>>) target_semaphore(%run_scoped3A : memref<!tpu.dma_semaphore, #tpu.memory_space<semaphore_mem>>)
          %dma_wait3A_138 = arith.constant 0 : i32
          %dma_wait3A_139 = arith.constant 0 : i32
          %dma_wait3A_140 = tpu.memref_slice %arg8[%dma_wait3A_138, %dma_wait3A_139] : memref<80x48xf32, #tpu.memory_space<vmem>> -> memref<25x48xf32, #tpu.memory_space<vmem>>
          %dma_wait3A_141 = arith.constant 0 : i32
          %dma_wait3A_142 = tpu.memref_slice %arg13[%add3A_127, %dma_wait3A_141] : memref<10000x48xf32, #tpu.memory_space<vmem_shared>> -> memref<25x48xf32, #tpu.memory_space<vmem_shared>>
          %dma_wait3A_143 = arith.constant 0 : i32
          %dma_wait3A_144 = tpu.memref_slice %arg13[%add3A_127, %dma_wait3A_143] : memref<10000x48xf32, #tpu.memory_space<vmem_shared>> -> memref<25x48xf32, #tpu.memory_space<vmem_shared>>
          %dma_wait3A_145 = arith.constant 0 : i32
          %dma_wait3A_146 = arith.constant 0 : i32
          %dma_wait3A_147 = tpu.memref_slice %arg8[%dma_wait3A_145, %dma_wait3A_146] : memref<80x48xf32, #tpu.memory_space<vmem>> -> memref<25x48xf32, #tpu.memory_space<vmem>>
          tpu.wait_dma2 semaphore(%run_scoped3A : memref<!tpu.dma_semaphore, #tpu.memory_space<semaphore_mem>>) src(%dma_wait3A_147 : memref<25x48xf32, #tpu.memory_space<vmem>>) dst(%dma_wait3A_144 : memref<25x48xf32, #tpu.memory_space<vmem_shared>>)
          tpu.yield
        }) : () -> ()
      }
      %scan3A_121 = arith.constant 25 : i32
    } else {
    }
    %barrier3A = arith.constant 0 : index
    tpu.barrier barrier_id(%barrier3A)
    %dma_start3A_63 = arith.constant 0 : i32
    %dma_start3A_64 = arith.constant 0 : i32
    %dma_start3A_65 = tpu.memref_slice %arg6[%dma_start3A_63, %dma_start3A_64] : memref<125x80xi32, #tpu.memory_space<vmem>> -> memref<1x80xi32, #tpu.memory_space<vmem>>
    %dma_start3A_66 = tpu.memref_squeeze %dma_start3A_65 : memref<1x80xi32, #tpu.memory_space<vmem>> -> memref<80xi32, #tpu.memory_space<vmem>>
    %dma_start3A_67 = arith.constant 0 : i32
    %dma_start3A_68 = arith.constant 0 : i32
    %dma_start3A_69 = tpu.memref_slice %arg2[%dma_start3A_67, %dma_start3A_68] : memref<10000x48xf32, #tpu.memory_space<hbm>> -> memref<10000x48xf32, #tpu.memory_space<hbm>>
    tpu.enqueue_indirect_dma source(%dma_start3A_69 : memref<10000x48xf32, #tpu.memory_space<hbm>>) target(%arg8 : memref<80x48xf32, #tpu.memory_space<vmem>>) offsets(%dma_start3A_66 : memref<80xi32, #tpu.memory_space<vmem>>) semaphore(%arg14 : memref<!tpu.dma_semaphore, #tpu.memory_space<semaphore_mem>>)
    %scan3A_70 = arith.constant 0 : i32
    %scan3A_71 = arith.constant 0 : i32
    %scan3A_72 = arith.constant 25 : i32
    %scan3A_73 = arith.addi %scan3A_71, %scan3A_72 : i32
    %scan3A_74 = arith.constant 1 : i32
    scf.for %scan3A_116 = %scan3A_71 to %scan3A_73 step %scan3A_74  : i32 {
      %mul3A_117 = arith.constant 5 : i32
      %mul3A_118 = arith.muli %scan3A_116, %mul3A_117 : i32
      %add3A_119 = arith.constant 0 : i32
      %add3A_120 = arith.addi %mul3A_118, %add3A_119 : i32
      %dma_wait3A_121 = arith.constant 0 : i32
      %dma_wait3A_122 = tpu.memref_slice %arg6[%add3A_120, %dma_wait3A_121] : memref<125x80xi32, #tpu.memory_space<vmem>> -> memref<1x80xi32, #tpu.memory_space<vmem>>
      %dma_wait3A_123 = tpu.memref_squeeze %dma_wait3A_122 : memref<1x80xi32, #tpu.memory_space<vmem>> -> memref<80xi32, #tpu.memory_space<vmem>>
      %dma_wait3A_124 = arith.constant 0 : i32
      %dma_wait3A_125 = arith.constant 0 : i32
      %dma_wait3A_126 = tpu.memref_slice %arg2[%dma_wait3A_124, %dma_wait3A_125] : memref<10000x48xf32, #tpu.memory_space<hbm>> -> memref<10000x48xf32, #tpu.memory_space<hbm>>
      tpu.wait_indirect_dma semaphore(%arg14 : memref<!tpu.dma_semaphore, #tpu.memory_space<semaphore_mem>>) src(%dma_wait3A_126 : memref<10000x48xf32, #tpu.memory_space<hbm>>) dst(%arg8 : memref<80x48xf32, #tpu.memory_space<vmem>>)
      %add3A_127 = arith.constant 0 : i32
      %add3A_128 = arith.addi %mul3A_118, %add3A_127 : i32
      %dma_start3A_129 = arith.constant 0 : i32
      %dma_start3A_130 = tpu.memref_slice %arg7[%add3A_128, %dma_start3A_129] : memref<125x80xi32, #tpu.memory_space<vmem>> -> memref<1x80xi32, #tpu.memory_space<vmem>>
      %dma_start3A_131 = tpu.memref_squeeze %dma_start3A_130 : memref<1x80xi32, #tpu.memory_space<vmem>> -> memref<80xi32, #tpu.memory_space<vmem>>
      %dma_start3A_132 = arith.constant 0 : i32
      %dma_start3A_133 = arith.constant 0 : i32
      %dma_start3A_134 = tpu.memref_slice %arg13[%dma_start3A_132, %dma_start3A_133] : memref<10000x48xf32, #tpu.memory_space<vmem_shared>> -> memref<10000x48xf32, #tpu.memory_space<vmem_shared>>
      tpu.enqueue_indirect_dma source(%arg8 : memref<80x48xf32, #tpu.memory_space<vmem>>) target(%dma_start3A_134 : memref<10000x48xf32, #tpu.memory_space<vmem_shared>>) offsets(%dma_start3A_131 : memref<80xi32, #tpu.memory_space<vmem>>) semaphore(%arg19 : memref<!tpu.dma_semaphore, #tpu.memory_space<semaphore_mem>>) {add = true}
      %add3A_135 = arith.constant 1 : i32
      %add3A_136 = arith.addi %mul3A_118, %add3A_135 : i32
      %dma_wait3A_137 = arith.constant 0 : i32
      %dma_wait3A_138 = tpu.memref_slice %arg6[%add3A_136, %dma_wait3A_137] : memref<125x80xi32, #tpu.memory_space<vmem>> -> memref<1x80xi32, #tpu.memory_space<vmem>>
      %dma_wait3A_139 = tpu.memref_squeeze %dma_wait3A_138 : memref<1x80xi32, #tpu.memory_space<vmem>> -> memref<80xi32, #tpu.memory_space<vmem>>
      %dma_wait3A_140 = arith.constant 0 : i32
      %dma_wait3A_141 = arith.constant 0 : i32
      %dma_wait3A_142 = tpu.memref_slice %arg2[%dma_wait3A_140, %dma_wait3A_141] : memref<10000x48xf32, #tpu.memory_space<hbm>> -> memref<10000x48xf32, #tpu.memory_space<hbm>>
      tpu.wait_indirect_dma semaphore(%arg15 : memref<!tpu.dma_semaphore, #tpu.memory_space<semaphore_mem>>) src(%dma_wait3A_142 : memref<10000x48xf32, #tpu.memory_space<hbm>>) dst(%arg9 : memref<80x48xf32, #tpu.memory_space<vmem>>)
      %add3A_143 = arith.constant 1 : i32
      %add3A_144 = arith.addi %mul3A_118, %add3A_143 : i32
      %dma_start3A_145 = arith.constant 0 : i32
      %dma_start3A_146 = tpu.memref_slice %arg7[%add3A_144, %dma_start3A_145] : memref<125x80xi32, #tpu.memory_space<vmem>> -> memref<1x80xi32, #tpu.memory_space<vmem>>
      %dma_start3A_147 = tpu.memref_squeeze %dma_start3A_146 : memref<1x80xi32, #tpu.memory_space<vmem>> -> memref<80xi32, #tpu.memory_space<vmem>>
      %dma_start3A_148 = arith.constant 0 : i32
      %dma_start3A_149 = arith.constant 0 : i32
      %dma_start3A_150 = tpu.memref_slice %arg13[%dma_start3A_148, %dma_start3A_149] : memref<10000x48xf32, #tpu.memory_space<vmem_shared>> -> memref<10000x48xf32, #tpu.memory_space<vmem_shared>>
      tpu.enqueue_indirect_dma source(%arg9 : memref<80x48xf32, #tpu.memory_space<vmem>>) target(%dma_start3A_150 : memref<10000x48xf32, #tpu.memory_space<vmem_shared>>) offsets(%dma_start3A_147 : memref<80xi32, #tpu.memory_space<vmem>>) semaphore(%arg20 : memref<!tpu.dma_semaphore, #tpu.memory_space<semaphore_mem>>) {add = true}
      %add3A_151 = arith.constant 2 : i32
      %add3A_152 = arith.addi %mul3A_118, %add3A_151 : i32
      %dma_wait3A_153 = arith.constant 0 : i32
      %dma_wait3A_154 = tpu.memref_slice %arg6[%add3A_152, %dma_wait3A_153] : memref<125x80xi32, #tpu.memory_space<vmem>> -> memref<1x80xi32, #tpu.memory_space<vmem>>
      %dma_wait3A_155 = tpu.memref_squeeze %dma_wait3A_154 : memref<1x80xi32, #tpu.memory_space<vmem>> -> memref<80xi32, #tpu.memory_space<vmem>>
      %dma_wait3A_156 = arith.constant 0 : i32
      %dma_wait3A_157 = arith.constant 0 : i32
      %dma_wait3A_158 = tpu.memref_slice %arg2[%dma_wait3A_156, %dma_wait3A_157] : memref<10000x48xf32, #tpu.memory_space<hbm>> -> memref<10000x48xf32, #tpu.memory_space<hbm>>
      tpu.wait_indirect_dma semaphore(%arg16 : memref<!tpu.dma_semaphore, #tpu.memory_space<semaphore_mem>>) src(%dma_wait3A_158 : memref<10000x48xf32, #tpu.memory_space<hbm>>) dst(%arg10 : memref<80x48xf32, #tpu.memory_space<vmem>>)
      %add3A_159 = arith.constant 2 : i32
      %add3A_160 = arith.addi %mul3A_118, %add3A_159 : i32
      %dma_start3A_161 = arith.constant 0 : i32
      %dma_start3A_162 = tpu.memref_slice %arg7[%add3A_160, %dma_start3A_161] : memref<125x80xi32, #tpu.memory_space<vmem>> -> memref<1x80xi32, #tpu.memory_space<vmem>>
      %dma_start3A_163 = tpu.memref_squeeze %dma_start3A_162 : memref<1x80xi32, #tpu.memory_space<vmem>> -> memref<80xi32, #tpu.memory_space<vmem>>
      %dma_start3A_164 = arith.constant 0 : i32
      %dma_start3A_165 = arith.constant 0 : i32
      %dma_start3A_166 = tpu.memref_slice %arg13[%dma_start3A_164, %dma_start3A_165] : memref<10000x48xf32, #tpu.memory_space<vmem_shared>> -> memref<10000x48xf32, #tpu.memory_space<vmem_shared>>
      tpu.enqueue_indirect_dma source(%arg10 : memref<80x48xf32, #tpu.memory_space<vmem>>) target(%dma_start3A_166 : memref<10000x48xf32, #tpu.memory_space<vmem_shared>>) offsets(%dma_start3A_163 : memref<80xi32, #tpu.memory_space<vmem>>) semaphore(%arg21 : memref<!tpu.dma_semaphore, #tpu.memory_space<semaphore_mem>>) {add = true}
      %add3A_167 = arith.constant 3 : i32
      %add3A_168 = arith.addi %mul3A_118, %add3A_167 : i32
      %dma_wait3A_169 = arith.constant 0 : i32
      %dma_wait3A_170 = tpu.memref_slice %arg6[%add3A_168, %dma_wait3A_169] : memref<125x80xi32, #tpu.memory_space<vmem>> -> memref<1x80xi32, #tpu.memory_space<vmem>>
      %dma_wait3A_171 = tpu.memref_squeeze %dma_wait3A_170 : memref<1x80xi32, #tpu.memory_space<vmem>> -> memref<80xi32, #tpu.memory_space<vmem>>
      %dma_wait3A_172 = arith.constant 0 : i32
      %dma_wait3A_173 = arith.constant 0 : i32
      %dma_wait3A_174 = tpu.memref_slice %arg2[%dma_wait3A_172, %dma_wait3A_173] : memref<10000x48xf32, #tpu.memory_space<hbm>> -> memref<10000x48xf32, #tpu.memory_space<hbm>>
      tpu.wait_indirect_dma semaphore(%arg17 : memref<!tpu.dma_semaphore, #tpu.memory_space<semaphore_mem>>) src(%dma_wait3A_174 : memref<10000x48xf32, #tpu.memory_space<hbm>>) dst(%arg11 : memref<80x48xf32, #tpu.memory_space<vmem>>)
      %add3A_175 = arith.constant 3 : i32
      %add3A_176 = arith.addi %mul3A_118, %add3A_175 : i32
      %dma_start3A_177 = arith.constant 0 : i32
      %dma_start3A_178 = tpu.memref_slice %arg7[%add3A_176, %dma_start3A_177] : memref<125x80xi32, #tpu.memory_space<vmem>> -> memref<1x80xi32, #tpu.memory_space<vmem>>
      %dma_start3A_179 = tpu.memref_squeeze %dma_start3A_178 : memref<1x80xi32, #tpu.memory_space<vmem>> -> memref<80xi32, #tpu.memory_space<vmem>>
      %dma_start3A_180 = arith.constant 0 : i32
      %dma_start3A_181 = arith.constant 0 : i32
      %dma_start3A_182 = tpu.memref_slice %arg13[%dma_start3A_180, %dma_start3A_181] : memref<10000x48xf32, #tpu.memory_space<vmem_shared>> -> memref<10000x48xf32, #tpu.memory_space<vmem_shared>>
      tpu.enqueue_indirect_dma source(%arg11 : memref<80x48xf32, #tpu.memory_space<vmem>>) target(%dma_start3A_182 : memref<10000x48xf32, #tpu.memory_space<vmem_shared>>) offsets(%dma_start3A_179 : memref<80xi32, #tpu.memory_space<vmem>>) semaphore(%arg22 : memref<!tpu.dma_semaphore, #tpu.memory_space<semaphore_mem>>) {add = true}
      %add3A_183 = arith.constant 4 : i32
      %add3A_184 = arith.addi %mul3A_118, %add3A_183 : i32
      %dma_wait3A_185 = arith.constant 0 : i32
      %dma_wait3A_186 = tpu.memref_slice %arg6[%add3A_184, %dma_wait3A_185] : memref<125x80xi32, #tpu.memory_space<vmem>> -> memref<1x80xi32, #tpu.memory_space<vmem>>
      %dma_wait3A_187 = tpu.memref_squeeze %dma_wait3A_186 : memref<1x80xi32, #tpu.memory_space<vmem>> -> memref<80xi32, #tpu.memory_space<vmem>>
      %dma_wait3A_188 = arith.constant 0 : i32
      %dma_wait3A_189 = arith.constant 0 : i32
      %dma_wait3A_190 = tpu.memref_slice %arg2[%dma_wait3A_188, %dma_wait3A_189] : memref<10000x48xf32, #tpu.memory_space<hbm>> -> memref<10000x48xf32, #tpu.memory_space<hbm>>
      tpu.wait_indirect_dma semaphore(%arg18 : memref<!tpu.dma_semaphore, #tpu.memory_space<semaphore_mem>>) src(%dma_wait3A_190 : memref<10000x48xf32, #tpu.memory_space<hbm>>) dst(%arg12 : memref<80x48xf32, #tpu.memory_space<vmem>>)
      %add3A_191 = arith.constant 4 : i32
      %add3A_192 = arith.addi %mul3A_118, %add3A_191 : i32
      %dma_start3A_193 = arith.constant 0 : i32
      %dma_start3A_194 = tpu.memref_slice %arg7[%add3A_192, %dma_start3A_193] : memref<125x80xi32, #tpu.memory_space<vmem>> -> memref<1x80xi32, #tpu.memory_space<vmem>>
      %dma_start3A_195 = tpu.memref_squeeze %dma_start3A_194 : memref<1x80xi32, #tpu.memory_space<vmem>> -> memref<80xi32, #tpu.memory_space<vmem>>
      %dma_start3A_196 = arith.constant 0 : i32
      %dma_start3A_197 = arith.constant 0 : i32
      %dma_start3A_198 = tpu.memref_slice %arg13[%dma_start3A_196, %dma_start3A_197] : memref<10000x48xf32, #tpu.memory_space<vmem_shared>> -> memref<10000x48xf32, #tpu.memory_space<vmem_shared>>
      tpu.enqueue_indirect_dma source(%arg12 : memref<80x48xf32, #tpu.memory_space<vmem>>) target(%dma_start3A_198 : memref<10000x48xf32, #tpu.memory_space<vmem_shared>>) offsets(%dma_start3A_195 : memref<80xi32, #tpu.memory_space<vmem>>) semaphore(%arg23 : memref<!tpu.dma_semaphore, #tpu.memory_space<semaphore_mem>>) {add = true}
      %lt3A = arith.constant 24 : i32
      %lt3A_199 = arith.cmpi slt, %scan3A_116, %lt3A : i32
      %convert_element_type3A_200 = arith.extui %lt3A_199 : i1 to i32
      %cond3A_201 = arith.constant 0 : i32
      %cond3A_202 = arith.cmpi ne, %convert_element_type3A_200, %cond3A_201 : i32
      scf.if %cond3A_202 {
        %add3A_203 = arith.constant 0 : i32
        %add3A_204 = arith.addi %mul3A_118, %add3A_203 : i32
        %dma_wait3A_205 = arith.constant 0 : i32
        %dma_wait3A_206 = tpu.memref_slice %arg7[%add3A_204, %dma_wait3A_205] : memref<125x80xi32, #tpu.memory_space<vmem>> -> memref<1x80xi32, #tpu.memory_space<vmem>>
        %dma_wait3A_207 = tpu.memref_squeeze %dma_wait3A_206 : memref<1x80xi32, #tpu.memory_space<vmem>> -> memref<80xi32, #tpu.memory_space<vmem>>
        %dma_wait3A_208 = arith.constant 0 : i32
        %dma_wait3A_209 = arith.constant 0 : i32
        %dma_wait3A_210 = tpu.memref_slice %arg13[%dma_wait3A_208, %dma_wait3A_209] : memref<10000x48xf32, #tpu.memory_space<vmem_shared>> -> memref<10000x48xf32, #tpu.memory_space<vmem_shared>>
        tpu.wait_indirect_dma semaphore(%arg19 : memref<!tpu.dma_semaphore, #tpu.memory_space<semaphore_mem>>) src(%arg8 : memref<80x48xf32, #tpu.memory_space<vmem>>) dst(%dma_wait3A_210 : memref<10000x48xf32, #tpu.memory_space<vmem_shared>>)
        %add3A_211 = arith.constant 5 : i32
        %add3A_212 = arith.addi %mul3A_118, %add3A_211 : i32
        %add3A_213 = arith.constant 0 : i32
        %add3A_214 = arith.addi %add3A_212, %add3A_213 : i32
        %dma_start3A_215 = arith.constant 0 : i32
        %dma_start3A_216 = tpu.memref_slice %arg6[%add3A_214, %dma_start3A_215] : memref<125x80xi32, #tpu.memory_space<vmem>> -> memref<1x80xi32, #tpu.memory_space<vmem>>
        %dma_start3A_217 = tpu.memref_squeeze %dma_start3A_216 : memref<1x80xi32, #tpu.memory_space<vmem>> -> memref<80xi32, #tpu.memory_space<vmem>>
        %dma_start3A_218 = arith.constant 0 : i32
        %dma_start3A_219 = arith.constant 0 : i32
        %dma_start3A_220 = tpu.memref_slice %arg2[%dma_start3A_218, %dma_start3A_219] : memref<10000x48xf32, #tpu.memory_space<hbm>> -> memref<10000x48xf32, #tpu.memory_space<hbm>>
        tpu.enqueue_indirect_dma source(%dma_start3A_220 : memref<10000x48xf32, #tpu.memory_space<hbm>>) target(%arg8 : memref<80x48xf32, #tpu.memory_space<vmem>>) offsets(%dma_start3A_217 : memref<80xi32, #tpu.memory_space<vmem>>) semaphore(%arg14 : memref<!tpu.dma_semaphore, #tpu.memory_space<semaphore_mem>>)
        %add3A_221 = arith.constant 1 : i32
        %add3A_222 = arith.addi %mul3A_118, %add3A_221 : i32
        %dma_wait3A_223 = arith.constant 0 : i32
        %dma_wait3A_224 = tpu.memref_slice %arg7[%add3A_222, %dma_wait3A_223] : memref<125x80xi32, #tpu.memory_space<vmem>> -> memref<1x80xi32, #tpu.memory_space<vmem>>
        %dma_wait3A_225 = tpu.memref_squeeze %dma_wait3A_224 : memref<1x80xi32, #tpu.memory_space<vmem>> -> memref<80xi32, #tpu.memory_space<vmem>>
        %dma_wait3A_226 = arith.constant 0 : i32
        %dma_wait3A_227 = arith.constant 0 : i32
        %dma_wait3A_228 = tpu.memref_slice %arg13[%dma_wait3A_226, %dma_wait3A_227] : memref<10000x48xf32, #tpu.memory_space<vmem_shared>> -> memref<10000x48xf32, #tpu.memory_space<vmem_shared>>
        tpu.wait_indirect_dma semaphore(%arg20 : memref<!tpu.dma_semaphore, #tpu.memory_space<semaphore_mem>>) src(%arg9 : memref<80x48xf32, #tpu.memory_space<vmem>>) dst(%dma_wait3A_228 : memref<10000x48xf32, #tpu.memory_space<vmem_shared>>)
        %add3A_229 = arith.constant 5 : i32
        %add3A_230 = arith.addi %mul3A_118, %add3A_229 : i32
        %add3A_231 = arith.constant 1 : i32
        %add3A_232 = arith.addi %add3A_230, %add3A_231 : i32
        %dma_start3A_233 = arith.constant 0 : i32
        %dma_start3A_234 = tpu.memref_slice %arg6[%add3A_232, %dma_start3A_233] : memref<125x80xi32, #tpu.memory_space<vmem>> -> memref<1x80xi32, #tpu.memory_space<vmem>>
        %dma_start3A_235 = tpu.memref_squeeze %dma_start3A_234 : memref<1x80xi32, #tpu.memory_space<vmem>> -> memref<80xi32, #tpu.memory_space<vmem>>
        %dma_start3A_236 = arith.constant 0 : i32
        %dma_start3A_237 = arith.constant 0 : i32
        %dma_start3A_238 = tpu.memref_slice %arg2[%dma_start3A_236, %dma_start3A_237] : memref<10000x48xf32, #tpu.memory_space<hbm>> -> memref<10000x48xf32, #tpu.memory_space<hbm>>
        tpu.enqueue_indirect_dma source(%dma_start3A_238 : memref<10000x48xf32, #tpu.memory_space<hbm>>) target(%arg9 : memref<80x48xf32, #tpu.memory_space<vmem>>) offsets(%dma_start3A_235 : memref<80xi32, #tpu.memory_space<vmem>>) semaphore(%arg15 : memref<!tpu.dma_semaphore, #tpu.memory_space<semaphore_mem>>)
        %add3A_239 = arith.constant 2 : i32
        %add3A_240 = arith.addi %mul3A_118, %add3A_239 : i32
        %dma_wait3A_241 = arith.constant 0 : i32
        %dma_wait3A_242 = tpu.memref_slice %arg7[%add3A_240, %dma_wait3A_241] : memref<125x80xi32, #tpu.memory_space<vmem>> -> memref<1x80xi32, #tpu.memory_space<vmem>>
        %dma_wait3A_243 = tpu.memref_squeeze %dma_wait3A_242 : memref<1x80xi32, #tpu.memory_space<vmem>> -> memref<80xi32, #tpu.memory_space<vmem>>
        %dma_wait3A_244 = arith.constant 0 : i32
        %dma_wait3A_245 = arith.constant 0 : i32
        %dma_wait3A_246 = tpu.memref_slice %arg13[%dma_wait3A_244, %dma_wait3A_245] : memref<10000x48xf32, #tpu.memory_space<vmem_shared>> -> memref<10000x48xf32, #tpu.memory_space<vmem_shared>>
        tpu.wait_indirect_dma semaphore(%arg21 : memref<!tpu.dma_semaphore, #tpu.memory_space<semaphore_mem>>) src(%arg10 : memref<80x48xf32, #tpu.memory_space<vmem>>) dst(%dma_wait3A_246 : memref<10000x48xf32, #tpu.memory_space<vmem_shared>>)
        %add3A_247 = arith.constant 5 : i32
        %add3A_248 = arith.addi %mul3A_118, %add3A_247 : i32
        %add3A_249 = arith.constant 2 : i32
        %add3A_250 = arith.addi %add3A_248, %add3A_249 : i32
        %dma_start3A_251 = arith.constant 0 : i32
        %dma_start3A_252 = tpu.memref_slice %arg6[%add3A_250, %dma_start3A_251] : memref<125x80xi32, #tpu.memory_space<vmem>> -> memref<1x80xi32, #tpu.memory_space<vmem>>
        %dma_start3A_253 = tpu.memref_squeeze %dma_start3A_252 : memref<1x80xi32, #tpu.memory_space<vmem>> -> memref<80xi32, #tpu.memory_space<vmem>>
        %dma_start3A_254 = arith.constant 0 : i32
        %dma_start3A_255 = arith.constant 0 : i32
        %dma_start3A_256 = tpu.memref_slice %arg2[%dma_start3A_254, %dma_start3A_255] : memref<10000x48xf32, #tpu.memory_space<hbm>> -> memref<10000x48xf32, #tpu.memory_space<hbm>>
        tpu.enqueue_indirect_dma source(%dma_start3A_256 : memref<10000x48xf32, #tpu.memory_space<hbm>>) target(%arg10 : memref<80x48xf32, #tpu.memory_space<vmem>>) offsets(%dma_start3A_253 : memref<80xi32, #tpu.memory_space<vmem>>) semaphore(%arg16 : memref<!tpu.dma_semaphore, #tpu.memory_space<semaphore_mem>>)
        %add3A_257 = arith.constant 3 : i32
        %add3A_258 = arith.addi %mul3A_118, %add3A_257 : i32
        %dma_wait3A_259 = arith.constant 0 : i32
        %dma_wait3A_260 = tpu.memref_slice %arg7[%add3A_258, %dma_wait3A_259] : memref<125x80xi32, #tpu.memory_space<vmem>> -> memref<1x80xi32, #tpu.memory_space<vmem>>
        %dma_wait3A_261 = tpu.memref_squeeze %dma_wait3A_260 : memref<1x80xi32, #tpu.memory_space<vmem>> -> memref<80xi32, #tpu.memory_space<vmem>>
        %dma_wait3A_262 = arith.constant 0 : i32
        %dma_wait3A_263 = arith.constant 0 : i32
        %dma_wait3A_264 = tpu.memref_slice %arg13[%dma_wait3A_262, %dma_wait3A_263] : memref<10000x48xf32, #tpu.memory_space<vmem_shared>> -> memref<10000x48xf32, #tpu.memory_space<vmem_shared>>
        tpu.wait_indirect_dma semaphore(%arg22 : memref<!tpu.dma_semaphore, #tpu.memory_space<semaphore_mem>>) src(%arg11 : memref<80x48xf32, #tpu.memory_space<vmem>>) dst(%dma_wait3A_264 : memref<10000x48xf32, #tpu.memory_space<vmem_shared>>)
        %add3A_265 = arith.constant 5 : i32
        %add3A_266 = arith.addi %mul3A_118, %add3A_265 : i32
        %add3A_267 = arith.constant 3 : i32
        %add3A_268 = arith.addi %add3A_266, %add3A_267 : i32
        %dma_start3A_269 = arith.constant 0 : i32
        %dma_start3A_270 = tpu.memref_slice %arg6[%add3A_268, %dma_start3A_269] : memref<125x80xi32, #tpu.memory_space<vmem>> -> memref<1x80xi32, #tpu.memory_space<vmem>>
        %dma_start3A_271 = tpu.memref_squeeze %dma_start3A_270 : memref<1x80xi32, #tpu.memory_space<vmem>> -> memref<80xi32, #tpu.memory_space<vmem>>
        %dma_start3A_272 = arith.constant 0 : i32
        %dma_start3A_273 = arith.constant 0 : i32
        %dma_start3A_274 = tpu.memref_slice %arg2[%dma_start3A_272, %dma_start3A_273] : memref<10000x48xf32, #tpu.memory_space<hbm>> -> memref<10000x48xf32, #tpu.memory_space<hbm>>
        tpu.enqueue_indirect_dma source(%dma_start3A_274 : memref<10000x48xf32, #tpu.memory_space<hbm>>) target(%arg11 : memref<80x48xf32, #tpu.memory_space<vmem>>) offsets(%dma_start3A_271 : memref<80xi32, #tpu.memory_space<vmem>>) semaphore(%arg17 : memref<!tpu.dma_semaphore, #tpu.memory_space<semaphore_mem>>)
        %add3A_275 = arith.constant 4 : i32
        %add3A_276 = arith.addi %mul3A_118, %add3A_275 : i32
        %dma_wait3A_277 = arith.constant 0 : i32
        %dma_wait3A_278 = tpu.memref_slice %arg7[%add3A_276, %dma_wait3A_277] : memref<125x80xi32, #tpu.memory_space<vmem>> -> memref<1x80xi32, #tpu.memory_space<vmem>>
        %dma_wait3A_279 = tpu.memref_squeeze %dma_wait3A_278 : memref<1x80xi32, #tpu.memory_space<vmem>> -> memref<80xi32, #tpu.memory_space<vmem>>
        %dma_wait3A_280 = arith.constant 0 : i32
        %dma_wait3A_281 = arith.constant 0 : i32
        %dma_wait3A_282 = tpu.memref_slice %arg13[%dma_wait3A_280, %dma_wait3A_281] : memref<10000x48xf32, #tpu.memory_space<vmem_shared>> -> memref<10000x48xf32, #tpu.memory_space<vmem_shared>>
        tpu.wait_indirect_dma semaphore(%arg23 : memref<!tpu.dma_semaphore, #tpu.memory_space<semaphore_mem>>) src(%arg12 : memref<80x48xf32, #tpu.memory_space<vmem>>) dst(%dma_wait3A_282 : memref<10000x48xf32, #tpu.memory_space<vmem_shared>>)
        %add3A_283 = arith.constant 5 : i32
        %add3A_284 = arith.addi %mul3A_118, %add3A_283 : i32
        %add3A_285 = arith.constant 4 : i32
        %add3A_286 = arith.addi %add3A_284, %add3A_285 : i32
        %dma_start3A_287 = arith.constant 0 : i32
        %dma_start3A_288 = tpu.memref_slice %arg6[%add3A_286, %dma_start3A_287] : memref<125x80xi32, #tpu.memory_space<vmem>> -> memref<1x80xi32, #tpu.memory_space<vmem>>
        %dma_start3A_289 = tpu.memref_squeeze %dma_start3A_288 : memref<1x80xi32, #tpu.memory_space<vmem>> -> memref<80xi32, #tpu.memory_space<vmem>>
        %dma_start3A_290 = arith.constant 0 : i32
        %dma_start3A_291 = arith.constant 0 : i32
        %dma_start3A_292 = tpu.memref_slice %arg2[%dma_start3A_290, %dma_start3A_291] : memref<10000x48xf32, #tpu.memory_space<hbm>> -> memref<10000x48xf32, #tpu.memory_space<hbm>>
        tpu.enqueue_indirect_dma source(%dma_start3A_292 : memref<10000x48xf32, #tpu.memory_space<hbm>>) target(%arg12 : memref<80x48xf32, #tpu.memory_space<vmem>>) offsets(%dma_start3A_289 : memref<80xi32, #tpu.memory_space<vmem>>) semaphore(%arg18 : memref<!tpu.dma_semaphore, #tpu.memory_space<semaphore_mem>>)
      } else {
      }
    }
    %scan3A_75 = arith.constant 25 : i32
    %dma_wait3A_76 = arith.constant 120 : i32
    %dma_wait3A_77 = arith.constant 0 : i32
    %dma_wait3A_78 = tpu.memref_slice %arg7[%dma_wait3A_76, %dma_wait3A_77] : memref<125x80xi32, #tpu.memory_space<vmem>> -> memref<1x80xi32, #tpu.memory_space<vmem>>
    %dma_wait3A_79 = tpu.memref_squeeze %dma_wait3A_78 : memref<1x80xi32, #tpu.memory_space<vmem>> -> memref<80xi32, #tpu.memory_space<vmem>>
    %dma_wait3A_80 = arith.constant 0 : i32
    %dma_wait3A_81 = arith.constant 0 : i32
    %dma_wait3A_82 = tpu.memref_slice %arg13[%dma_wait3A_80, %dma_wait3A_81] : memref<10000x48xf32, #tpu.memory_space<vmem_shared>> -> memref<10000x48xf32, #tpu.memory_space<vmem_shared>>
    tpu.wait_indirect_dma semaphore(%arg19 : memref<!tpu.dma_semaphore, #tpu.memory_space<semaphore_mem>>) src(%arg8 : memref<80x48xf32, #tpu.memory_space<vmem>>) dst(%dma_wait3A_82 : memref<10000x48xf32, #tpu.memory_space<vmem_shared>>)
    %dma_wait3A_83 = arith.constant 121 : i32
    %dma_wait3A_84 = arith.constant 0 : i32
    %dma_wait3A_85 = tpu.memref_slice %arg7[%dma_wait3A_83, %dma_wait3A_84] : memref<125x80xi32, #tpu.memory_space<vmem>> -> memref<1x80xi32, #tpu.memory_space<vmem>>
    %dma_wait3A_86 = tpu.memref_squeeze %dma_wait3A_85 : memref<1x80xi32, #tpu.memory_space<vmem>> -> memref<80xi32, #tpu.memory_space<vmem>>
    %dma_wait3A_87 = arith.constant 0 : i32
    %dma_wait3A_88 = arith.constant 0 : i32
    %dma_wait3A_89 = tpu.memref_slice %arg13[%dma_wait3A_87, %dma_wait3A_88] : memref<10000x48xf32, #tpu.memory_space<vmem_shared>> -> memref<10000x48xf32, #tpu.memory_space<vmem_shared>>
    tpu.wait_indirect_dma semaphore(%arg20 : memref<!tpu.dma_semaphore, #tpu.memory_space<semaphore_mem>>) src(%arg9 : memref<80x48xf32, #tpu.memory_space<vmem>>) dst(%dma_wait3A_89 : memref<10000x48xf32, #tpu.memory_space<vmem_shared>>)
    %dma_wait3A_90 = arith.constant 122 : i32
    %dma_wait3A_91 = arith.constant 0 : i32
    %dma_wait3A_92 = tpu.memref_slice %arg7[%dma_wait3A_90, %dma_wait3A_91] : memref<125x80xi32, #tpu.memory_space<vmem>> -> memref<1x80xi32, #tpu.memory_space<vmem>>
    %dma_wait3A_93 = tpu.memref_squeeze %dma_wait3A_92 : memref<1x80xi32, #tpu.memory_space<vmem>> -> memref<80xi32, #tpu.memory_space<vmem>>
    %dma_wait3A_94 = arith.constant 0 : i32
    %dma_wait3A_95 = arith.constant 0 : i32
    %dma_wait3A_96 = tpu.memref_slice %arg13[%dma_wait3A_94, %dma_wait3A_95] : memref<10000x48xf32, #tpu.memory_space<vmem_shared>> -> memref<10000x48xf32, #tpu.memory_space<vmem_shared>>
    tpu.wait_indirect_dma semaphore(%arg21 : memref<!tpu.dma_semaphore, #tpu.memory_space<semaphore_mem>>) src(%arg10 : memref<80x48xf32, #tpu.memory_space<vmem>>) dst(%dma_wait3A_96 : memref<10000x48xf32, #tpu.memory_space<vmem_shared>>)
    %dma_wait3A_97 = arith.constant 123 : i32
    %dma_wait3A_98 = arith.constant 0 : i32
    %dma_wait3A_99 = tpu.memref_slice %arg7[%dma_wait3A_97, %dma_wait3A_98] : memref<125x80xi32, #tpu.memory_space<vmem>> -> memref<1x80xi32, #tpu.memory_space<vmem>>
    %dma_wait3A_100 = tpu.memref_squeeze %dma_wait3A_99 : memref<1x80xi32, #tpu.memory_space<vmem>> -> memref<80xi32, #tpu.memory_space<vmem>>
    %dma_wait3A_101 = arith.constant 0 : i32
    %dma_wait3A_102 = arith.constant 0 : i32
    %dma_wait3A_103 = tpu.memref_slice %arg13[%dma_wait3A_101, %dma_wait3A_102] : memref<10000x48xf32, #tpu.memory_space<vmem_shared>> -> memref<10000x48xf32, #tpu.memory_space<vmem_shared>>
    tpu.wait_indirect_dma semaphore(%arg22 : memref<!tpu.dma_semaphore, #tpu.memory_space<semaphore_mem>>) src(%arg11 : memref<80x48xf32, #tpu.memory_space<vmem>>) dst(%dma_wait3A_103 : memref<10000x48xf32, #tpu.memory_space<vmem_shared>>)
    %dma_wait3A_104 = arith.constant 124 : i32
    %dma_wait3A_105 = arith.constant 0 : i32
    %dma_wait3A_106 = tpu.memref_slice %arg7[%dma_wait3A_104, %dma_wait3A_105] : memref<125x80xi32, #tpu.memory_space<vmem>> -> memref<1x80xi32, #tpu.memory_space<vmem>>
    %dma_wait3A_107 = tpu.memref_squeeze %dma_wait3A_106 : memref<1x80xi32, #tpu.memory_space<vmem>> -> memref<80xi32, #tpu.memory_space<vmem>>
    %dma_wait3A_108 = arith.constant 0 : i32
    %dma_wait3A_109 = arith.constant 0 : i32
    %dma_wait3A_110 = tpu.memref_slice %arg13[%dma_wait3A_108, %dma_wait3A_109] : memref<10000x48xf32, #tpu.memory_space<vmem_shared>> -> memref<10000x48xf32, #tpu.memory_space<vmem_shared>>
    tpu.wait_indirect_dma semaphore(%arg23 : memref<!tpu.dma_semaphore, #tpu.memory_space<semaphore_mem>>) src(%arg12 : memref<80x48xf32, #tpu.memory_space<vmem>>) dst(%dma_wait3A_110 : memref<10000x48xf32, #tpu.memory_space<vmem_shared>>)
    %barrier3A_111 = arith.constant 0 : index
    tpu.barrier barrier_id(%barrier3A_111)
    %mul3A_112 = arith.constant 625 : i32
    %mul3A_113 = arith.muli %arg1, %mul3A_112 : i32
    %mul3A_114 = arith.constant 625 : i32
    %mul3A_115 = arith.muli %arg1, %mul3A_114 : i32
    "tpu.region"() ({
      %run_scoped3A = tpu.sem_alloc : memref<!tpu.dma_semaphore, #tpu.memory_space<semaphore_mem>>
      %dma_start3A_116 = arith.constant 0 : i32
      %dma_start3A_117 = tpu.memref_slice %arg5[%arg0, %mul3A_115, %dma_start3A_116] : memref<2x10000x48xf32, #tpu.memory_space<hbm>> -> memref<1x625x48xf32, #tpu.memory_space<hbm>>
      %dma_start3A_118 = tpu.memref_squeeze %dma_start3A_117 : memref<1x625x48xf32, #tpu.memory_space<hbm>> -> memref<625x48xf32, #tpu.memory_space<hbm>>
      %dma_start3A_119 = arith.constant 0 : i32
      %dma_start3A_120 = tpu.memref_slice %arg13[%mul3A_113, %dma_start3A_119] : memref<10000x48xf32, #tpu.memory_space<vmem_shared>> -> memref<625x48xf32, #tpu.memory_space<vmem_shared>>
      tpu.enqueue_dma source(%dma_start3A_120 : memref<625x48xf32, #tpu.memory_space<vmem_shared>>) target(%dma_start3A_118 : memref<625x48xf32, #tpu.memory_space<hbm>>) target_semaphore(%run_scoped3A : memref<!tpu.dma_semaphore, #tpu.memory_space<semaphore_mem>>)
      %dma_wait3A_121 = arith.constant 0 : i32
      %dma_wait3A_122 = tpu.memref_slice %arg5[%arg0, %mul3A_115, %dma_wait3A_121] : memref<2x10000x48xf32, #tpu.memory_space<hbm>> -> memref<1x625x48xf32, #tpu.memory_space<hbm>>
      %dma_wait3A_123 = tpu.memref_squeeze %dma_wait3A_122 : memref<1x625x48xf32, #tpu.memory_space<hbm>> -> memref<625x48xf32, #tpu.memory_space<hbm>>
      %dma_wait3A_124 = arith.constant 0 : i32
      %dma_wait3A_125 = tpu.memref_slice %arg13[%mul3A_113, %dma_wait3A_124] : memref<10000x48xf32, #tpu.memory_space<vmem_shared>> -> memref<625x48xf32, #tpu.memory_space<vmem_shared>>
      tpu.wait_dma2 semaphore(%run_scoped3A : memref<!tpu.dma_semaphore, #tpu.memory_space<semaphore_mem>>) src(%dma_wait3A_125 : memref<625x48xf32, #tpu.memory_space<vmem_shared>>) dst(%dma_wait3A_123 : memref<625x48xf32, #tpu.memory_space<hbm>>)
      tpu.yield
    }) : () -> ()
    return
  }
}

#map = affine_map<(d0, d1) -> (0)>
#map1 = affine_map<(d0, d1) -> (0, 0)>
module attributes {stable_mosaic.version = 14 : i64} {
  func.func @deg_kernel(%arg0: i32, %arg1: i32, %arg2: memref<320000xi32, #tpu.memory_space<hbm>>, %arg3: memref<32x10000xf32, #tpu.memory_space<hbm>>, %arg4: memref<10000xi32, #tpu.memory_space<vmem>>, %arg5: memref<10000xf32, #tpu.memory_space<vmem>>) attributes {dimension_semantics = [#tpu.dimension_semantics<core_parallel>, #tpu.dimension_semantics<subcore_parallel>], iteration_bounds = array<i64: 2, 16>, scalar_prefetch = 0 : i64, scratch_operands = 2 : i64, tpu.core_type = #tpu.core_type<sc_vector_subcore>, window_params = [{transform_indices = #map}, {transform_indices = #map1}]} {
    %mul3A = arith.constant 2 : i32
    %mul3A_0 = arith.muli %arg1, %mul3A : i32
    %add3A = arith.addi %mul3A_0, %arg0 : i32
    %broadcast_in_dim3A = arith.constant 0.000000e+00 : f32
    %broadcast_in_dim3A_1 = vector.broadcast %broadcast_in_dim3A : f32 to vector<16xf32>
    %scan3A = arith.constant 0 : i32
    %scan3A_2 = arith.constant 0 : i32
    %scan3A_3 = arith.constant 625 : i32
    %scan3A_4 = arith.addi %scan3A_2, %scan3A_3 : i32
    %scan3A_5 = arith.constant 1 : i32
    scf.for %scan3A_17 = %scan3A_2 to %scan3A_4 step %scan3A_5  : i32 {
      %mul3A_18 = arith.constant 16 : i32
      %mul3A_19 = arith.muli %scan3A_17, %mul3A_18 : i32
      %swap3A = arith.index_cast %mul3A_19 : i32 to index
      %swap3A_20 = tpu.vector_load %arg5[%swap3A] {strides = array<i32>} : memref<10000xf32, #tpu.memory_space<vmem>>, vector<16xf32>,
      tpu.vector_store %arg5[%swap3A], %broadcast_in_dim3A_1 {strides = array<i32>} : memref<10000xf32, #tpu.memory_space<vmem>>, vector<16xf32>,
    }
    %scan3A_6 = arith.constant 625 : i32
    %mul3A_7 = arith.constant 10000 : i32
    %mul3A_8 = arith.muli %add3A, %mul3A_7 : i32
    "tpu.region"() ({
      %run_scoped3A = tpu.sem_alloc : memref<!tpu.dma_semaphore, #tpu.memory_space<semaphore_mem>>
      %dma_start3A = tpu.memref_slice %arg2[%mul3A_8] : memref<320000xi32, #tpu.memory_space<hbm>> -> memref<10000xi32, #tpu.memory_space<hbm>>
      %dma_start3A_17 = tpu.memref_slice %arg2[%mul3A_8] : memref<320000xi32, #tpu.memory_space<hbm>> -> memref<10000xi32, #tpu.memory_space<hbm>>
      tpu.enqueue_dma source(%dma_start3A_17 : memref<10000xi32, #tpu.memory_space<hbm>>) target(%arg4 : memref<10000xi32, #tpu.memory_space<vmem>>) target_semaphore(%run_scoped3A : memref<!tpu.dma_semaphore, #tpu.memory_space<semaphore_mem>>)
      %dma_wait3A = tpu.memref_slice %arg2[%mul3A_8] : memref<320000xi32, #tpu.memory_space<hbm>> -> memref<10000xi32, #tpu.memory_space<hbm>>
      %dma_wait3A_18 = tpu.memref_slice %arg2[%mul3A_8] : memref<320000xi32, #tpu.memory_space<hbm>> -> memref<10000xi32, #tpu.memory_space<hbm>>
      tpu.wait_dma2 semaphore(%run_scoped3A : memref<!tpu.dma_semaphore, #tpu.memory_space<semaphore_mem>>) src(%dma_wait3A_18 : memref<10000xi32, #tpu.memory_space<hbm>>) dst(%arg4 : memref<10000xi32, #tpu.memory_space<vmem>>)
      tpu.yield
    }) : () -> ()
    %broadcast_in_dim3A_9 = arith.constant 1.000000e+00 : f32
    %broadcast_in_dim3A_10 = vector.broadcast %broadcast_in_dim3A_9 : f32 to vector<16xf32>
    %scan3A_11 = arith.constant 0 : i32
    %scan3A_12 = arith.constant 0 : i32
    %scan3A_13 = arith.constant 625 : i32
    %scan3A_14 = arith.addi %scan3A_12, %scan3A_13 : i32
    %scan3A_15 = arith.constant 1 : i32
    scf.for %scan3A_17 = %scan3A_12 to %scan3A_14 step %scan3A_15  : i32 {
      %mul3A_18 = arith.constant 16 : i32
      %mul3A_19 = arith.muli %scan3A_17, %mul3A_18 : i32
      %get3A = arith.index_cast %mul3A_19 : i32 to index
      %get3A_20 = tpu.vector_load %arg4[%get3A] {strides = array<i32>} : memref<10000xi32, #tpu.memory_space<vmem>>, vector<16xi32>,
      tpu.vector_store_idx %arg5[%get3A_20], %broadcast_in_dim3A_10 {add = true} : memref<10000xf32, #tpu.memory_space<vmem>>[vector<16xi32>], vector<16xf32>,
    }
    %scan3A_16 = arith.constant 625 : i32
    "tpu.region"() ({
      %run_scoped3A = tpu.sem_alloc : memref<!tpu.dma_semaphore, #tpu.memory_space<semaphore_mem>>
      %dma_start3A = arith.constant 0 : i32
      %dma_start3A_17 = tpu.memref_slice %arg3[%add3A, %dma_start3A] : memref<32x10000xf32, #tpu.memory_space<hbm>> -> memref<1x10000xf32, #tpu.memory_space<hbm>>
      %dma_start3A_18 = tpu.memref_squeeze %dma_start3A_17 : memref<1x10000xf32, #tpu.memory_space<hbm>> -> memref<10000xf32, #tpu.memory_space<hbm>>
      %dma_start3A_19 = arith.constant 0 : i32
      %dma_start3A_20 = tpu.memref_slice %arg3[%add3A, %dma_start3A_19] : memref<32x10000xf32, #tpu.memory_space<hbm>> -> memref<1x10000xf32, #tpu.memory_space<hbm>>
      %dma_start3A_21 = tpu.memref_squeeze %dma_start3A_20 : memref<1x10000xf32, #tpu.memory_space<hbm>> -> memref<10000xf32, #tpu.memory_space<hbm>>
      tpu.enqueue_dma source(%arg5 : memref<10000xf32, #tpu.memory_space<vmem>>) target(%dma_start3A_21 : memref<10000xf32, #tpu.memory_space<hbm>>) target_semaphore(%run_scoped3A : memref<!tpu.dma_semaphore, #tpu.memory_space<semaphore_mem>>)
      %dma_wait3A = arith.constant 0 : i32
      %dma_wait3A_22 = tpu.memref_slice %arg3[%add3A, %dma_wait3A] : memref<32x10000xf32, #tpu.memory_space<hbm>> -> memref<1x10000xf32, #tpu.memory_space<hbm>>
      %dma_wait3A_23 = tpu.memref_squeeze %dma_wait3A_22 : memref<1x10000xf32, #tpu.memory_space<hbm>> -> memref<10000xf32, #tpu.memory_space<hbm>>
      %dma_wait3A_24 = arith.constant 0 : i32
      %dma_wait3A_25 = tpu.memref_slice %arg3[%add3A, %dma_wait3A_24] : memref<32x10000xf32, #tpu.memory_space<hbm>> -> memref<1x10000xf32, #tpu.memory_space<hbm>>
      %dma_wait3A_26 = tpu.memref_squeeze %dma_wait3A_25 : memref<1x10000xf32, #tpu.memory_space<hbm>> -> memref<10000xf32, #tpu.memory_space<hbm>>
      tpu.wait_dma2 semaphore(%run_scoped3A : memref<!tpu.dma_semaphore, #tpu.memory_space<semaphore_mem>>) src(%arg5 : memref<10000xf32, #tpu.memory_space<vmem>>) dst(%dma_wait3A_26 : memref<10000xf32, #tpu.memory_space<hbm>>)
      tpu.yield
    }) : () -> ()
    return
  }
}

#map = affine_map<(d0, d1) -> (0, 0)>
#map1 = affine_map<(d0, d1) -> (0, 0, 0)>
module attributes {stable_mosaic.version = 14 : i64} {
  func.func @scatter_kernel(%arg0: i32, %arg1: i32, %arg2: memref<10000x128xf32, #tpu.memory_space<hbm>>, %arg3: memref<8000x40xi32, #tpu.memory_space<hbm>>, %arg4: memref<8000x40xi32, #tpu.memory_space<hbm>>, %arg5: memref<2x10000x128xf32, #tpu.memory_space<hbm>>, %arg6: memref<250x40xi32, #tpu.memory_space<vmem>>, %arg7: memref<250x40xi32, #tpu.memory_space<vmem>>, %arg8: memref<40x128xf32, #tpu.memory_space<vmem>>, %arg9: memref<40x128xf32, #tpu.memory_space<vmem>>, %arg10: memref<40x128xf32, #tpu.memory_space<vmem>>, %arg11: memref<40x128xf32, #tpu.memory_space<vmem>>, %arg12: memref<40x128xf32, #tpu.memory_space<vmem>>, %arg13: memref<10000x128xf32, #tpu.memory_space<vmem_shared>>, %arg14: memref<!tpu.dma_semaphore, #tpu.memory_space<semaphore_mem>>, %arg15: memref<!tpu.dma_semaphore, #tpu.memory_space<semaphore_mem>>, %arg16: memref<!tpu.dma_semaphore, #tpu.memory_space<semaphore_mem>>, %arg17: memref<!tpu.dma_semaphore, #tpu.memory_space<semaphore_mem>>, %arg18: memref<!tpu.dma_semaphore, #tpu.memory_space<semaphore_mem>>, %arg19: memref<!tpu.dma_semaphore, #tpu.memory_space<semaphore_mem>>, %arg20: memref<!tpu.dma_semaphore, #tpu.memory_space<semaphore_mem>>, %arg21: memref<!tpu.dma_semaphore, #tpu.memory_space<semaphore_mem>>, %arg22: memref<!tpu.dma_semaphore, #tpu.memory_space<semaphore_mem>>, %arg23: memref<!tpu.dma_semaphore, #tpu.memory_space<semaphore_mem>>) attributes {dimension_semantics = [#tpu.dimension_semantics<core_parallel>, #tpu.dimension_semantics<subcore_parallel>], iteration_bounds = array<i64: 2, 16>, scalar_prefetch = 0 : i64, scratch_operands = 18 : i64, tpu.core_type = #tpu.core_type<sc_vector_subcore>, window_params = [{transform_indices = #map}, {transform_indices = #map}, {transform_indices = #map}, {transform_indices = #map1}]} {
    %mul3A = arith.constant 2 : i32
    %mul3A_0 = arith.muli %arg1, %mul3A : i32
    %add3A = arith.addi %mul3A_0, %arg0 : i32
    %mul3A_1 = arith.constant 250 : i32
    %mul3A_2 = arith.muli %add3A, %mul3A_1 : i32
    %dma_start3A = arith.constant 0 : i32
    %dma_start3A_3 = tpu.memref_slice %arg3[%mul3A_2, %dma_start3A] : memref<8000x40xi32, #tpu.memory_space<hbm>> -> memref<250x40xi32, #tpu.memory_space<hbm>>
    %dma_start3A_4 = arith.constant 0 : i32
    %dma_start3A_5 = tpu.memref_slice %arg3[%mul3A_2, %dma_start3A_4] : memref<8000x40xi32, #tpu.memory_space<hbm>> -> memref<250x40xi32, #tpu.memory_space<hbm>>
    tpu.enqueue_dma source(%dma_start3A_5 : memref<250x40xi32, #tpu.memory_space<hbm>>) target(%arg6 : memref<250x40xi32, #tpu.memory_space<vmem>>) target_semaphore(%arg14 : memref<!tpu.dma_semaphore, #tpu.memory_space<semaphore_mem>>)
    %mul3A_6 = arith.constant 250 : i32
    %mul3A_7 = arith.muli %add3A, %mul3A_6 : i32
    %dma_start3A_8 = arith.constant 0 : i32
    %dma_start3A_9 = tpu.memref_slice %arg4[%mul3A_7, %dma_start3A_8] : memref<8000x40xi32, #tpu.memory_space<hbm>> -> memref<250x40xi32, #tpu.memory_space<hbm>>
    %dma_start3A_10 = arith.constant 0 : i32
    %dma_start3A_11 = tpu.memref_slice %arg4[%mul3A_7, %dma_start3A_10] : memref<8000x40xi32, #tpu.memory_space<hbm>> -> memref<250x40xi32, #tpu.memory_space<hbm>>
    tpu.enqueue_dma source(%dma_start3A_11 : memref<250x40xi32, #tpu.memory_space<hbm>>) target(%arg7 : memref<250x40xi32, #tpu.memory_space<vmem>>) target_semaphore(%arg15 : memref<!tpu.dma_semaphore, #tpu.memory_space<semaphore_mem>>)
    %broadcast_in_dim3A = arith.constant 0.000000e+00 : f32
    %broadcast_in_dim3A_12 = vector.broadcast %broadcast_in_dim3A : f32 to vector<16xf32>
    %scan3A = arith.constant 0 : i32
    %scan3A_13 = arith.constant 0 : i32
    %scan3A_14 = arith.constant 25 : i32
    %scan3A_15 = arith.addi %scan3A_13, %scan3A_14 : i32
    %scan3A_16 = arith.constant 1 : i32
    scf.for %scan3A_116 = %scan3A_13 to %scan3A_15 step %scan3A_16  : i32 {
      %swap3A = arith.index_cast %scan3A_116 : i32 to index
      %swap3A_117 = arith.constant 0 : index
      %swap3A_118 = tpu.vector_load %arg8[%swap3A, %swap3A_117] {strides = array<i32>} : memref<40x128xf32, #tpu.memory_space<vmem>>, vector<1x16xf32>,
      %swap3A_119 = vector.shape_cast %swap3A_118 : vector<1x16xf32> to vector<16xf32>
      %swap3A_120 = vector.shape_cast %broadcast_in_dim3A_12 : vector<16xf32> to vector<1x16xf32>
      tpu.vector_store %arg8[%swap3A, %swap3A_117], %swap3A_120 {strides = array<i32>} : memref<40x128xf32, #tpu.memory_space<vmem>>, vector<1x16xf32>,
      %swap3A_121 = arith.index_cast %scan3A_116 : i32 to index
      %swap3A_122 = arith.constant 16 : index
      %swap3A_123 = tpu.vector_load %arg8[%swap3A_121, %swap3A_122] {strides = array<i32>} : memref<40x128xf32, #tpu.memory_space<vmem>>, vector<1x16xf32>,
      %swap3A_124 = vector.shape_cast %swap3A_123 : vector<1x16xf32> to vector<16xf32>
      %swap3A_125 = vector.shape_cast %broadcast_in_dim3A_12 : vector<16xf32> to vector<1x16xf32>
      tpu.vector_store %arg8[%swap3A_121, %swap3A_122], %swap3A_125 {strides = array<i32>} : memref<40x128xf32, #tpu.memory_space<vmem>>, vector<1x16xf32>,
      %swap3A_126 = arith.index_cast %scan3A_116 : i32 to index
      %swap3A_127 = arith.constant 32 : index
      %swap3A_128 = tpu.vector_load %arg8[%swap3A_126, %swap3A_127] {strides = array<i32>} : memref<40x128xf32, #tpu.memory_space<vmem>>, vector<1x16xf32>,
      %swap3A_129 = vector.shape_cast %swap3A_128 : vector<1x16xf32> to vector<16xf32>
      %swap3A_130 = vector.shape_cast %broadcast_in_dim3A_12 : vector<16xf32> to vector<1x16xf32>
      tpu.vector_store %arg8[%swap3A_126, %swap3A_127], %swap3A_130 {strides = array<i32>} : memref<40x128xf32, #tpu.memory_space<vmem>>, vector<1x16xf32>,
      %swap3A_131 = arith.index_cast %scan3A_116 : i32 to index
      %swap3A_132 = arith.constant 48 : index
      %swap3A_133 = tpu.vector_load %arg8[%swap3A_131, %swap3A_132] {strides = array<i32>} : memref<40x128xf32, #tpu.memory_space<vmem>>, vector<1x16xf32>,
      %swap3A_134 = vector.shape_cast %swap3A_133 : vector<1x16xf32> to vector<16xf32>
      %swap3A_135 = vector.shape_cast %broadcast_in_dim3A_12 : vector<16xf32> to vector<1x16xf32>
      tpu.vector_store %arg8[%swap3A_131, %swap3A_132], %swap3A_135 {strides = array<i32>} : memref<40x128xf32, #tpu.memory_space<vmem>>, vector<1x16xf32>,
      %swap3A_136 = arith.index_cast %scan3A_116 : i32 to index
      %swap3A_137 = arith.constant 64 : index
      %swap3A_138 = tpu.vector_load %arg8[%swap3A_136, %swap3A_137] {strides = array<i32>} : memref<40x128xf32, #tpu.memory_space<vmem>>, vector<1x16xf32>,
      %swap3A_139 = vector.shape_cast %swap3A_138 : vector<1x16xf32> to vector<16xf32>
      %swap3A_140 = vector.shape_cast %broadcast_in_dim3A_12 : vector<16xf32> to vector<1x16xf32>
      tpu.vector_store %arg8[%swap3A_136, %swap3A_137], %swap3A_140 {strides = array<i32>} : memref<40x128xf32, #tpu.memory_space<vmem>>, vector<1x16xf32>,
      %swap3A_141 = arith.index_cast %scan3A_116 : i32 to index
      %swap3A_142 = arith.constant 80 : index
      %swap3A_143 = tpu.vector_load %arg8[%swap3A_141, %swap3A_142] {strides = array<i32>} : memref<40x128xf32, #tpu.memory_space<vmem>>, vector<1x16xf32>,
      %swap3A_144 = vector.shape_cast %swap3A_143 : vector<1x16xf32> to vector<16xf32>
      %swap3A_145 = vector.shape_cast %broadcast_in_dim3A_12 : vector<16xf32> to vector<1x16xf32>
      tpu.vector_store %arg8[%swap3A_141, %swap3A_142], %swap3A_145 {strides = array<i32>} : memref<40x128xf32, #tpu.memory_space<vmem>>, vector<1x16xf32>,
      %swap3A_146 = arith.index_cast %scan3A_116 : i32 to index
      %swap3A_147 = arith.constant 96 : index
      %swap3A_148 = tpu.vector_load %arg8[%swap3A_146, %swap3A_147] {strides = array<i32>} : memref<40x128xf32, #tpu.memory_space<vmem>>, vector<1x16xf32>,
      %swap3A_149 = vector.shape_cast %swap3A_148 : vector<1x16xf32> to vector<16xf32>
      %swap3A_150 = vector.shape_cast %broadcast_in_dim3A_12 : vector<16xf32> to vector<1x16xf32>
      tpu.vector_store %arg8[%swap3A_146, %swap3A_147], %swap3A_150 {strides = array<i32>} : memref<40x128xf32, #tpu.memory_space<vmem>>, vector<1x16xf32>,
      %swap3A_151 = arith.index_cast %scan3A_116 : i32 to index
      %swap3A_152 = arith.constant 112 : index
      %swap3A_153 = tpu.vector_load %arg8[%swap3A_151, %swap3A_152] {strides = array<i32>} : memref<40x128xf32, #tpu.memory_space<vmem>>, vector<1x16xf32>,
      %swap3A_154 = vector.shape_cast %swap3A_153 : vector<1x16xf32> to vector<16xf32>
      %swap3A_155 = vector.shape_cast %broadcast_in_dim3A_12 : vector<16xf32> to vector<1x16xf32>
      tpu.vector_store %arg8[%swap3A_151, %swap3A_152], %swap3A_155 {strides = array<i32>} : memref<40x128xf32, #tpu.memory_space<vmem>>, vector<1x16xf32>,
    }
    %scan3A_17 = arith.constant 25 : i32
    %mul3A_18 = arith.constant 250 : i32
    %mul3A_19 = arith.muli %add3A, %mul3A_18 : i32
    %dma_wait3A = arith.constant 0 : i32
    %dma_wait3A_20 = tpu.memref_slice %arg3[%mul3A_19, %dma_wait3A] : memref<8000x40xi32, #tpu.memory_space<hbm>> -> memref<250x40xi32, #tpu.memory_space<hbm>>
    %dma_wait3A_21 = arith.constant 0 : i32
    %dma_wait3A_22 = tpu.memref_slice %arg3[%mul3A_19, %dma_wait3A_21] : memref<8000x40xi32, #tpu.memory_space<hbm>> -> memref<250x40xi32, #tpu.memory_space<hbm>>
    tpu.wait_dma2 semaphore(%arg14 : memref<!tpu.dma_semaphore, #tpu.memory_space<semaphore_mem>>) src(%dma_wait3A_22 : memref<250x40xi32, #tpu.memory_space<hbm>>) dst(%arg6 : memref<250x40xi32, #tpu.memory_space<vmem>>)
    %mul3A_23 = arith.constant 250 : i32
    %mul3A_24 = arith.muli %add3A, %mul3A_23 : i32
    %dma_wait3A_25 = arith.constant 0 : i32
    %dma_wait3A_26 = tpu.memref_slice %arg4[%mul3A_24, %dma_wait3A_25] : memref<8000x40xi32, #tpu.memory_space<hbm>> -> memref<250x40xi32, #tpu.memory_space<hbm>>
    %dma_wait3A_27 = arith.constant 0 : i32
    %dma_wait3A_28 = tpu.memref_slice %arg4[%mul3A_24, %dma_wait3A_27] : memref<8000x40xi32, #tpu.memory_space<hbm>> -> memref<250x40xi32, #tpu.memory_space<hbm>>
    tpu.wait_dma2 semaphore(%arg15 : memref<!tpu.dma_semaphore, #tpu.memory_space<semaphore_mem>>) src(%dma_wait3A_28 : memref<250x40xi32, #tpu.memory_space<hbm>>) dst(%arg7 : memref<250x40xi32, #tpu.memory_space<vmem>>)
    %dma_start3A_29 = arith.constant 1 : i32
    %dma_start3A_30 = arith.constant 0 : i32
    %dma_start3A_31 = tpu.memref_slice %arg6[%dma_start3A_29, %dma_start3A_30] : memref<250x40xi32, #tpu.memory_space<vmem>> -> memref<1x40xi32, #tpu.memory_space<vmem>>
    %dma_start3A_32 = tpu.memref_squeeze %dma_start3A_31 : memref<1x40xi32, #tpu.memory_space<vmem>> -> memref<40xi32, #tpu.memory_space<vmem>>
    %dma_start3A_33 = arith.constant 0 : i32
    %dma_start3A_34 = arith.constant 0 : i32
    %dma_start3A_35 = tpu.memref_slice %arg2[%dma_start3A_33, %dma_start3A_34] : memref<10000x128xf32, #tpu.memory_space<hbm>> -> memref<10000x128xf32, #tpu.memory_space<hbm>>
    tpu.enqueue_indirect_dma source(%dma_start3A_35 : memref<10000x128xf32, #tpu.memory_space<hbm>>) target(%arg9 : memref<40x128xf32, #tpu.memory_space<vmem>>) offsets(%dma_start3A_32 : memref<40xi32, #tpu.memory_space<vmem>>) semaphore(%arg15 : memref<!tpu.dma_semaphore, #tpu.memory_space<semaphore_mem>>)
    %dma_start3A_36 = arith.constant 2 : i32
    %dma_start3A_37 = arith.constant 0 : i32
    %dma_start3A_38 = tpu.memref_slice %arg6[%dma_start3A_36, %dma_start3A_37] : memref<250x40xi32, #tpu.memory_space<vmem>> -> memref<1x40xi32, #tpu.memory_space<vmem>>
    %dma_start3A_39 = tpu.memref_squeeze %dma_start3A_38 : memref<1x40xi32, #tpu.memory_space<vmem>> -> memref<40xi32, #tpu.memory_space<vmem>>
    %dma_start3A_40 = arith.constant 0 : i32
    %dma_start3A_41 = arith.constant 0 : i32
    %dma_start3A_42 = tpu.memref_slice %arg2[%dma_start3A_40, %dma_start3A_41] : memref<10000x128xf32, #tpu.memory_space<hbm>> -> memref<10000x128xf32, #tpu.memory_space<hbm>>
    tpu.enqueue_indirect_dma source(%dma_start3A_42 : memref<10000x128xf32, #tpu.memory_space<hbm>>) target(%arg10 : memref<40x128xf32, #tpu.memory_space<vmem>>) offsets(%dma_start3A_39 : memref<40xi32, #tpu.memory_space<vmem>>) semaphore(%arg16 : memref<!tpu.dma_semaphore, #tpu.memory_space<semaphore_mem>>)
    %dma_start3A_43 = arith.constant 3 : i32
    %dma_start3A_44 = arith.constant 0 : i32
    %dma_start3A_45 = tpu.memref_slice %arg6[%dma_start3A_43, %dma_start3A_44] : memref<250x40xi32, #tpu.memory_space<vmem>> -> memref<1x40xi32, #tpu.memory_space<vmem>>
    %dma_start3A_46 = tpu.memref_squeeze %dma_start3A_45 : memref<1x40xi32, #tpu.memory_space<vmem>> -> memref<40xi32, #tpu.memory_space<vmem>>
    %dma_start3A_47 = arith.constant 0 : i32
    %dma_start3A_48 = arith.constant 0 : i32
    %dma_start3A_49 = tpu.memref_slice %arg2[%dma_start3A_47, %dma_start3A_48] : memref<10000x128xf32, #tpu.memory_space<hbm>> -> memref<10000x128xf32, #tpu.memory_space<hbm>>
    tpu.enqueue_indirect_dma source(%dma_start3A_49 : memref<10000x128xf32, #tpu.memory_space<hbm>>) target(%arg11 : memref<40x128xf32, #tpu.memory_space<vmem>>) offsets(%dma_start3A_46 : memref<40xi32, #tpu.memory_space<vmem>>) semaphore(%arg17 : memref<!tpu.dma_semaphore, #tpu.memory_space<semaphore_mem>>)
    %dma_start3A_50 = arith.constant 4 : i32
    %dma_start3A_51 = arith.constant 0 : i32
    %dma_start3A_52 = tpu.memref_slice %arg6[%dma_start3A_50, %dma_start3A_51] : memref<250x40xi32, #tpu.memory_space<vmem>> -> memref<1x40xi32, #tpu.memory_space<vmem>>
    %dma_start3A_53 = tpu.memref_squeeze %dma_start3A_52 : memref<1x40xi32, #tpu.memory_space<vmem>> -> memref<40xi32, #tpu.memory_space<vmem>>
    %dma_start3A_54 = arith.constant 0 : i32
    %dma_start3A_55 = arith.constant 0 : i32
    %dma_start3A_56 = tpu.memref_slice %arg2[%dma_start3A_54, %dma_start3A_55] : memref<10000x128xf32, #tpu.memory_space<hbm>> -> memref<10000x128xf32, #tpu.memory_space<hbm>>
    tpu.enqueue_indirect_dma source(%dma_start3A_56 : memref<10000x128xf32, #tpu.memory_space<hbm>>) target(%arg12 : memref<40x128xf32, #tpu.memory_space<vmem>>) offsets(%dma_start3A_53 : memref<40xi32, #tpu.memory_space<vmem>>) semaphore(%arg18 : memref<!tpu.dma_semaphore, #tpu.memory_space<semaphore_mem>>)
    %eq3A = arith.constant 0 : i32
    %eq3A_57 = arith.cmpi eq, %arg0, %eq3A : i32
    %convert_element_type3A = arith.extui %eq3A_57 : i1 to i32
    %cond3A = arith.constant 0 : i32
    %cond3A_58 = arith.cmpi ne, %convert_element_type3A, %cond3A : i32
    scf.if %cond3A_58 {
      %mul3A_116 = arith.constant 625 : i32
      %mul3A_117 = arith.muli %arg1, %mul3A_116 : i32
      %mul3A_118 = arith.constant 625 : i32
      %mul3A_119 = arith.muli %arg1, %mul3A_118 : i32
      "tpu.region"() ({
        %run_scoped3A = tpu.sem_alloc : memref<!tpu.dma_semaphore, #tpu.memory_space<semaphore_mem>>
        %dma_start3A_120 = arith.constant 0 : i32
        %dma_start3A_121 = tpu.memref_slice %arg13[%mul3A_119, %dma_start3A_120] : memref<10000x128xf32, #tpu.memory_space<vmem_shared>> -> memref<625x128xf32, #tpu.memory_space<vmem_shared>>
        %dma_start3A_122 = arith.constant 0 : i32
        %dma_start3A_123 = tpu.memref_slice %arg2[%mul3A_117, %dma_start3A_122] : memref<10000x128xf32, #tpu.memory_space<hbm>> -> memref<625x128xf32, #tpu.memory_space<hbm>>
        tpu.enqueue_dma source(%dma_start3A_123 : memref<625x128xf32, #tpu.memory_space<hbm>>) target(%dma_start3A_121 : memref<625x128xf32, #tpu.memory_space<vmem_shared>>) target_semaphore(%run_scoped3A : memref<!tpu.dma_semaphore, #tpu.memory_space<semaphore_mem>>)
        %dma_wait3A_124 = arith.constant 0 : i32
        %dma_wait3A_125 = tpu.memref_slice %arg13[%mul3A_119, %dma_wait3A_124] : memref<10000x128xf32, #tpu.memory_space<vmem_shared>> -> memref<625x128xf32, #tpu.memory_space<vmem_shared>>
        %dma_wait3A_126 = arith.constant 0 : i32
        %dma_wait3A_127 = tpu.memref_slice %arg2[%mul3A_117, %dma_wait3A_126] : memref<10000x128xf32, #tpu.memory_space<hbm>> -> memref<625x128xf32, #tpu.memory_space<hbm>>
        tpu.wait_dma2 semaphore(%run_scoped3A : memref<!tpu.dma_semaphore, #tpu.memory_space<semaphore_mem>>) src(%dma_wait3A_127 : memref<625x128xf32, #tpu.memory_space<hbm>>) dst(%dma_wait3A_125 : memref<625x128xf32, #tpu.memory_space<vmem_shared>>)
        tpu.yield
      }) : () -> ()
    } else {
    }
    %ne3A = arith.constant 0 : i32
    %ne3A_59 = arith.cmpi ne, %arg0, %ne3A : i32
    %convert_element_type3A_60 = arith.extui %ne3A_59 : i1 to i32
    %cond3A_61 = arith.constant 0 : i32
    %cond3A_62 = arith.cmpi ne, %convert_element_type3A_60, %cond3A_61 : i32
    scf.if %cond3A_62 {
      %scan3A_116 = arith.constant 0 : i32
      %scan3A_117 = arith.constant 0 : i32
      %scan3A_118 = arith.constant 25 : i32
      %scan3A_119 = arith.addi %scan3A_117, %scan3A_118 : i32
      %scan3A_120 = arith.constant 1 : i32
      scf.for %scan3A_122 = %scan3A_117 to %scan3A_119 step %scan3A_120  : i32 {
        %mul3A_123 = arith.constant 625 : i32
        %mul3A_124 = arith.muli %arg1, %mul3A_123 : i32
        %mul3A_125 = arith.constant 25 : i32
        %mul3A_126 = arith.muli %scan3A_122, %mul3A_125 : i32
        %add3A_127 = arith.addi %mul3A_124, %mul3A_126 : i32
        "tpu.region"() ({
          %run_scoped3A = tpu.sem_alloc : memref<!tpu.dma_semaphore, #tpu.memory_space<semaphore_mem>>
          %dma_start3A_128 = arith.constant 0 : i32
          %dma_start3A_129 = arith.constant 0 : i32
          %dma_start3A_130 = tpu.memref_slice %arg8[%dma_start3A_128, %dma_start3A_129] : memref<40x128xf32, #tpu.memory_space<vmem>> -> memref<25x128xf32, #tpu.memory_space<vmem>>
          %dma_start3A_131 = arith.constant 0 : i32
          %dma_start3A_132 = tpu.memref_slice %arg13[%add3A_127, %dma_start3A_131] : memref<10000x128xf32, #tpu.memory_space<vmem_shared>> -> memref<25x128xf32, #tpu.memory_space<vmem_shared>>
          %dma_start3A_133 = arith.constant 0 : i32
          %dma_start3A_134 = tpu.memref_slice %arg13[%add3A_127, %dma_start3A_133] : memref<10000x128xf32, #tpu.memory_space<vmem_shared>> -> memref<25x128xf32, #tpu.memory_space<vmem_shared>>
          %dma_start3A_135 = arith.constant 0 : i32
          %dma_start3A_136 = arith.constant 0 : i32
          %dma_start3A_137 = tpu.memref_slice %arg8[%dma_start3A_135, %dma_start3A_136] : memref<40x128xf32, #tpu.memory_space<vmem>> -> memref<25x128xf32, #tpu.memory_space<vmem>>
          tpu.enqueue_dma source(%dma_start3A_137 : memref<25x128xf32, #tpu.memory_space<vmem>>) target(%dma_start3A_134 : memref<25x128xf32, #tpu.memory_space<vmem_shared>>) target_semaphore(%run_scoped3A : memref<!tpu.dma_semaphore, #tpu.memory_space<semaphore_mem>>)
          %dma_wait3A_138 = arith.constant 0 : i32
          %dma_wait3A_139 = arith.constant 0 : i32
          %dma_wait3A_140 = tpu.memref_slice %arg8[%dma_wait3A_138, %dma_wait3A_139] : memref<40x128xf32, #tpu.memory_space<vmem>> -> memref<25x128xf32, #tpu.memory_space<vmem>>
          %dma_wait3A_141 = arith.constant 0 : i32
          %dma_wait3A_142 = tpu.memref_slice %arg13[%add3A_127, %dma_wait3A_141] : memref<10000x128xf32, #tpu.memory_space<vmem_shared>> -> memref<25x128xf32, #tpu.memory_space<vmem_shared>>
          %dma_wait3A_143 = arith.constant 0 : i32
          %dma_wait3A_144 = tpu.memref_slice %arg13[%add3A_127, %dma_wait3A_143] : memref<10000x128xf32, #tpu.memory_space<vmem_shared>> -> memref<25x128xf32, #tpu.memory_space<vmem_shared>>
          %dma_wait3A_145 = arith.constant 0 : i32
          %dma_wait3A_146 = arith.constant 0 : i32
          %dma_wait3A_147 = tpu.memref_slice %arg8[%dma_wait3A_145, %dma_wait3A_146] : memref<40x128xf32, #tpu.memory_space<vmem>> -> memref<25x128xf32, #tpu.memory_space<vmem>>
          tpu.wait_dma2 semaphore(%run_scoped3A : memref<!tpu.dma_semaphore, #tpu.memory_space<semaphore_mem>>) src(%dma_wait3A_147 : memref<25x128xf32, #tpu.memory_space<vmem>>) dst(%dma_wait3A_144 : memref<25x128xf32, #tpu.memory_space<vmem_shared>>)
          tpu.yield
        }) : () -> ()
      }
      %scan3A_121 = arith.constant 25 : i32
    } else {
    }
    %barrier3A = arith.constant 0 : index
    tpu.barrier barrier_id(%barrier3A)
    %dma_start3A_63 = arith.constant 0 : i32
    %dma_start3A_64 = arith.constant 0 : i32
    %dma_start3A_65 = tpu.memref_slice %arg6[%dma_start3A_63, %dma_start3A_64] : memref<250x40xi32, #tpu.memory_space<vmem>> -> memref<1x40xi32, #tpu.memory_space<vmem>>
    %dma_start3A_66 = tpu.memref_squeeze %dma_start3A_65 : memref<1x40xi32, #tpu.memory_space<vmem>> -> memref<40xi32, #tpu.memory_space<vmem>>
    %dma_start3A_67 = arith.constant 0 : i32
    %dma_start3A_68 = arith.constant 0 : i32
    %dma_start3A_69 = tpu.memref_slice %arg2[%dma_start3A_67, %dma_start3A_68] : memref<10000x128xf32, #tpu.memory_space<hbm>> -> memref<10000x128xf32, #tpu.memory_space<hbm>>
    tpu.enqueue_indirect_dma source(%dma_start3A_69 : memref<10000x128xf32, #tpu.memory_space<hbm>>) target(%arg8 : memref<40x128xf32, #tpu.memory_space<vmem>>) offsets(%dma_start3A_66 : memref<40xi32, #tpu.memory_space<vmem>>) semaphore(%arg14 : memref<!tpu.dma_semaphore, #tpu.memory_space<semaphore_mem>>)
    %scan3A_70 = arith.constant 0 : i32
    %scan3A_71 = arith.constant 0 : i32
    %scan3A_72 = arith.constant 50 : i32
    %scan3A_73 = arith.addi %scan3A_71, %scan3A_72 : i32
    %scan3A_74 = arith.constant 1 : i32
    scf.for %scan3A_116 = %scan3A_71 to %scan3A_73 step %scan3A_74  : i32 {
      %mul3A_117 = arith.constant 5 : i32
      %mul3A_118 = arith.muli %scan3A_116, %mul3A_117 : i32
      %add3A_119 = arith.constant 0 : i32
      %add3A_120 = arith.addi %mul3A_118, %add3A_119 : i32
      %dma_wait3A_121 = arith.constant 0 : i32
      %dma_wait3A_122 = tpu.memref_slice %arg6[%add3A_120, %dma_wait3A_121] : memref<250x40xi32, #tpu.memory_space<vmem>> -> memref<1x40xi32, #tpu.memory_space<vmem>>
      %dma_wait3A_123 = tpu.memref_squeeze %dma_wait3A_122 : memref<1x40xi32, #tpu.memory_space<vmem>> -> memref<40xi32, #tpu.memory_space<vmem>>
      %dma_wait3A_124 = arith.constant 0 : i32
      %dma_wait3A_125 = arith.constant 0 : i32
      %dma_wait3A_126 = tpu.memref_slice %arg2[%dma_wait3A_124, %dma_wait3A_125] : memref<10000x128xf32, #tpu.memory_space<hbm>> -> memref<10000x128xf32, #tpu.memory_space<hbm>>
      tpu.wait_indirect_dma semaphore(%arg14 : memref<!tpu.dma_semaphore, #tpu.memory_space<semaphore_mem>>) src(%dma_wait3A_126 : memref<10000x128xf32, #tpu.memory_space<hbm>>) dst(%arg8 : memref<40x128xf32, #tpu.memory_space<vmem>>)
      %add3A_127 = arith.constant 0 : i32
      %add3A_128 = arith.addi %mul3A_118, %add3A_127 : i32
      %dma_start3A_129 = arith.constant 0 : i32
      %dma_start3A_130 = tpu.memref_slice %arg7[%add3A_128, %dma_start3A_129] : memref<250x40xi32, #tpu.memory_space<vmem>> -> memref<1x40xi32, #tpu.memory_space<vmem>>
      %dma_start3A_131 = tpu.memref_squeeze %dma_start3A_130 : memref<1x40xi32, #tpu.memory_space<vmem>> -> memref<40xi32, #tpu.memory_space<vmem>>
      %dma_start3A_132 = arith.constant 0 : i32
      %dma_start3A_133 = arith.constant 0 : i32
      %dma_start3A_134 = tpu.memref_slice %arg13[%dma_start3A_132, %dma_start3A_133] : memref<10000x128xf32, #tpu.memory_space<vmem_shared>> -> memref<10000x128xf32, #tpu.memory_space<vmem_shared>>
      tpu.enqueue_indirect_dma source(%arg8 : memref<40x128xf32, #tpu.memory_space<vmem>>) target(%dma_start3A_134 : memref<10000x128xf32, #tpu.memory_space<vmem_shared>>) offsets(%dma_start3A_131 : memref<40xi32, #tpu.memory_space<vmem>>) semaphore(%arg19 : memref<!tpu.dma_semaphore, #tpu.memory_space<semaphore_mem>>) {add = true}
      %add3A_135 = arith.constant 1 : i32
      %add3A_136 = arith.addi %mul3A_118, %add3A_135 : i32
      %dma_wait3A_137 = arith.constant 0 : i32
      %dma_wait3A_138 = tpu.memref_slice %arg6[%add3A_136, %dma_wait3A_137] : memref<250x40xi32, #tpu.memory_space<vmem>> -> memref<1x40xi32, #tpu.memory_space<vmem>>
      %dma_wait3A_139 = tpu.memref_squeeze %dma_wait3A_138 : memref<1x40xi32, #tpu.memory_space<vmem>> -> memref<40xi32, #tpu.memory_space<vmem>>
      %dma_wait3A_140 = arith.constant 0 : i32
      %dma_wait3A_141 = arith.constant 0 : i32
      %dma_wait3A_142 = tpu.memref_slice %arg2[%dma_wait3A_140, %dma_wait3A_141] : memref<10000x128xf32, #tpu.memory_space<hbm>> -> memref<10000x128xf32, #tpu.memory_space<hbm>>
      tpu.wait_indirect_dma semaphore(%arg15 : memref<!tpu.dma_semaphore, #tpu.memory_space<semaphore_mem>>) src(%dma_wait3A_142 : memref<10000x128xf32, #tpu.memory_space<hbm>>) dst(%arg9 : memref<40x128xf32, #tpu.memory_space<vmem>>)
      %add3A_143 = arith.constant 1 : i32
      %add3A_144 = arith.addi %mul3A_118, %add3A_143 : i32
      %dma_start3A_145 = arith.constant 0 : i32
      %dma_start3A_146 = tpu.memref_slice %arg7[%add3A_144, %dma_start3A_145] : memref<250x40xi32, #tpu.memory_space<vmem>> -> memref<1x40xi32, #tpu.memory_space<vmem>>
      %dma_start3A_147 = tpu.memref_squeeze %dma_start3A_146 : memref<1x40xi32, #tpu.memory_space<vmem>> -> memref<40xi32, #tpu.memory_space<vmem>>
      %dma_start3A_148 = arith.constant 0 : i32
      %dma_start3A_149 = arith.constant 0 : i32
      %dma_start3A_150 = tpu.memref_slice %arg13[%dma_start3A_148, %dma_start3A_149] : memref<10000x128xf32, #tpu.memory_space<vmem_shared>> -> memref<10000x128xf32, #tpu.memory_space<vmem_shared>>
      tpu.enqueue_indirect_dma source(%arg9 : memref<40x128xf32, #tpu.memory_space<vmem>>) target(%dma_start3A_150 : memref<10000x128xf32, #tpu.memory_space<vmem_shared>>) offsets(%dma_start3A_147 : memref<40xi32, #tpu.memory_space<vmem>>) semaphore(%arg20 : memref<!tpu.dma_semaphore, #tpu.memory_space<semaphore_mem>>) {add = true}
      %add3A_151 = arith.constant 2 : i32
      %add3A_152 = arith.addi %mul3A_118, %add3A_151 : i32
      %dma_wait3A_153 = arith.constant 0 : i32
      %dma_wait3A_154 = tpu.memref_slice %arg6[%add3A_152, %dma_wait3A_153] : memref<250x40xi32, #tpu.memory_space<vmem>> -> memref<1x40xi32, #tpu.memory_space<vmem>>
      %dma_wait3A_155 = tpu.memref_squeeze %dma_wait3A_154 : memref<1x40xi32, #tpu.memory_space<vmem>> -> memref<40xi32, #tpu.memory_space<vmem>>
      %dma_wait3A_156 = arith.constant 0 : i32
      %dma_wait3A_157 = arith.constant 0 : i32
      %dma_wait3A_158 = tpu.memref_slice %arg2[%dma_wait3A_156, %dma_wait3A_157] : memref<10000x128xf32, #tpu.memory_space<hbm>> -> memref<10000x128xf32, #tpu.memory_space<hbm>>
      tpu.wait_indirect_dma semaphore(%arg16 : memref<!tpu.dma_semaphore, #tpu.memory_space<semaphore_mem>>) src(%dma_wait3A_158 : memref<10000x128xf32, #tpu.memory_space<hbm>>) dst(%arg10 : memref<40x128xf32, #tpu.memory_space<vmem>>)
      %add3A_159 = arith.constant 2 : i32
      %add3A_160 = arith.addi %mul3A_118, %add3A_159 : i32
      %dma_start3A_161 = arith.constant 0 : i32
      %dma_start3A_162 = tpu.memref_slice %arg7[%add3A_160, %dma_start3A_161] : memref<250x40xi32, #tpu.memory_space<vmem>> -> memref<1x40xi32, #tpu.memory_space<vmem>>
      %dma_start3A_163 = tpu.memref_squeeze %dma_start3A_162 : memref<1x40xi32, #tpu.memory_space<vmem>> -> memref<40xi32, #tpu.memory_space<vmem>>
      %dma_start3A_164 = arith.constant 0 : i32
      %dma_start3A_165 = arith.constant 0 : i32
      %dma_start3A_166 = tpu.memref_slice %arg13[%dma_start3A_164, %dma_start3A_165] : memref<10000x128xf32, #tpu.memory_space<vmem_shared>> -> memref<10000x128xf32, #tpu.memory_space<vmem_shared>>
      tpu.enqueue_indirect_dma source(%arg10 : memref<40x128xf32, #tpu.memory_space<vmem>>) target(%dma_start3A_166 : memref<10000x128xf32, #tpu.memory_space<vmem_shared>>) offsets(%dma_start3A_163 : memref<40xi32, #tpu.memory_space<vmem>>) semaphore(%arg21 : memref<!tpu.dma_semaphore, #tpu.memory_space<semaphore_mem>>) {add = true}
      %add3A_167 = arith.constant 3 : i32
      %add3A_168 = arith.addi %mul3A_118, %add3A_167 : i32
      %dma_wait3A_169 = arith.constant 0 : i32
      %dma_wait3A_170 = tpu.memref_slice %arg6[%add3A_168, %dma_wait3A_169] : memref<250x40xi32, #tpu.memory_space<vmem>> -> memref<1x40xi32, #tpu.memory_space<vmem>>
      %dma_wait3A_171 = tpu.memref_squeeze %dma_wait3A_170 : memref<1x40xi32, #tpu.memory_space<vmem>> -> memref<40xi32, #tpu.memory_space<vmem>>
      %dma_wait3A_172 = arith.constant 0 : i32
      %dma_wait3A_173 = arith.constant 0 : i32
      %dma_wait3A_174 = tpu.memref_slice %arg2[%dma_wait3A_172, %dma_wait3A_173] : memref<10000x128xf32, #tpu.memory_space<hbm>> -> memref<10000x128xf32, #tpu.memory_space<hbm>>
      tpu.wait_indirect_dma semaphore(%arg17 : memref<!tpu.dma_semaphore, #tpu.memory_space<semaphore_mem>>) src(%dma_wait3A_174 : memref<10000x128xf32, #tpu.memory_space<hbm>>) dst(%arg11 : memref<40x128xf32, #tpu.memory_space<vmem>>)
      %add3A_175 = arith.constant 3 : i32
      %add3A_176 = arith.addi %mul3A_118, %add3A_175 : i32
      %dma_start3A_177 = arith.constant 0 : i32
      %dma_start3A_178 = tpu.memref_slice %arg7[%add3A_176, %dma_start3A_177] : memref<250x40xi32, #tpu.memory_space<vmem>> -> memref<1x40xi32, #tpu.memory_space<vmem>>
      %dma_start3A_179 = tpu.memref_squeeze %dma_start3A_178 : memref<1x40xi32, #tpu.memory_space<vmem>> -> memref<40xi32, #tpu.memory_space<vmem>>
      %dma_start3A_180 = arith.constant 0 : i32
      %dma_start3A_181 = arith.constant 0 : i32
      %dma_start3A_182 = tpu.memref_slice %arg13[%dma_start3A_180, %dma_start3A_181] : memref<10000x128xf32, #tpu.memory_space<vmem_shared>> -> memref<10000x128xf32, #tpu.memory_space<vmem_shared>>
      tpu.enqueue_indirect_dma source(%arg11 : memref<40x128xf32, #tpu.memory_space<vmem>>) target(%dma_start3A_182 : memref<10000x128xf32, #tpu.memory_space<vmem_shared>>) offsets(%dma_start3A_179 : memref<40xi32, #tpu.memory_space<vmem>>) semaphore(%arg22 : memref<!tpu.dma_semaphore, #tpu.memory_space<semaphore_mem>>) {add = true}
      %add3A_183 = arith.constant 4 : i32
      %add3A_184 = arith.addi %mul3A_118, %add3A_183 : i32
      %dma_wait3A_185 = arith.constant 0 : i32
      %dma_wait3A_186 = tpu.memref_slice %arg6[%add3A_184, %dma_wait3A_185] : memref<250x40xi32, #tpu.memory_space<vmem>> -> memref<1x40xi32, #tpu.memory_space<vmem>>
      %dma_wait3A_187 = tpu.memref_squeeze %dma_wait3A_186 : memref<1x40xi32, #tpu.memory_space<vmem>> -> memref<40xi32, #tpu.memory_space<vmem>>
      %dma_wait3A_188 = arith.constant 0 : i32
      %dma_wait3A_189 = arith.constant 0 : i32
      %dma_wait3A_190 = tpu.memref_slice %arg2[%dma_wait3A_188, %dma_wait3A_189] : memref<10000x128xf32, #tpu.memory_space<hbm>> -> memref<10000x128xf32, #tpu.memory_space<hbm>>
      tpu.wait_indirect_dma semaphore(%arg18 : memref<!tpu.dma_semaphore, #tpu.memory_space<semaphore_mem>>) src(%dma_wait3A_190 : memref<10000x128xf32, #tpu.memory_space<hbm>>) dst(%arg12 : memref<40x128xf32, #tpu.memory_space<vmem>>)
      %add3A_191 = arith.constant 4 : i32
      %add3A_192 = arith.addi %mul3A_118, %add3A_191 : i32
      %dma_start3A_193 = arith.constant 0 : i32
      %dma_start3A_194 = tpu.memref_slice %arg7[%add3A_192, %dma_start3A_193] : memref<250x40xi32, #tpu.memory_space<vmem>> -> memref<1x40xi32, #tpu.memory_space<vmem>>
      %dma_start3A_195 = tpu.memref_squeeze %dma_start3A_194 : memref<1x40xi32, #tpu.memory_space<vmem>> -> memref<40xi32, #tpu.memory_space<vmem>>
      %dma_start3A_196 = arith.constant 0 : i32
      %dma_start3A_197 = arith.constant 0 : i32
      %dma_start3A_198 = tpu.memref_slice %arg13[%dma_start3A_196, %dma_start3A_197] : memref<10000x128xf32, #tpu.memory_space<vmem_shared>> -> memref<10000x128xf32, #tpu.memory_space<vmem_shared>>
      tpu.enqueue_indirect_dma source(%arg12 : memref<40x128xf32, #tpu.memory_space<vmem>>) target(%dma_start3A_198 : memref<10000x128xf32, #tpu.memory_space<vmem_shared>>) offsets(%dma_start3A_195 : memref<40xi32, #tpu.memory_space<vmem>>) semaphore(%arg23 : memref<!tpu.dma_semaphore, #tpu.memory_space<semaphore_mem>>) {add = true}
      %lt3A = arith.constant 49 : i32
      %lt3A_199 = arith.cmpi slt, %scan3A_116, %lt3A : i32
      %convert_element_type3A_200 = arith.extui %lt3A_199 : i1 to i32
      %cond3A_201 = arith.constant 0 : i32
      %cond3A_202 = arith.cmpi ne, %convert_element_type3A_200, %cond3A_201 : i32
      scf.if %cond3A_202 {
        %add3A_203 = arith.constant 0 : i32
        %add3A_204 = arith.addi %mul3A_118, %add3A_203 : i32
        %dma_wait3A_205 = arith.constant 0 : i32
        %dma_wait3A_206 = tpu.memref_slice %arg7[%add3A_204, %dma_wait3A_205] : memref<250x40xi32, #tpu.memory_space<vmem>> -> memref<1x40xi32, #tpu.memory_space<vmem>>
        %dma_wait3A_207 = tpu.memref_squeeze %dma_wait3A_206 : memref<1x40xi32, #tpu.memory_space<vmem>> -> memref<40xi32, #tpu.memory_space<vmem>>
        %dma_wait3A_208 = arith.constant 0 : i32
        %dma_wait3A_209 = arith.constant 0 : i32
        %dma_wait3A_210 = tpu.memref_slice %arg13[%dma_wait3A_208, %dma_wait3A_209] : memref<10000x128xf32, #tpu.memory_space<vmem_shared>> -> memref<10000x128xf32, #tpu.memory_space<vmem_shared>>
        tpu.wait_indirect_dma semaphore(%arg19 : memref<!tpu.dma_semaphore, #tpu.memory_space<semaphore_mem>>) src(%arg8 : memref<40x128xf32, #tpu.memory_space<vmem>>) dst(%dma_wait3A_210 : memref<10000x128xf32, #tpu.memory_space<vmem_shared>>)
        %add3A_211 = arith.constant 5 : i32
        %add3A_212 = arith.addi %mul3A_118, %add3A_211 : i32
        %add3A_213 = arith.constant 0 : i32
        %add3A_214 = arith.addi %add3A_212, %add3A_213 : i32
        %dma_start3A_215 = arith.constant 0 : i32
        %dma_start3A_216 = tpu.memref_slice %arg6[%add3A_214, %dma_start3A_215] : memref<250x40xi32, #tpu.memory_space<vmem>> -> memref<1x40xi32, #tpu.memory_space<vmem>>
        %dma_start3A_217 = tpu.memref_squeeze %dma_start3A_216 : memref<1x40xi32, #tpu.memory_space<vmem>> -> memref<40xi32, #tpu.memory_space<vmem>>
        %dma_start3A_218 = arith.constant 0 : i32
        %dma_start3A_219 = arith.constant 0 : i32
        %dma_start3A_220 = tpu.memref_slice %arg2[%dma_start3A_218, %dma_start3A_219] : memref<10000x128xf32, #tpu.memory_space<hbm>> -> memref<10000x128xf32, #tpu.memory_space<hbm>>
        tpu.enqueue_indirect_dma source(%dma_start3A_220 : memref<10000x128xf32, #tpu.memory_space<hbm>>) target(%arg8 : memref<40x128xf32, #tpu.memory_space<vmem>>) offsets(%dma_start3A_217 : memref<40xi32, #tpu.memory_space<vmem>>) semaphore(%arg14 : memref<!tpu.dma_semaphore, #tpu.memory_space<semaphore_mem>>)
        %add3A_221 = arith.constant 1 : i32
        %add3A_222 = arith.addi %mul3A_118, %add3A_221 : i32
        %dma_wait3A_223 = arith.constant 0 : i32
        %dma_wait3A_224 = tpu.memref_slice %arg7[%add3A_222, %dma_wait3A_223] : memref<250x40xi32, #tpu.memory_space<vmem>> -> memref<1x40xi32, #tpu.memory_space<vmem>>
        %dma_wait3A_225 = tpu.memref_squeeze %dma_wait3A_224 : memref<1x40xi32, #tpu.memory_space<vmem>> -> memref<40xi32, #tpu.memory_space<vmem>>
        %dma_wait3A_226 = arith.constant 0 : i32
        %dma_wait3A_227 = arith.constant 0 : i32
        %dma_wait3A_228 = tpu.memref_slice %arg13[%dma_wait3A_226, %dma_wait3A_227] : memref<10000x128xf32, #tpu.memory_space<vmem_shared>> -> memref<10000x128xf32, #tpu.memory_space<vmem_shared>>
        tpu.wait_indirect_dma semaphore(%arg20 : memref<!tpu.dma_semaphore, #tpu.memory_space<semaphore_mem>>) src(%arg9 : memref<40x128xf32, #tpu.memory_space<vmem>>) dst(%dma_wait3A_228 : memref<10000x128xf32, #tpu.memory_space<vmem_shared>>)
        %add3A_229 = arith.constant 5 : i32
        %add3A_230 = arith.addi %mul3A_118, %add3A_229 : i32
        %add3A_231 = arith.constant 1 : i32
        %add3A_232 = arith.addi %add3A_230, %add3A_231 : i32
        %dma_start3A_233 = arith.constant 0 : i32
        %dma_start3A_234 = tpu.memref_slice %arg6[%add3A_232, %dma_start3A_233] : memref<250x40xi32, #tpu.memory_space<vmem>> -> memref<1x40xi32, #tpu.memory_space<vmem>>
        %dma_start3A_235 = tpu.memref_squeeze %dma_start3A_234 : memref<1x40xi32, #tpu.memory_space<vmem>> -> memref<40xi32, #tpu.memory_space<vmem>>
        %dma_start3A_236 = arith.constant 0 : i32
        %dma_start3A_237 = arith.constant 0 : i32
        %dma_start3A_238 = tpu.memref_slice %arg2[%dma_start3A_236, %dma_start3A_237] : memref<10000x128xf32, #tpu.memory_space<hbm>> -> memref<10000x128xf32, #tpu.memory_space<hbm>>
        tpu.enqueue_indirect_dma source(%dma_start3A_238 : memref<10000x128xf32, #tpu.memory_space<hbm>>) target(%arg9 : memref<40x128xf32, #tpu.memory_space<vmem>>) offsets(%dma_start3A_235 : memref<40xi32, #tpu.memory_space<vmem>>) semaphore(%arg15 : memref<!tpu.dma_semaphore, #tpu.memory_space<semaphore_mem>>)
        %add3A_239 = arith.constant 2 : i32
        %add3A_240 = arith.addi %mul3A_118, %add3A_239 : i32
        %dma_wait3A_241 = arith.constant 0 : i32
        %dma_wait3A_242 = tpu.memref_slice %arg7[%add3A_240, %dma_wait3A_241] : memref<250x40xi32, #tpu.memory_space<vmem>> -> memref<1x40xi32, #tpu.memory_space<vmem>>
        %dma_wait3A_243 = tpu.memref_squeeze %dma_wait3A_242 : memref<1x40xi32, #tpu.memory_space<vmem>> -> memref<40xi32, #tpu.memory_space<vmem>>
        %dma_wait3A_244 = arith.constant 0 : i32
        %dma_wait3A_245 = arith.constant 0 : i32
        %dma_wait3A_246 = tpu.memref_slice %arg13[%dma_wait3A_244, %dma_wait3A_245] : memref<10000x128xf32, #tpu.memory_space<vmem_shared>> -> memref<10000x128xf32, #tpu.memory_space<vmem_shared>>
        tpu.wait_indirect_dma semaphore(%arg21 : memref<!tpu.dma_semaphore, #tpu.memory_space<semaphore_mem>>) src(%arg10 : memref<40x128xf32, #tpu.memory_space<vmem>>) dst(%dma_wait3A_246 : memref<10000x128xf32, #tpu.memory_space<vmem_shared>>)
        %add3A_247 = arith.constant 5 : i32
        %add3A_248 = arith.addi %mul3A_118, %add3A_247 : i32
        %add3A_249 = arith.constant 2 : i32
        %add3A_250 = arith.addi %add3A_248, %add3A_249 : i32
        %dma_start3A_251 = arith.constant 0 : i32
        %dma_start3A_252 = tpu.memref_slice %arg6[%add3A_250, %dma_start3A_251] : memref<250x40xi32, #tpu.memory_space<vmem>> -> memref<1x40xi32, #tpu.memory_space<vmem>>
        %dma_start3A_253 = tpu.memref_squeeze %dma_start3A_252 : memref<1x40xi32, #tpu.memory_space<vmem>> -> memref<40xi32, #tpu.memory_space<vmem>>
        %dma_start3A_254 = arith.constant 0 : i32
        %dma_start3A_255 = arith.constant 0 : i32
        %dma_start3A_256 = tpu.memref_slice %arg2[%dma_start3A_254, %dma_start3A_255] : memref<10000x128xf32, #tpu.memory_space<hbm>> -> memref<10000x128xf32, #tpu.memory_space<hbm>>
        tpu.enqueue_indirect_dma source(%dma_start3A_256 : memref<10000x128xf32, #tpu.memory_space<hbm>>) target(%arg10 : memref<40x128xf32, #tpu.memory_space<vmem>>) offsets(%dma_start3A_253 : memref<40xi32, #tpu.memory_space<vmem>>) semaphore(%arg16 : memref<!tpu.dma_semaphore, #tpu.memory_space<semaphore_mem>>)
        %add3A_257 = arith.constant 3 : i32
        %add3A_258 = arith.addi %mul3A_118, %add3A_257 : i32
        %dma_wait3A_259 = arith.constant 0 : i32
        %dma_wait3A_260 = tpu.memref_slice %arg7[%add3A_258, %dma_wait3A_259] : memref<250x40xi32, #tpu.memory_space<vmem>> -> memref<1x40xi32, #tpu.memory_space<vmem>>
        %dma_wait3A_261 = tpu.memref_squeeze %dma_wait3A_260 : memref<1x40xi32, #tpu.memory_space<vmem>> -> memref<40xi32, #tpu.memory_space<vmem>>
        %dma_wait3A_262 = arith.constant 0 : i32
        %dma_wait3A_263 = arith.constant 0 : i32
        %dma_wait3A_264 = tpu.memref_slice %arg13[%dma_wait3A_262, %dma_wait3A_263] : memref<10000x128xf32, #tpu.memory_space<vmem_shared>> -> memref<10000x128xf32, #tpu.memory_space<vmem_shared>>
        tpu.wait_indirect_dma semaphore(%arg22 : memref<!tpu.dma_semaphore, #tpu.memory_space<semaphore_mem>>) src(%arg11 : memref<40x128xf32, #tpu.memory_space<vmem>>) dst(%dma_wait3A_264 : memref<10000x128xf32, #tpu.memory_space<vmem_shared>>)
        %add3A_265 = arith.constant 5 : i32
        %add3A_266 = arith.addi %mul3A_118, %add3A_265 : i32
        %add3A_267 = arith.constant 3 : i32
        %add3A_268 = arith.addi %add3A_266, %add3A_267 : i32
        %dma_start3A_269 = arith.constant 0 : i32
        %dma_start3A_270 = tpu.memref_slice %arg6[%add3A_268, %dma_start3A_269] : memref<250x40xi32, #tpu.memory_space<vmem>> -> memref<1x40xi32, #tpu.memory_space<vmem>>
        %dma_start3A_271 = tpu.memref_squeeze %dma_start3A_270 : memref<1x40xi32, #tpu.memory_space<vmem>> -> memref<40xi32, #tpu.memory_space<vmem>>
        %dma_start3A_272 = arith.constant 0 : i32
        %dma_start3A_273 = arith.constant 0 : i32
        %dma_start3A_274 = tpu.memref_slice %arg2[%dma_start3A_272, %dma_start3A_273] : memref<10000x128xf32, #tpu.memory_space<hbm>> -> memref<10000x128xf32, #tpu.memory_space<hbm>>
        tpu.enqueue_indirect_dma source(%dma_start3A_274 : memref<10000x128xf32, #tpu.memory_space<hbm>>) target(%arg11 : memref<40x128xf32, #tpu.memory_space<vmem>>) offsets(%dma_start3A_271 : memref<40xi32, #tpu.memory_space<vmem>>) semaphore(%arg17 : memref<!tpu.dma_semaphore, #tpu.memory_space<semaphore_mem>>)
        %add3A_275 = arith.constant 4 : i32
        %add3A_276 = arith.addi %mul3A_118, %add3A_275 : i32
        %dma_wait3A_277 = arith.constant 0 : i32
        %dma_wait3A_278 = tpu.memref_slice %arg7[%add3A_276, %dma_wait3A_277] : memref<250x40xi32, #tpu.memory_space<vmem>> -> memref<1x40xi32, #tpu.memory_space<vmem>>
        %dma_wait3A_279 = tpu.memref_squeeze %dma_wait3A_278 : memref<1x40xi32, #tpu.memory_space<vmem>> -> memref<40xi32, #tpu.memory_space<vmem>>
        %dma_wait3A_280 = arith.constant 0 : i32
        %dma_wait3A_281 = arith.constant 0 : i32
        %dma_wait3A_282 = tpu.memref_slice %arg13[%dma_wait3A_280, %dma_wait3A_281] : memref<10000x128xf32, #tpu.memory_space<vmem_shared>> -> memref<10000x128xf32, #tpu.memory_space<vmem_shared>>
        tpu.wait_indirect_dma semaphore(%arg23 : memref<!tpu.dma_semaphore, #tpu.memory_space<semaphore_mem>>) src(%arg12 : memref<40x128xf32, #tpu.memory_space<vmem>>) dst(%dma_wait3A_282 : memref<10000x128xf32, #tpu.memory_space<vmem_shared>>)
        %add3A_283 = arith.constant 5 : i32
        %add3A_284 = arith.addi %mul3A_118, %add3A_283 : i32
        %add3A_285 = arith.constant 4 : i32
        %add3A_286 = arith.addi %add3A_284, %add3A_285 : i32
        %dma_start3A_287 = arith.constant 0 : i32
        %dma_start3A_288 = tpu.memref_slice %arg6[%add3A_286, %dma_start3A_287] : memref<250x40xi32, #tpu.memory_space<vmem>> -> memref<1x40xi32, #tpu.memory_space<vmem>>
        %dma_start3A_289 = tpu.memref_squeeze %dma_start3A_288 : memref<1x40xi32, #tpu.memory_space<vmem>> -> memref<40xi32, #tpu.memory_space<vmem>>
        %dma_start3A_290 = arith.constant 0 : i32
        %dma_start3A_291 = arith.constant 0 : i32
        %dma_start3A_292 = tpu.memref_slice %arg2[%dma_start3A_290, %dma_start3A_291] : memref<10000x128xf32, #tpu.memory_space<hbm>> -> memref<10000x128xf32, #tpu.memory_space<hbm>>
        tpu.enqueue_indirect_dma source(%dma_start3A_292 : memref<10000x128xf32, #tpu.memory_space<hbm>>) target(%arg12 : memref<40x128xf32, #tpu.memory_space<vmem>>) offsets(%dma_start3A_289 : memref<40xi32, #tpu.memory_space<vmem>>) semaphore(%arg18 : memref<!tpu.dma_semaphore, #tpu.memory_space<semaphore_mem>>)
      } else {
      }
    }
    %scan3A_75 = arith.constant 50 : i32
    %dma_wait3A_76 = arith.constant 245 : i32
    %dma_wait3A_77 = arith.constant 0 : i32
    %dma_wait3A_78 = tpu.memref_slice %arg7[%dma_wait3A_76, %dma_wait3A_77] : memref<250x40xi32, #tpu.memory_space<vmem>> -> memref<1x40xi32, #tpu.memory_space<vmem>>
    %dma_wait3A_79 = tpu.memref_squeeze %dma_wait3A_78 : memref<1x40xi32, #tpu.memory_space<vmem>> -> memref<40xi32, #tpu.memory_space<vmem>>
    %dma_wait3A_80 = arith.constant 0 : i32
    %dma_wait3A_81 = arith.constant 0 : i32
    %dma_wait3A_82 = tpu.memref_slice %arg13[%dma_wait3A_80, %dma_wait3A_81] : memref<10000x128xf32, #tpu.memory_space<vmem_shared>> -> memref<10000x128xf32, #tpu.memory_space<vmem_shared>>
    tpu.wait_indirect_dma semaphore(%arg19 : memref<!tpu.dma_semaphore, #tpu.memory_space<semaphore_mem>>) src(%arg8 : memref<40x128xf32, #tpu.memory_space<vmem>>) dst(%dma_wait3A_82 : memref<10000x128xf32, #tpu.memory_space<vmem_shared>>)
    %dma_wait3A_83 = arith.constant 246 : i32
    %dma_wait3A_84 = arith.constant 0 : i32
    %dma_wait3A_85 = tpu.memref_slice %arg7[%dma_wait3A_83, %dma_wait3A_84] : memref<250x40xi32, #tpu.memory_space<vmem>> -> memref<1x40xi32, #tpu.memory_space<vmem>>
    %dma_wait3A_86 = tpu.memref_squeeze %dma_wait3A_85 : memref<1x40xi32, #tpu.memory_space<vmem>> -> memref<40xi32, #tpu.memory_space<vmem>>
    %dma_wait3A_87 = arith.constant 0 : i32
    %dma_wait3A_88 = arith.constant 0 : i32
    %dma_wait3A_89 = tpu.memref_slice %arg13[%dma_wait3A_87, %dma_wait3A_88] : memref<10000x128xf32, #tpu.memory_space<vmem_shared>> -> memref<10000x128xf32, #tpu.memory_space<vmem_shared>>
    tpu.wait_indirect_dma semaphore(%arg20 : memref<!tpu.dma_semaphore, #tpu.memory_space<semaphore_mem>>) src(%arg9 : memref<40x128xf32, #tpu.memory_space<vmem>>) dst(%dma_wait3A_89 : memref<10000x128xf32, #tpu.memory_space<vmem_shared>>)
    %dma_wait3A_90 = arith.constant 247 : i32
    %dma_wait3A_91 = arith.constant 0 : i32
    %dma_wait3A_92 = tpu.memref_slice %arg7[%dma_wait3A_90, %dma_wait3A_91] : memref<250x40xi32, #tpu.memory_space<vmem>> -> memref<1x40xi32, #tpu.memory_space<vmem>>
    %dma_wait3A_93 = tpu.memref_squeeze %dma_wait3A_92 : memref<1x40xi32, #tpu.memory_space<vmem>> -> memref<40xi32, #tpu.memory_space<vmem>>
    %dma_wait3A_94 = arith.constant 0 : i32
    %dma_wait3A_95 = arith.constant 0 : i32
    %dma_wait3A_96 = tpu.memref_slice %arg13[%dma_wait3A_94, %dma_wait3A_95] : memref<10000x128xf32, #tpu.memory_space<vmem_shared>> -> memref<10000x128xf32, #tpu.memory_space<vmem_shared>>
    tpu.wait_indirect_dma semaphore(%arg21 : memref<!tpu.dma_semaphore, #tpu.memory_space<semaphore_mem>>) src(%arg10 : memref<40x128xf32, #tpu.memory_space<vmem>>) dst(%dma_wait3A_96 : memref<10000x128xf32, #tpu.memory_space<vmem_shared>>)
    %dma_wait3A_97 = arith.constant 248 : i32
    %dma_wait3A_98 = arith.constant 0 : i32
    %dma_wait3A_99 = tpu.memref_slice %arg7[%dma_wait3A_97, %dma_wait3A_98] : memref<250x40xi32, #tpu.memory_space<vmem>> -> memref<1x40xi32, #tpu.memory_space<vmem>>
    %dma_wait3A_100 = tpu.memref_squeeze %dma_wait3A_99 : memref<1x40xi32, #tpu.memory_space<vmem>> -> memref<40xi32, #tpu.memory_space<vmem>>
    %dma_wait3A_101 = arith.constant 0 : i32
    %dma_wait3A_102 = arith.constant 0 : i32
    %dma_wait3A_103 = tpu.memref_slice %arg13[%dma_wait3A_101, %dma_wait3A_102] : memref<10000x128xf32, #tpu.memory_space<vmem_shared>> -> memref<10000x128xf32, #tpu.memory_space<vmem_shared>>
    tpu.wait_indirect_dma semaphore(%arg22 : memref<!tpu.dma_semaphore, #tpu.memory_space<semaphore_mem>>) src(%arg11 : memref<40x128xf32, #tpu.memory_space<vmem>>) dst(%dma_wait3A_103 : memref<10000x128xf32, #tpu.memory_space<vmem_shared>>)
    %dma_wait3A_104 = arith.constant 249 : i32
    %dma_wait3A_105 = arith.constant 0 : i32
    %dma_wait3A_106 = tpu.memref_slice %arg7[%dma_wait3A_104, %dma_wait3A_105] : memref<250x40xi32, #tpu.memory_space<vmem>> -> memref<1x40xi32, #tpu.memory_space<vmem>>
    %dma_wait3A_107 = tpu.memref_squeeze %dma_wait3A_106 : memref<1x40xi32, #tpu.memory_space<vmem>> -> memref<40xi32, #tpu.memory_space<vmem>>
    %dma_wait3A_108 = arith.constant 0 : i32
    %dma_wait3A_109 = arith.constant 0 : i32
    %dma_wait3A_110 = tpu.memref_slice %arg13[%dma_wait3A_108, %dma_wait3A_109] : memref<10000x128xf32, #tpu.memory_space<vmem_shared>> -> memref<10000x128xf32, #tpu.memory_space<vmem_shared>>
    tpu.wait_indirect_dma semaphore(%arg23 : memref<!tpu.dma_semaphore, #tpu.memory_space<semaphore_mem>>) src(%arg12 : memref<40x128xf32, #tpu.memory_space<vmem>>) dst(%dma_wait3A_110 : memref<10000x128xf32, #tpu.memory_space<vmem_shared>>)
    %barrier3A_111 = arith.constant 0 : index
    tpu.barrier barrier_id(%barrier3A_111)
    %mul3A_112 = arith.constant 625 : i32
    %mul3A_113 = arith.muli %arg1, %mul3A_112 : i32
    %mul3A_114 = arith.constant 625 : i32
    %mul3A_115 = arith.muli %arg1, %mul3A_114 : i32
    "tpu.region"() ({
      %run_scoped3A = tpu.sem_alloc : memref<!tpu.dma_semaphore, #tpu.memory_space<semaphore_mem>>
      %dma_start3A_116 = arith.constant 0 : i32
      %dma_start3A_117 = tpu.memref_slice %arg5[%arg0, %mul3A_115, %dma_start3A_116] : memref<2x10000x128xf32, #tpu.memory_space<hbm>> -> memref<1x625x128xf32, #tpu.memory_space<hbm>>
      %dma_start3A_118 = tpu.memref_squeeze %dma_start3A_117 : memref<1x625x128xf32, #tpu.memory_space<hbm>> -> memref<625x128xf32, #tpu.memory_space<hbm>>
      %dma_start3A_119 = arith.constant 0 : i32
      %dma_start3A_120 = tpu.memref_slice %arg13[%mul3A_113, %dma_start3A_119] : memref<10000x128xf32, #tpu.memory_space<vmem_shared>> -> memref<625x128xf32, #tpu.memory_space<vmem_shared>>
      tpu.enqueue_dma source(%dma_start3A_120 : memref<625x128xf32, #tpu.memory_space<vmem_shared>>) target(%dma_start3A_118 : memref<625x128xf32, #tpu.memory_space<hbm>>) target_semaphore(%run_scoped3A : memref<!tpu.dma_semaphore, #tpu.memory_space<semaphore_mem>>)
      %dma_wait3A_121 = arith.constant 0 : i32
      %dma_wait3A_122 = tpu.memref_slice %arg5[%arg0, %mul3A_115, %dma_wait3A_121] : memref<2x10000x128xf32, #tpu.memory_space<hbm>> -> memref<1x625x128xf32, #tpu.memory_space<hbm>>
      %dma_wait3A_123 = tpu.memref_squeeze %dma_wait3A_122 : memref<1x625x128xf32, #tpu.memory_space<hbm>> -> memref<625x128xf32, #tpu.memory_space<hbm>>
      %dma_wait3A_124 = arith.constant 0 : i32
      %dma_wait3A_125 = tpu.memref_slice %arg13[%mul3A_113, %dma_wait3A_124] : memref<10000x128xf32, #tpu.memory_space<vmem_shared>> -> memref<625x128xf32, #tpu.memory_space<vmem_shared>>
      tpu.wait_dma2 semaphore(%run_scoped3A : memref<!tpu.dma_semaphore, #tpu.memory_space<semaphore_mem>>) src(%dma_wait3A_125 : memref<625x128xf32, #tpu.memory_space<vmem_shared>>) dst(%dma_wait3A_123 : memref<625x128xf32, #tpu.memory_space<hbm>>)
      tpu.yield
    }) : () -> ()
    return
  }
}

#map = affine_map<(d0, d1) -> (0, 0)>
#map1 = affine_map<(d0, d1) -> (0, 0, 0)>
module attributes {stable_mosaic.version = 14 : i64} {
  func.func @scatter_kernel(%arg0: i32, %arg1: i32, %arg2: memref<10000x128xf32, #tpu.memory_space<hbm>>, %arg3: memref<8000x40xi32, #tpu.memory_space<hbm>>, %arg4: memref<8000x40xi32, #tpu.memory_space<hbm>>, %arg5: memref<2x10000x128xf32, #tpu.memory_space<hbm>>, %arg6: memref<250x40xi32, #tpu.memory_space<vmem>>, %arg7: memref<250x40xi32, #tpu.memory_space<vmem>>, %arg8: memref<40x128xf32, #tpu.memory_space<vmem>>, %arg9: memref<40x128xf32, #tpu.memory_space<vmem>>, %arg10: memref<40x128xf32, #tpu.memory_space<vmem>>, %arg11: memref<40x128xf32, #tpu.memory_space<vmem>>, %arg12: memref<40x128xf32, #tpu.memory_space<vmem>>, %arg13: memref<10000x128xf32, #tpu.memory_space<vmem_shared>>, %arg14: memref<!tpu.dma_semaphore, #tpu.memory_space<semaphore_mem>>, %arg15: memref<!tpu.dma_semaphore, #tpu.memory_space<semaphore_mem>>, %arg16: memref<!tpu.dma_semaphore, #tpu.memory_space<semaphore_mem>>, %arg17: memref<!tpu.dma_semaphore, #tpu.memory_space<semaphore_mem>>, %arg18: memref<!tpu.dma_semaphore, #tpu.memory_space<semaphore_mem>>, %arg19: memref<!tpu.dma_semaphore, #tpu.memory_space<semaphore_mem>>, %arg20: memref<!tpu.dma_semaphore, #tpu.memory_space<semaphore_mem>>, %arg21: memref<!tpu.dma_semaphore, #tpu.memory_space<semaphore_mem>>, %arg22: memref<!tpu.dma_semaphore, #tpu.memory_space<semaphore_mem>>, %arg23: memref<!tpu.dma_semaphore, #tpu.memory_space<semaphore_mem>>) attributes {dimension_semantics = [#tpu.dimension_semantics<core_parallel>, #tpu.dimension_semantics<subcore_parallel>], iteration_bounds = array<i64: 2, 16>, scalar_prefetch = 0 : i64, scratch_operands = 18 : i64, tpu.core_type = #tpu.core_type<sc_vector_subcore>, window_params = [{transform_indices = #map}, {transform_indices = #map}, {transform_indices = #map}, {transform_indices = #map1}]} {
    %mul3A = arith.constant 2 : i32
    %mul3A_0 = arith.muli %arg1, %mul3A : i32
    %add3A = arith.addi %mul3A_0, %arg0 : i32
    %mul3A_1 = arith.constant 250 : i32
    %mul3A_2 = arith.muli %add3A, %mul3A_1 : i32
    %dma_start3A = arith.constant 0 : i32
    %dma_start3A_3 = tpu.memref_slice %arg3[%mul3A_2, %dma_start3A] : memref<8000x40xi32, #tpu.memory_space<hbm>> -> memref<250x40xi32, #tpu.memory_space<hbm>>
    %dma_start3A_4 = arith.constant 0 : i32
    %dma_start3A_5 = tpu.memref_slice %arg3[%mul3A_2, %dma_start3A_4] : memref<8000x40xi32, #tpu.memory_space<hbm>> -> memref<250x40xi32, #tpu.memory_space<hbm>>
    tpu.enqueue_dma source(%dma_start3A_5 : memref<250x40xi32, #tpu.memory_space<hbm>>) target(%arg6 : memref<250x40xi32, #tpu.memory_space<vmem>>) target_semaphore(%arg14 : memref<!tpu.dma_semaphore, #tpu.memory_space<semaphore_mem>>)
    %mul3A_6 = arith.constant 250 : i32
    %mul3A_7 = arith.muli %add3A, %mul3A_6 : i32
    %dma_start3A_8 = arith.constant 0 : i32
    %dma_start3A_9 = tpu.memref_slice %arg4[%mul3A_7, %dma_start3A_8] : memref<8000x40xi32, #tpu.memory_space<hbm>> -> memref<250x40xi32, #tpu.memory_space<hbm>>
    %dma_start3A_10 = arith.constant 0 : i32
    %dma_start3A_11 = tpu.memref_slice %arg4[%mul3A_7, %dma_start3A_10] : memref<8000x40xi32, #tpu.memory_space<hbm>> -> memref<250x40xi32, #tpu.memory_space<hbm>>
    tpu.enqueue_dma source(%dma_start3A_11 : memref<250x40xi32, #tpu.memory_space<hbm>>) target(%arg7 : memref<250x40xi32, #tpu.memory_space<vmem>>) target_semaphore(%arg15 : memref<!tpu.dma_semaphore, #tpu.memory_space<semaphore_mem>>)
    %broadcast_in_dim3A = arith.constant 0.000000e+00 : f32
    %broadcast_in_dim3A_12 = vector.broadcast %broadcast_in_dim3A : f32 to vector<16xf32>
    %scan3A = arith.constant 0 : i32
    %scan3A_13 = arith.constant 0 : i32
    %scan3A_14 = arith.constant 25 : i32
    %scan3A_15 = arith.addi %scan3A_13, %scan3A_14 : i32
    %scan3A_16 = arith.constant 1 : i32
    scf.for %scan3A_116 = %scan3A_13 to %scan3A_15 step %scan3A_16  : i32 {
      %swap3A = arith.index_cast %scan3A_116 : i32 to index
      %swap3A_117 = arith.constant 0 : index
      %swap3A_118 = tpu.vector_load %arg8[%swap3A, %swap3A_117] {strides = array<i32>} : memref<40x128xf32, #tpu.memory_space<vmem>>, vector<1x16xf32>,
      %swap3A_119 = vector.shape_cast %swap3A_118 : vector<1x16xf32> to vector<16xf32>
      %swap3A_120 = vector.shape_cast %broadcast_in_dim3A_12 : vector<16xf32> to vector<1x16xf32>
      tpu.vector_store %arg8[%swap3A, %swap3A_117], %swap3A_120 {strides = array<i32>} : memref<40x128xf32, #tpu.memory_space<vmem>>, vector<1x16xf32>,
      %swap3A_121 = arith.index_cast %scan3A_116 : i32 to index
      %swap3A_122 = arith.constant 16 : index
      %swap3A_123 = tpu.vector_load %arg8[%swap3A_121, %swap3A_122] {strides = array<i32>} : memref<40x128xf32, #tpu.memory_space<vmem>>, vector<1x16xf32>,
      %swap3A_124 = vector.shape_cast %swap3A_123 : vector<1x16xf32> to vector<16xf32>
      %swap3A_125 = vector.shape_cast %broadcast_in_dim3A_12 : vector<16xf32> to vector<1x16xf32>
      tpu.vector_store %arg8[%swap3A_121, %swap3A_122], %swap3A_125 {strides = array<i32>} : memref<40x128xf32, #tpu.memory_space<vmem>>, vector<1x16xf32>,
      %swap3A_126 = arith.index_cast %scan3A_116 : i32 to index
      %swap3A_127 = arith.constant 32 : index
      %swap3A_128 = tpu.vector_load %arg8[%swap3A_126, %swap3A_127] {strides = array<i32>} : memref<40x128xf32, #tpu.memory_space<vmem>>, vector<1x16xf32>,
      %swap3A_129 = vector.shape_cast %swap3A_128 : vector<1x16xf32> to vector<16xf32>
      %swap3A_130 = vector.shape_cast %broadcast_in_dim3A_12 : vector<16xf32> to vector<1x16xf32>
      tpu.vector_store %arg8[%swap3A_126, %swap3A_127], %swap3A_130 {strides = array<i32>} : memref<40x128xf32, #tpu.memory_space<vmem>>, vector<1x16xf32>,
      %swap3A_131 = arith.index_cast %scan3A_116 : i32 to index
      %swap3A_132 = arith.constant 48 : index
      %swap3A_133 = tpu.vector_load %arg8[%swap3A_131, %swap3A_132] {strides = array<i32>} : memref<40x128xf32, #tpu.memory_space<vmem>>, vector<1x16xf32>,
      %swap3A_134 = vector.shape_cast %swap3A_133 : vector<1x16xf32> to vector<16xf32>
      %swap3A_135 = vector.shape_cast %broadcast_in_dim3A_12 : vector<16xf32> to vector<1x16xf32>
      tpu.vector_store %arg8[%swap3A_131, %swap3A_132], %swap3A_135 {strides = array<i32>} : memref<40x128xf32, #tpu.memory_space<vmem>>, vector<1x16xf32>,
      %swap3A_136 = arith.index_cast %scan3A_116 : i32 to index
      %swap3A_137 = arith.constant 64 : index
      %swap3A_138 = tpu.vector_load %arg8[%swap3A_136, %swap3A_137] {strides = array<i32>} : memref<40x128xf32, #tpu.memory_space<vmem>>, vector<1x16xf32>,
      %swap3A_139 = vector.shape_cast %swap3A_138 : vector<1x16xf32> to vector<16xf32>
      %swap3A_140 = vector.shape_cast %broadcast_in_dim3A_12 : vector<16xf32> to vector<1x16xf32>
      tpu.vector_store %arg8[%swap3A_136, %swap3A_137], %swap3A_140 {strides = array<i32>} : memref<40x128xf32, #tpu.memory_space<vmem>>, vector<1x16xf32>,
      %swap3A_141 = arith.index_cast %scan3A_116 : i32 to index
      %swap3A_142 = arith.constant 80 : index
      %swap3A_143 = tpu.vector_load %arg8[%swap3A_141, %swap3A_142] {strides = array<i32>} : memref<40x128xf32, #tpu.memory_space<vmem>>, vector<1x16xf32>,
      %swap3A_144 = vector.shape_cast %swap3A_143 : vector<1x16xf32> to vector<16xf32>
      %swap3A_145 = vector.shape_cast %broadcast_in_dim3A_12 : vector<16xf32> to vector<1x16xf32>
      tpu.vector_store %arg8[%swap3A_141, %swap3A_142], %swap3A_145 {strides = array<i32>} : memref<40x128xf32, #tpu.memory_space<vmem>>, vector<1x16xf32>,
      %swap3A_146 = arith.index_cast %scan3A_116 : i32 to index
      %swap3A_147 = arith.constant 96 : index
      %swap3A_148 = tpu.vector_load %arg8[%swap3A_146, %swap3A_147] {strides = array<i32>} : memref<40x128xf32, #tpu.memory_space<vmem>>, vector<1x16xf32>,
      %swap3A_149 = vector.shape_cast %swap3A_148 : vector<1x16xf32> to vector<16xf32>
      %swap3A_150 = vector.shape_cast %broadcast_in_dim3A_12 : vector<16xf32> to vector<1x16xf32>
      tpu.vector_store %arg8[%swap3A_146, %swap3A_147], %swap3A_150 {strides = array<i32>} : memref<40x128xf32, #tpu.memory_space<vmem>>, vector<1x16xf32>,
      %swap3A_151 = arith.index_cast %scan3A_116 : i32 to index
      %swap3A_152 = arith.constant 112 : index
      %swap3A_153 = tpu.vector_load %arg8[%swap3A_151, %swap3A_152] {strides = array<i32>} : memref<40x128xf32, #tpu.memory_space<vmem>>, vector<1x16xf32>,
      %swap3A_154 = vector.shape_cast %swap3A_153 : vector<1x16xf32> to vector<16xf32>
      %swap3A_155 = vector.shape_cast %broadcast_in_dim3A_12 : vector<16xf32> to vector<1x16xf32>
      tpu.vector_store %arg8[%swap3A_151, %swap3A_152], %swap3A_155 {strides = array<i32>} : memref<40x128xf32, #tpu.memory_space<vmem>>, vector<1x16xf32>,
    }
    %scan3A_17 = arith.constant 25 : i32
    %mul3A_18 = arith.constant 250 : i32
    %mul3A_19 = arith.muli %add3A, %mul3A_18 : i32
    %dma_wait3A = arith.constant 0 : i32
    %dma_wait3A_20 = tpu.memref_slice %arg3[%mul3A_19, %dma_wait3A] : memref<8000x40xi32, #tpu.memory_space<hbm>> -> memref<250x40xi32, #tpu.memory_space<hbm>>
    %dma_wait3A_21 = arith.constant 0 : i32
    %dma_wait3A_22 = tpu.memref_slice %arg3[%mul3A_19, %dma_wait3A_21] : memref<8000x40xi32, #tpu.memory_space<hbm>> -> memref<250x40xi32, #tpu.memory_space<hbm>>
    tpu.wait_dma2 semaphore(%arg14 : memref<!tpu.dma_semaphore, #tpu.memory_space<semaphore_mem>>) src(%dma_wait3A_22 : memref<250x40xi32, #tpu.memory_space<hbm>>) dst(%arg6 : memref<250x40xi32, #tpu.memory_space<vmem>>)
    %mul3A_23 = arith.constant 250 : i32
    %mul3A_24 = arith.muli %add3A, %mul3A_23 : i32
    %dma_wait3A_25 = arith.constant 0 : i32
    %dma_wait3A_26 = tpu.memref_slice %arg4[%mul3A_24, %dma_wait3A_25] : memref<8000x40xi32, #tpu.memory_space<hbm>> -> memref<250x40xi32, #tpu.memory_space<hbm>>
    %dma_wait3A_27 = arith.constant 0 : i32
    %dma_wait3A_28 = tpu.memref_slice %arg4[%mul3A_24, %dma_wait3A_27] : memref<8000x40xi32, #tpu.memory_space<hbm>> -> memref<250x40xi32, #tpu.memory_space<hbm>>
    tpu.wait_dma2 semaphore(%arg15 : memref<!tpu.dma_semaphore, #tpu.memory_space<semaphore_mem>>) src(%dma_wait3A_28 : memref<250x40xi32, #tpu.memory_space<hbm>>) dst(%arg7 : memref<250x40xi32, #tpu.memory_space<vmem>>)
    %dma_start3A_29 = arith.constant 1 : i32
    %dma_start3A_30 = arith.constant 0 : i32
    %dma_start3A_31 = tpu.memref_slice %arg6[%dma_start3A_29, %dma_start3A_30] : memref<250x40xi32, #tpu.memory_space<vmem>> -> memref<1x40xi32, #tpu.memory_space<vmem>>
    %dma_start3A_32 = tpu.memref_squeeze %dma_start3A_31 : memref<1x40xi32, #tpu.memory_space<vmem>> -> memref<40xi32, #tpu.memory_space<vmem>>
    %dma_start3A_33 = arith.constant 0 : i32
    %dma_start3A_34 = arith.constant 0 : i32
    %dma_start3A_35 = tpu.memref_slice %arg2[%dma_start3A_33, %dma_start3A_34] : memref<10000x128xf32, #tpu.memory_space<hbm>> -> memref<10000x128xf32, #tpu.memory_space<hbm>>
    tpu.enqueue_indirect_dma source(%dma_start3A_35 : memref<10000x128xf32, #tpu.memory_space<hbm>>) target(%arg9 : memref<40x128xf32, #tpu.memory_space<vmem>>) offsets(%dma_start3A_32 : memref<40xi32, #tpu.memory_space<vmem>>) semaphore(%arg15 : memref<!tpu.dma_semaphore, #tpu.memory_space<semaphore_mem>>)
    %dma_start3A_36 = arith.constant 2 : i32
    %dma_start3A_37 = arith.constant 0 : i32
    %dma_start3A_38 = tpu.memref_slice %arg6[%dma_start3A_36, %dma_start3A_37] : memref<250x40xi32, #tpu.memory_space<vmem>> -> memref<1x40xi32, #tpu.memory_space<vmem>>
    %dma_start3A_39 = tpu.memref_squeeze %dma_start3A_38 : memref<1x40xi32, #tpu.memory_space<vmem>> -> memref<40xi32, #tpu.memory_space<vmem>>
    %dma_start3A_40 = arith.constant 0 : i32
    %dma_start3A_41 = arith.constant 0 : i32
    %dma_start3A_42 = tpu.memref_slice %arg2[%dma_start3A_40, %dma_start3A_41] : memref<10000x128xf32, #tpu.memory_space<hbm>> -> memref<10000x128xf32, #tpu.memory_space<hbm>>
    tpu.enqueue_indirect_dma source(%dma_start3A_42 : memref<10000x128xf32, #tpu.memory_space<hbm>>) target(%arg10 : memref<40x128xf32, #tpu.memory_space<vmem>>) offsets(%dma_start3A_39 : memref<40xi32, #tpu.memory_space<vmem>>) semaphore(%arg16 : memref<!tpu.dma_semaphore, #tpu.memory_space<semaphore_mem>>)
    %dma_start3A_43 = arith.constant 3 : i32
    %dma_start3A_44 = arith.constant 0 : i32
    %dma_start3A_45 = tpu.memref_slice %arg6[%dma_start3A_43, %dma_start3A_44] : memref<250x40xi32, #tpu.memory_space<vmem>> -> memref<1x40xi32, #tpu.memory_space<vmem>>
    %dma_start3A_46 = tpu.memref_squeeze %dma_start3A_45 : memref<1x40xi32, #tpu.memory_space<vmem>> -> memref<40xi32, #tpu.memory_space<vmem>>
    %dma_start3A_47 = arith.constant 0 : i32
    %dma_start3A_48 = arith.constant 0 : i32
    %dma_start3A_49 = tpu.memref_slice %arg2[%dma_start3A_47, %dma_start3A_48] : memref<10000x128xf32, #tpu.memory_space<hbm>> -> memref<10000x128xf32, #tpu.memory_space<hbm>>
    tpu.enqueue_indirect_dma source(%dma_start3A_49 : memref<10000x128xf32, #tpu.memory_space<hbm>>) target(%arg11 : memref<40x128xf32, #tpu.memory_space<vmem>>) offsets(%dma_start3A_46 : memref<40xi32, #tpu.memory_space<vmem>>) semaphore(%arg17 : memref<!tpu.dma_semaphore, #tpu.memory_space<semaphore_mem>>)
    %dma_start3A_50 = arith.constant 4 : i32
    %dma_start3A_51 = arith.constant 0 : i32
    %dma_start3A_52 = tpu.memref_slice %arg6[%dma_start3A_50, %dma_start3A_51] : memref<250x40xi32, #tpu.memory_space<vmem>> -> memref<1x40xi32, #tpu.memory_space<vmem>>
    %dma_start3A_53 = tpu.memref_squeeze %dma_start3A_52 : memref<1x40xi32, #tpu.memory_space<vmem>> -> memref<40xi32, #tpu.memory_space<vmem>>
    %dma_start3A_54 = arith.constant 0 : i32
    %dma_start3A_55 = arith.constant 0 : i32
    %dma_start3A_56 = tpu.memref_slice %arg2[%dma_start3A_54, %dma_start3A_55] : memref<10000x128xf32, #tpu.memory_space<hbm>> -> memref<10000x128xf32, #tpu.memory_space<hbm>>
    tpu.enqueue_indirect_dma source(%dma_start3A_56 : memref<10000x128xf32, #tpu.memory_space<hbm>>) target(%arg12 : memref<40x128xf32, #tpu.memory_space<vmem>>) offsets(%dma_start3A_53 : memref<40xi32, #tpu.memory_space<vmem>>) semaphore(%arg18 : memref<!tpu.dma_semaphore, #tpu.memory_space<semaphore_mem>>)
    %eq3A = arith.constant 0 : i32
    %eq3A_57 = arith.cmpi eq, %arg0, %eq3A : i32
    %convert_element_type3A = arith.extui %eq3A_57 : i1 to i32
    %cond3A = arith.constant 0 : i32
    %cond3A_58 = arith.cmpi ne, %convert_element_type3A, %cond3A : i32
    scf.if %cond3A_58 {
      %mul3A_116 = arith.constant 625 : i32
      %mul3A_117 = arith.muli %arg1, %mul3A_116 : i32
      %mul3A_118 = arith.constant 625 : i32
      %mul3A_119 = arith.muli %arg1, %mul3A_118 : i32
      "tpu.region"() ({
        %run_scoped3A = tpu.sem_alloc : memref<!tpu.dma_semaphore, #tpu.memory_space<semaphore_mem>>
        %dma_start3A_120 = arith.constant 0 : i32
        %dma_start3A_121 = tpu.memref_slice %arg13[%mul3A_119, %dma_start3A_120] : memref<10000x128xf32, #tpu.memory_space<vmem_shared>> -> memref<625x128xf32, #tpu.memory_space<vmem_shared>>
        %dma_start3A_122 = arith.constant 0 : i32
        %dma_start3A_123 = tpu.memref_slice %arg2[%mul3A_117, %dma_start3A_122] : memref<10000x128xf32, #tpu.memory_space<hbm>> -> memref<625x128xf32, #tpu.memory_space<hbm>>
        tpu.enqueue_dma source(%dma_start3A_123 : memref<625x128xf32, #tpu.memory_space<hbm>>) target(%dma_start3A_121 : memref<625x128xf32, #tpu.memory_space<vmem_shared>>) target_semaphore(%run_scoped3A : memref<!tpu.dma_semaphore, #tpu.memory_space<semaphore_mem>>)
        %dma_wait3A_124 = arith.constant 0 : i32
        %dma_wait3A_125 = tpu.memref_slice %arg13[%mul3A_119, %dma_wait3A_124] : memref<10000x128xf32, #tpu.memory_space<vmem_shared>> -> memref<625x128xf32, #tpu.memory_space<vmem_shared>>
        %dma_wait3A_126 = arith.constant 0 : i32
        %dma_wait3A_127 = tpu.memref_slice %arg2[%mul3A_117, %dma_wait3A_126] : memref<10000x128xf32, #tpu.memory_space<hbm>> -> memref<625x128xf32, #tpu.memory_space<hbm>>
        tpu.wait_dma2 semaphore(%run_scoped3A : memref<!tpu.dma_semaphore, #tpu.memory_space<semaphore_mem>>) src(%dma_wait3A_127 : memref<625x128xf32, #tpu.memory_space<hbm>>) dst(%dma_wait3A_125 : memref<625x128xf32, #tpu.memory_space<vmem_shared>>)
        tpu.yield
      }) : () -> ()
    } else {
    }
    %ne3A = arith.constant 0 : i32
    %ne3A_59 = arith.cmpi ne, %arg0, %ne3A : i32
    %convert_element_type3A_60 = arith.extui %ne3A_59 : i1 to i32
    %cond3A_61 = arith.constant 0 : i32
    %cond3A_62 = arith.cmpi ne, %convert_element_type3A_60, %cond3A_61 : i32
    scf.if %cond3A_62 {
      %scan3A_116 = arith.constant 0 : i32
      %scan3A_117 = arith.constant 0 : i32
      %scan3A_118 = arith.constant 25 : i32
      %scan3A_119 = arith.addi %scan3A_117, %scan3A_118 : i32
      %scan3A_120 = arith.constant 1 : i32
      scf.for %scan3A_122 = %scan3A_117 to %scan3A_119 step %scan3A_120  : i32 {
        %mul3A_123 = arith.constant 625 : i32
        %mul3A_124 = arith.muli %arg1, %mul3A_123 : i32
        %mul3A_125 = arith.constant 25 : i32
        %mul3A_126 = arith.muli %scan3A_122, %mul3A_125 : i32
        %add3A_127 = arith.addi %mul3A_124, %mul3A_126 : i32
        "tpu.region"() ({
          %run_scoped3A = tpu.sem_alloc : memref<!tpu.dma_semaphore, #tpu.memory_space<semaphore_mem>>
          %dma_start3A_128 = arith.constant 0 : i32
          %dma_start3A_129 = arith.constant 0 : i32
          %dma_start3A_130 = tpu.memref_slice %arg8[%dma_start3A_128, %dma_start3A_129] : memref<40x128xf32, #tpu.memory_space<vmem>> -> memref<25x128xf32, #tpu.memory_space<vmem>>
          %dma_start3A_131 = arith.constant 0 : i32
          %dma_start3A_132 = tpu.memref_slice %arg13[%add3A_127, %dma_start3A_131] : memref<10000x128xf32, #tpu.memory_space<vmem_shared>> -> memref<25x128xf32, #tpu.memory_space<vmem_shared>>
          %dma_start3A_133 = arith.constant 0 : i32
          %dma_start3A_134 = tpu.memref_slice %arg13[%add3A_127, %dma_start3A_133] : memref<10000x128xf32, #tpu.memory_space<vmem_shared>> -> memref<25x128xf32, #tpu.memory_space<vmem_shared>>
          %dma_start3A_135 = arith.constant 0 : i32
          %dma_start3A_136 = arith.constant 0 : i32
          %dma_start3A_137 = tpu.memref_slice %arg8[%dma_start3A_135, %dma_start3A_136] : memref<40x128xf32, #tpu.memory_space<vmem>> -> memref<25x128xf32, #tpu.memory_space<vmem>>
          tpu.enqueue_dma source(%dma_start3A_137 : memref<25x128xf32, #tpu.memory_space<vmem>>) target(%dma_start3A_134 : memref<25x128xf32, #tpu.memory_space<vmem_shared>>) target_semaphore(%run_scoped3A : memref<!tpu.dma_semaphore, #tpu.memory_space<semaphore_mem>>)
          %dma_wait3A_138 = arith.constant 0 : i32
          %dma_wait3A_139 = arith.constant 0 : i32
          %dma_wait3A_140 = tpu.memref_slice %arg8[%dma_wait3A_138, %dma_wait3A_139] : memref<40x128xf32, #tpu.memory_space<vmem>> -> memref<25x128xf32, #tpu.memory_space<vmem>>
          %dma_wait3A_141 = arith.constant 0 : i32
          %dma_wait3A_142 = tpu.memref_slice %arg13[%add3A_127, %dma_wait3A_141] : memref<10000x128xf32, #tpu.memory_space<vmem_shared>> -> memref<25x128xf32, #tpu.memory_space<vmem_shared>>
          %dma_wait3A_143 = arith.constant 0 : i32
          %dma_wait3A_144 = tpu.memref_slice %arg13[%add3A_127, %dma_wait3A_143] : memref<10000x128xf32, #tpu.memory_space<vmem_shared>> -> memref<25x128xf32, #tpu.memory_space<vmem_shared>>
          %dma_wait3A_145 = arith.constant 0 : i32
          %dma_wait3A_146 = arith.constant 0 : i32
          %dma_wait3A_147 = tpu.memref_slice %arg8[%dma_wait3A_145, %dma_wait3A_146] : memref<40x128xf32, #tpu.memory_space<vmem>> -> memref<25x128xf32, #tpu.memory_space<vmem>>
          tpu.wait_dma2 semaphore(%run_scoped3A : memref<!tpu.dma_semaphore, #tpu.memory_space<semaphore_mem>>) src(%dma_wait3A_147 : memref<25x128xf32, #tpu.memory_space<vmem>>) dst(%dma_wait3A_144 : memref<25x128xf32, #tpu.memory_space<vmem_shared>>)
          tpu.yield
        }) : () -> ()
      }
      %scan3A_121 = arith.constant 25 : i32
    } else {
    }
    %barrier3A = arith.constant 0 : index
    tpu.barrier barrier_id(%barrier3A)
    %dma_start3A_63 = arith.constant 0 : i32
    %dma_start3A_64 = arith.constant 0 : i32
    %dma_start3A_65 = tpu.memref_slice %arg6[%dma_start3A_63, %dma_start3A_64] : memref<250x40xi32, #tpu.memory_space<vmem>> -> memref<1x40xi32, #tpu.memory_space<vmem>>
    %dma_start3A_66 = tpu.memref_squeeze %dma_start3A_65 : memref<1x40xi32, #tpu.memory_space<vmem>> -> memref<40xi32, #tpu.memory_space<vmem>>
    %dma_start3A_67 = arith.constant 0 : i32
    %dma_start3A_68 = arith.constant 0 : i32
    %dma_start3A_69 = tpu.memref_slice %arg2[%dma_start3A_67, %dma_start3A_68] : memref<10000x128xf32, #tpu.memory_space<hbm>> -> memref<10000x128xf32, #tpu.memory_space<hbm>>
    tpu.enqueue_indirect_dma source(%dma_start3A_69 : memref<10000x128xf32, #tpu.memory_space<hbm>>) target(%arg8 : memref<40x128xf32, #tpu.memory_space<vmem>>) offsets(%dma_start3A_66 : memref<40xi32, #tpu.memory_space<vmem>>) semaphore(%arg14 : memref<!tpu.dma_semaphore, #tpu.memory_space<semaphore_mem>>)
    %scan3A_70 = arith.constant 0 : i32
    %scan3A_71 = arith.constant 0 : i32
    %scan3A_72 = arith.constant 50 : i32
    %scan3A_73 = arith.addi %scan3A_71, %scan3A_72 : i32
    %scan3A_74 = arith.constant 1 : i32
    scf.for %scan3A_116 = %scan3A_71 to %scan3A_73 step %scan3A_74  : i32 {
      %mul3A_117 = arith.constant 5 : i32
      %mul3A_118 = arith.muli %scan3A_116, %mul3A_117 : i32
      %add3A_119 = arith.constant 0 : i32
      %add3A_120 = arith.addi %mul3A_118, %add3A_119 : i32
      %dma_wait3A_121 = arith.constant 0 : i32
      %dma_wait3A_122 = tpu.memref_slice %arg6[%add3A_120, %dma_wait3A_121] : memref<250x40xi32, #tpu.memory_space<vmem>> -> memref<1x40xi32, #tpu.memory_space<vmem>>
      %dma_wait3A_123 = tpu.memref_squeeze %dma_wait3A_122 : memref<1x40xi32, #tpu.memory_space<vmem>> -> memref<40xi32, #tpu.memory_space<vmem>>
      %dma_wait3A_124 = arith.constant 0 : i32
      %dma_wait3A_125 = arith.constant 0 : i32
      %dma_wait3A_126 = tpu.memref_slice %arg2[%dma_wait3A_124, %dma_wait3A_125] : memref<10000x128xf32, #tpu.memory_space<hbm>> -> memref<10000x128xf32, #tpu.memory_space<hbm>>
      tpu.wait_indirect_dma semaphore(%arg14 : memref<!tpu.dma_semaphore, #tpu.memory_space<semaphore_mem>>) src(%dma_wait3A_126 : memref<10000x128xf32, #tpu.memory_space<hbm>>) dst(%arg8 : memref<40x128xf32, #tpu.memory_space<vmem>>)
      %add3A_127 = arith.constant 0 : i32
      %add3A_128 = arith.addi %mul3A_118, %add3A_127 : i32
      %dma_start3A_129 = arith.constant 0 : i32
      %dma_start3A_130 = tpu.memref_slice %arg7[%add3A_128, %dma_start3A_129] : memref<250x40xi32, #tpu.memory_space<vmem>> -> memref<1x40xi32, #tpu.memory_space<vmem>>
      %dma_start3A_131 = tpu.memref_squeeze %dma_start3A_130 : memref<1x40xi32, #tpu.memory_space<vmem>> -> memref<40xi32, #tpu.memory_space<vmem>>
      %dma_start3A_132 = arith.constant 0 : i32
      %dma_start3A_133 = arith.constant 0 : i32
      %dma_start3A_134 = tpu.memref_slice %arg13[%dma_start3A_132, %dma_start3A_133] : memref<10000x128xf32, #tpu.memory_space<vmem_shared>> -> memref<10000x128xf32, #tpu.memory_space<vmem_shared>>
      tpu.enqueue_indirect_dma source(%arg8 : memref<40x128xf32, #tpu.memory_space<vmem>>) target(%dma_start3A_134 : memref<10000x128xf32, #tpu.memory_space<vmem_shared>>) offsets(%dma_start3A_131 : memref<40xi32, #tpu.memory_space<vmem>>) semaphore(%arg19 : memref<!tpu.dma_semaphore, #tpu.memory_space<semaphore_mem>>) {add = true}
      %add3A_135 = arith.constant 1 : i32
      %add3A_136 = arith.addi %mul3A_118, %add3A_135 : i32
      %dma_wait3A_137 = arith.constant 0 : i32
      %dma_wait3A_138 = tpu.memref_slice %arg6[%add3A_136, %dma_wait3A_137] : memref<250x40xi32, #tpu.memory_space<vmem>> -> memref<1x40xi32, #tpu.memory_space<vmem>>
      %dma_wait3A_139 = tpu.memref_squeeze %dma_wait3A_138 : memref<1x40xi32, #tpu.memory_space<vmem>> -> memref<40xi32, #tpu.memory_space<vmem>>
      %dma_wait3A_140 = arith.constant 0 : i32
      %dma_wait3A_141 = arith.constant 0 : i32
      %dma_wait3A_142 = tpu.memref_slice %arg2[%dma_wait3A_140, %dma_wait3A_141] : memref<10000x128xf32, #tpu.memory_space<hbm>> -> memref<10000x128xf32, #tpu.memory_space<hbm>>
      tpu.wait_indirect_dma semaphore(%arg15 : memref<!tpu.dma_semaphore, #tpu.memory_space<semaphore_mem>>) src(%dma_wait3A_142 : memref<10000x128xf32, #tpu.memory_space<hbm>>) dst(%arg9 : memref<40x128xf32, #tpu.memory_space<vmem>>)
      %add3A_143 = arith.constant 1 : i32
      %add3A_144 = arith.addi %mul3A_118, %add3A_143 : i32
      %dma_start3A_145 = arith.constant 0 : i32
      %dma_start3A_146 = tpu.memref_slice %arg7[%add3A_144, %dma_start3A_145] : memref<250x40xi32, #tpu.memory_space<vmem>> -> memref<1x40xi32, #tpu.memory_space<vmem>>
      %dma_start3A_147 = tpu.memref_squeeze %dma_start3A_146 : memref<1x40xi32, #tpu.memory_space<vmem>> -> memref<40xi32, #tpu.memory_space<vmem>>
      %dma_start3A_148 = arith.constant 0 : i32
      %dma_start3A_149 = arith.constant 0 : i32
      %dma_start3A_150 = tpu.memref_slice %arg13[%dma_start3A_148, %dma_start3A_149] : memref<10000x128xf32, #tpu.memory_space<vmem_shared>> -> memref<10000x128xf32, #tpu.memory_space<vmem_shared>>
      tpu.enqueue_indirect_dma source(%arg9 : memref<40x128xf32, #tpu.memory_space<vmem>>) target(%dma_start3A_150 : memref<10000x128xf32, #tpu.memory_space<vmem_shared>>) offsets(%dma_start3A_147 : memref<40xi32, #tpu.memory_space<vmem>>) semaphore(%arg20 : memref<!tpu.dma_semaphore, #tpu.memory_space<semaphore_mem>>) {add = true}
      %add3A_151 = arith.constant 2 : i32
      %add3A_152 = arith.addi %mul3A_118, %add3A_151 : i32
      %dma_wait3A_153 = arith.constant 0 : i32
      %dma_wait3A_154 = tpu.memref_slice %arg6[%add3A_152, %dma_wait3A_153] : memref<250x40xi32, #tpu.memory_space<vmem>> -> memref<1x40xi32, #tpu.memory_space<vmem>>
      %dma_wait3A_155 = tpu.memref_squeeze %dma_wait3A_154 : memref<1x40xi32, #tpu.memory_space<vmem>> -> memref<40xi32, #tpu.memory_space<vmem>>
      %dma_wait3A_156 = arith.constant 0 : i32
      %dma_wait3A_157 = arith.constant 0 : i32
      %dma_wait3A_158 = tpu.memref_slice %arg2[%dma_wait3A_156, %dma_wait3A_157] : memref<10000x128xf32, #tpu.memory_space<hbm>> -> memref<10000x128xf32, #tpu.memory_space<hbm>>
      tpu.wait_indirect_dma semaphore(%arg16 : memref<!tpu.dma_semaphore, #tpu.memory_space<semaphore_mem>>) src(%dma_wait3A_158 : memref<10000x128xf32, #tpu.memory_space<hbm>>) dst(%arg10 : memref<40x128xf32, #tpu.memory_space<vmem>>)
      %add3A_159 = arith.constant 2 : i32
      %add3A_160 = arith.addi %mul3A_118, %add3A_159 : i32
      %dma_start3A_161 = arith.constant 0 : i32
      %dma_start3A_162 = tpu.memref_slice %arg7[%add3A_160, %dma_start3A_161] : memref<250x40xi32, #tpu.memory_space<vmem>> -> memref<1x40xi32, #tpu.memory_space<vmem>>
      %dma_start3A_163 = tpu.memref_squeeze %dma_start3A_162 : memref<1x40xi32, #tpu.memory_space<vmem>> -> memref<40xi32, #tpu.memory_space<vmem>>
      %dma_start3A_164 = arith.constant 0 : i32
      %dma_start3A_165 = arith.constant 0 : i32
      %dma_start3A_166 = tpu.memref_slice %arg13[%dma_start3A_164, %dma_start3A_165] : memref<10000x128xf32, #tpu.memory_space<vmem_shared>> -> memref<10000x128xf32, #tpu.memory_space<vmem_shared>>
      tpu.enqueue_indirect_dma source(%arg10 : memref<40x128xf32, #tpu.memory_space<vmem>>) target(%dma_start3A_166 : memref<10000x128xf32, #tpu.memory_space<vmem_shared>>) offsets(%dma_start3A_163 : memref<40xi32, #tpu.memory_space<vmem>>) semaphore(%arg21 : memref<!tpu.dma_semaphore, #tpu.memory_space<semaphore_mem>>) {add = true}
      %add3A_167 = arith.constant 3 : i32
      %add3A_168 = arith.addi %mul3A_118, %add3A_167 : i32
      %dma_wait3A_169 = arith.constant 0 : i32
      %dma_wait3A_170 = tpu.memref_slice %arg6[%add3A_168, %dma_wait3A_169] : memref<250x40xi32, #tpu.memory_space<vmem>> -> memref<1x40xi32, #tpu.memory_space<vmem>>
      %dma_wait3A_171 = tpu.memref_squeeze %dma_wait3A_170 : memref<1x40xi32, #tpu.memory_space<vmem>> -> memref<40xi32, #tpu.memory_space<vmem>>
      %dma_wait3A_172 = arith.constant 0 : i32
      %dma_wait3A_173 = arith.constant 0 : i32
      %dma_wait3A_174 = tpu.memref_slice %arg2[%dma_wait3A_172, %dma_wait3A_173] : memref<10000x128xf32, #tpu.memory_space<hbm>> -> memref<10000x128xf32, #tpu.memory_space<hbm>>
      tpu.wait_indirect_dma semaphore(%arg17 : memref<!tpu.dma_semaphore, #tpu.memory_space<semaphore_mem>>) src(%dma_wait3A_174 : memref<10000x128xf32, #tpu.memory_space<hbm>>) dst(%arg11 : memref<40x128xf32, #tpu.memory_space<vmem>>)
      %add3A_175 = arith.constant 3 : i32
      %add3A_176 = arith.addi %mul3A_118, %add3A_175 : i32
      %dma_start3A_177 = arith.constant 0 : i32
      %dma_start3A_178 = tpu.memref_slice %arg7[%add3A_176, %dma_start3A_177] : memref<250x40xi32, #tpu.memory_space<vmem>> -> memref<1x40xi32, #tpu.memory_space<vmem>>
      %dma_start3A_179 = tpu.memref_squeeze %dma_start3A_178 : memref<1x40xi32, #tpu.memory_space<vmem>> -> memref<40xi32, #tpu.memory_space<vmem>>
      %dma_start3A_180 = arith.constant 0 : i32
      %dma_start3A_181 = arith.constant 0 : i32
      %dma_start3A_182 = tpu.memref_slice %arg13[%dma_start3A_180, %dma_start3A_181] : memref<10000x128xf32, #tpu.memory_space<vmem_shared>> -> memref<10000x128xf32, #tpu.memory_space<vmem_shared>>
      tpu.enqueue_indirect_dma source(%arg11 : memref<40x128xf32, #tpu.memory_space<vmem>>) target(%dma_start3A_182 : memref<10000x128xf32, #tpu.memory_space<vmem_shared>>) offsets(%dma_start3A_179 : memref<40xi32, #tpu.memory_space<vmem>>) semaphore(%arg22 : memref<!tpu.dma_semaphore, #tpu.memory_space<semaphore_mem>>) {add = true}
      %add3A_183 = arith.constant 4 : i32
      %add3A_184 = arith.addi %mul3A_118, %add3A_183 : i32
      %dma_wait3A_185 = arith.constant 0 : i32
      %dma_wait3A_186 = tpu.memref_slice %arg6[%add3A_184, %dma_wait3A_185] : memref<250x40xi32, #tpu.memory_space<vmem>> -> memref<1x40xi32, #tpu.memory_space<vmem>>
      %dma_wait3A_187 = tpu.memref_squeeze %dma_wait3A_186 : memref<1x40xi32, #tpu.memory_space<vmem>> -> memref<40xi32, #tpu.memory_space<vmem>>
      %dma_wait3A_188 = arith.constant 0 : i32
      %dma_wait3A_189 = arith.constant 0 : i32
      %dma_wait3A_190 = tpu.memref_slice %arg2[%dma_wait3A_188, %dma_wait3A_189] : memref<10000x128xf32, #tpu.memory_space<hbm>> -> memref<10000x128xf32, #tpu.memory_space<hbm>>
      tpu.wait_indirect_dma semaphore(%arg18 : memref<!tpu.dma_semaphore, #tpu.memory_space<semaphore_mem>>) src(%dma_wait3A_190 : memref<10000x128xf32, #tpu.memory_space<hbm>>) dst(%arg12 : memref<40x128xf32, #tpu.memory_space<vmem>>)
      %add3A_191 = arith.constant 4 : i32
      %add3A_192 = arith.addi %mul3A_118, %add3A_191 : i32
      %dma_start3A_193 = arith.constant 0 : i32
      %dma_start3A_194 = tpu.memref_slice %arg7[%add3A_192, %dma_start3A_193] : memref<250x40xi32, #tpu.memory_space<vmem>> -> memref<1x40xi32, #tpu.memory_space<vmem>>
      %dma_start3A_195 = tpu.memref_squeeze %dma_start3A_194 : memref<1x40xi32, #tpu.memory_space<vmem>> -> memref<40xi32, #tpu.memory_space<vmem>>
      %dma_start3A_196 = arith.constant 0 : i32
      %dma_start3A_197 = arith.constant 0 : i32
      %dma_start3A_198 = tpu.memref_slice %arg13[%dma_start3A_196, %dma_start3A_197] : memref<10000x128xf32, #tpu.memory_space<vmem_shared>> -> memref<10000x128xf32, #tpu.memory_space<vmem_shared>>
      tpu.enqueue_indirect_dma source(%arg12 : memref<40x128xf32, #tpu.memory_space<vmem>>) target(%dma_start3A_198 : memref<10000x128xf32, #tpu.memory_space<vmem_shared>>) offsets(%dma_start3A_195 : memref<40xi32, #tpu.memory_space<vmem>>) semaphore(%arg23 : memref<!tpu.dma_semaphore, #tpu.memory_space<semaphore_mem>>) {add = true}
      %lt3A = arith.constant 49 : i32
      %lt3A_199 = arith.cmpi slt, %scan3A_116, %lt3A : i32
      %convert_element_type3A_200 = arith.extui %lt3A_199 : i1 to i32
      %cond3A_201 = arith.constant 0 : i32
      %cond3A_202 = arith.cmpi ne, %convert_element_type3A_200, %cond3A_201 : i32
      scf.if %cond3A_202 {
        %add3A_203 = arith.constant 0 : i32
        %add3A_204 = arith.addi %mul3A_118, %add3A_203 : i32
        %dma_wait3A_205 = arith.constant 0 : i32
        %dma_wait3A_206 = tpu.memref_slice %arg7[%add3A_204, %dma_wait3A_205] : memref<250x40xi32, #tpu.memory_space<vmem>> -> memref<1x40xi32, #tpu.memory_space<vmem>>
        %dma_wait3A_207 = tpu.memref_squeeze %dma_wait3A_206 : memref<1x40xi32, #tpu.memory_space<vmem>> -> memref<40xi32, #tpu.memory_space<vmem>>
        %dma_wait3A_208 = arith.constant 0 : i32
        %dma_wait3A_209 = arith.constant 0 : i32
        %dma_wait3A_210 = tpu.memref_slice %arg13[%dma_wait3A_208, %dma_wait3A_209] : memref<10000x128xf32, #tpu.memory_space<vmem_shared>> -> memref<10000x128xf32, #tpu.memory_space<vmem_shared>>
        tpu.wait_indirect_dma semaphore(%arg19 : memref<!tpu.dma_semaphore, #tpu.memory_space<semaphore_mem>>) src(%arg8 : memref<40x128xf32, #tpu.memory_space<vmem>>) dst(%dma_wait3A_210 : memref<10000x128xf32, #tpu.memory_space<vmem_shared>>)
        %add3A_211 = arith.constant 5 : i32
        %add3A_212 = arith.addi %mul3A_118, %add3A_211 : i32
        %add3A_213 = arith.constant 0 : i32
        %add3A_214 = arith.addi %add3A_212, %add3A_213 : i32
        %dma_start3A_215 = arith.constant 0 : i32
        %dma_start3A_216 = tpu.memref_slice %arg6[%add3A_214, %dma_start3A_215] : memref<250x40xi32, #tpu.memory_space<vmem>> -> memref<1x40xi32, #tpu.memory_space<vmem>>
        %dma_start3A_217 = tpu.memref_squeeze %dma_start3A_216 : memref<1x40xi32, #tpu.memory_space<vmem>> -> memref<40xi32, #tpu.memory_space<vmem>>
        %dma_start3A_218 = arith.constant 0 : i32
        %dma_start3A_219 = arith.constant 0 : i32
        %dma_start3A_220 = tpu.memref_slice %arg2[%dma_start3A_218, %dma_start3A_219] : memref<10000x128xf32, #tpu.memory_space<hbm>> -> memref<10000x128xf32, #tpu.memory_space<hbm>>
        tpu.enqueue_indirect_dma source(%dma_start3A_220 : memref<10000x128xf32, #tpu.memory_space<hbm>>) target(%arg8 : memref<40x128xf32, #tpu.memory_space<vmem>>) offsets(%dma_start3A_217 : memref<40xi32, #tpu.memory_space<vmem>>) semaphore(%arg14 : memref<!tpu.dma_semaphore, #tpu.memory_space<semaphore_mem>>)
        %add3A_221 = arith.constant 1 : i32
        %add3A_222 = arith.addi %mul3A_118, %add3A_221 : i32
        %dma_wait3A_223 = arith.constant 0 : i32
        %dma_wait3A_224 = tpu.memref_slice %arg7[%add3A_222, %dma_wait3A_223] : memref<250x40xi32, #tpu.memory_space<vmem>> -> memref<1x40xi32, #tpu.memory_space<vmem>>
        %dma_wait3A_225 = tpu.memref_squeeze %dma_wait3A_224 : memref<1x40xi32, #tpu.memory_space<vmem>> -> memref<40xi32, #tpu.memory_space<vmem>>
        %dma_wait3A_226 = arith.constant 0 : i32
        %dma_wait3A_227 = arith.constant 0 : i32
        %dma_wait3A_228 = tpu.memref_slice %arg13[%dma_wait3A_226, %dma_wait3A_227] : memref<10000x128xf32, #tpu.memory_space<vmem_shared>> -> memref<10000x128xf32, #tpu.memory_space<vmem_shared>>
        tpu.wait_indirect_dma semaphore(%arg20 : memref<!tpu.dma_semaphore, #tpu.memory_space<semaphore_mem>>) src(%arg9 : memref<40x128xf32, #tpu.memory_space<vmem>>) dst(%dma_wait3A_228 : memref<10000x128xf32, #tpu.memory_space<vmem_shared>>)
        %add3A_229 = arith.constant 5 : i32
        %add3A_230 = arith.addi %mul3A_118, %add3A_229 : i32
        %add3A_231 = arith.constant 1 : i32
        %add3A_232 = arith.addi %add3A_230, %add3A_231 : i32
        %dma_start3A_233 = arith.constant 0 : i32
        %dma_start3A_234 = tpu.memref_slice %arg6[%add3A_232, %dma_start3A_233] : memref<250x40xi32, #tpu.memory_space<vmem>> -> memref<1x40xi32, #tpu.memory_space<vmem>>
        %dma_start3A_235 = tpu.memref_squeeze %dma_start3A_234 : memref<1x40xi32, #tpu.memory_space<vmem>> -> memref<40xi32, #tpu.memory_space<vmem>>
        %dma_start3A_236 = arith.constant 0 : i32
        %dma_start3A_237 = arith.constant 0 : i32
        %dma_start3A_238 = tpu.memref_slice %arg2[%dma_start3A_236, %dma_start3A_237] : memref<10000x128xf32, #tpu.memory_space<hbm>> -> memref<10000x128xf32, #tpu.memory_space<hbm>>
        tpu.enqueue_indirect_dma source(%dma_start3A_238 : memref<10000x128xf32, #tpu.memory_space<hbm>>) target(%arg9 : memref<40x128xf32, #tpu.memory_space<vmem>>) offsets(%dma_start3A_235 : memref<40xi32, #tpu.memory_space<vmem>>) semaphore(%arg15 : memref<!tpu.dma_semaphore, #tpu.memory_space<semaphore_mem>>)
        %add3A_239 = arith.constant 2 : i32
        %add3A_240 = arith.addi %mul3A_118, %add3A_239 : i32
        %dma_wait3A_241 = arith.constant 0 : i32
        %dma_wait3A_242 = tpu.memref_slice %arg7[%add3A_240, %dma_wait3A_241] : memref<250x40xi32, #tpu.memory_space<vmem>> -> memref<1x40xi32, #tpu.memory_space<vmem>>
        %dma_wait3A_243 = tpu.memref_squeeze %dma_wait3A_242 : memref<1x40xi32, #tpu.memory_space<vmem>> -> memref<40xi32, #tpu.memory_space<vmem>>
        %dma_wait3A_244 = arith.constant 0 : i32
        %dma_wait3A_245 = arith.constant 0 : i32
        %dma_wait3A_246 = tpu.memref_slice %arg13[%dma_wait3A_244, %dma_wait3A_245] : memref<10000x128xf32, #tpu.memory_space<vmem_shared>> -> memref<10000x128xf32, #tpu.memory_space<vmem_shared>>
        tpu.wait_indirect_dma semaphore(%arg21 : memref<!tpu.dma_semaphore, #tpu.memory_space<semaphore_mem>>) src(%arg10 : memref<40x128xf32, #tpu.memory_space<vmem>>) dst(%dma_wait3A_246 : memref<10000x128xf32, #tpu.memory_space<vmem_shared>>)
        %add3A_247 = arith.constant 5 : i32
        %add3A_248 = arith.addi %mul3A_118, %add3A_247 : i32
        %add3A_249 = arith.constant 2 : i32
        %add3A_250 = arith.addi %add3A_248, %add3A_249 : i32
        %dma_start3A_251 = arith.constant 0 : i32
        %dma_start3A_252 = tpu.memref_slice %arg6[%add3A_250, %dma_start3A_251] : memref<250x40xi32, #tpu.memory_space<vmem>> -> memref<1x40xi32, #tpu.memory_space<vmem>>
        %dma_start3A_253 = tpu.memref_squeeze %dma_start3A_252 : memref<1x40xi32, #tpu.memory_space<vmem>> -> memref<40xi32, #tpu.memory_space<vmem>>
        %dma_start3A_254 = arith.constant 0 : i32
        %dma_start3A_255 = arith.constant 0 : i32
        %dma_start3A_256 = tpu.memref_slice %arg2[%dma_start3A_254, %dma_start3A_255] : memref<10000x128xf32, #tpu.memory_space<hbm>> -> memref<10000x128xf32, #tpu.memory_space<hbm>>
        tpu.enqueue_indirect_dma source(%dma_start3A_256 : memref<10000x128xf32, #tpu.memory_space<hbm>>) target(%arg10 : memref<40x128xf32, #tpu.memory_space<vmem>>) offsets(%dma_start3A_253 : memref<40xi32, #tpu.memory_space<vmem>>) semaphore(%arg16 : memref<!tpu.dma_semaphore, #tpu.memory_space<semaphore_mem>>)
        %add3A_257 = arith.constant 3 : i32
        %add3A_258 = arith.addi %mul3A_118, %add3A_257 : i32
        %dma_wait3A_259 = arith.constant 0 : i32
        %dma_wait3A_260 = tpu.memref_slice %arg7[%add3A_258, %dma_wait3A_259] : memref<250x40xi32, #tpu.memory_space<vmem>> -> memref<1x40xi32, #tpu.memory_space<vmem>>
        %dma_wait3A_261 = tpu.memref_squeeze %dma_wait3A_260 : memref<1x40xi32, #tpu.memory_space<vmem>> -> memref<40xi32, #tpu.memory_space<vmem>>
        %dma_wait3A_262 = arith.constant 0 : i32
        %dma_wait3A_263 = arith.constant 0 : i32
        %dma_wait3A_264 = tpu.memref_slice %arg13[%dma_wait3A_262, %dma_wait3A_263] : memref<10000x128xf32, #tpu.memory_space<vmem_shared>> -> memref<10000x128xf32, #tpu.memory_space<vmem_shared>>
        tpu.wait_indirect_dma semaphore(%arg22 : memref<!tpu.dma_semaphore, #tpu.memory_space<semaphore_mem>>) src(%arg11 : memref<40x128xf32, #tpu.memory_space<vmem>>) dst(%dma_wait3A_264 : memref<10000x128xf32, #tpu.memory_space<vmem_shared>>)
        %add3A_265 = arith.constant 5 : i32
        %add3A_266 = arith.addi %mul3A_118, %add3A_265 : i32
        %add3A_267 = arith.constant 3 : i32
        %add3A_268 = arith.addi %add3A_266, %add3A_267 : i32
        %dma_start3A_269 = arith.constant 0 : i32
        %dma_start3A_270 = tpu.memref_slice %arg6[%add3A_268, %dma_start3A_269] : memref<250x40xi32, #tpu.memory_space<vmem>> -> memref<1x40xi32, #tpu.memory_space<vmem>>
        %dma_start3A_271 = tpu.memref_squeeze %dma_start3A_270 : memref<1x40xi32, #tpu.memory_space<vmem>> -> memref<40xi32, #tpu.memory_space<vmem>>
        %dma_start3A_272 = arith.constant 0 : i32
        %dma_start3A_273 = arith.constant 0 : i32
        %dma_start3A_274 = tpu.memref_slice %arg2[%dma_start3A_272, %dma_start3A_273] : memref<10000x128xf32, #tpu.memory_space<hbm>> -> memref<10000x128xf32, #tpu.memory_space<hbm>>
        tpu.enqueue_indirect_dma source(%dma_start3A_274 : memref<10000x128xf32, #tpu.memory_space<hbm>>) target(%arg11 : memref<40x128xf32, #tpu.memory_space<vmem>>) offsets(%dma_start3A_271 : memref<40xi32, #tpu.memory_space<vmem>>) semaphore(%arg17 : memref<!tpu.dma_semaphore, #tpu.memory_space<semaphore_mem>>)
        %add3A_275 = arith.constant 4 : i32
        %add3A_276 = arith.addi %mul3A_118, %add3A_275 : i32
        %dma_wait3A_277 = arith.constant 0 : i32
        %dma_wait3A_278 = tpu.memref_slice %arg7[%add3A_276, %dma_wait3A_277] : memref<250x40xi32, #tpu.memory_space<vmem>> -> memref<1x40xi32, #tpu.memory_space<vmem>>
        %dma_wait3A_279 = tpu.memref_squeeze %dma_wait3A_278 : memref<1x40xi32, #tpu.memory_space<vmem>> -> memref<40xi32, #tpu.memory_space<vmem>>
        %dma_wait3A_280 = arith.constant 0 : i32
        %dma_wait3A_281 = arith.constant 0 : i32
        %dma_wait3A_282 = tpu.memref_slice %arg13[%dma_wait3A_280, %dma_wait3A_281] : memref<10000x128xf32, #tpu.memory_space<vmem_shared>> -> memref<10000x128xf32, #tpu.memory_space<vmem_shared>>
        tpu.wait_indirect_dma semaphore(%arg23 : memref<!tpu.dma_semaphore, #tpu.memory_space<semaphore_mem>>) src(%arg12 : memref<40x128xf32, #tpu.memory_space<vmem>>) dst(%dma_wait3A_282 : memref<10000x128xf32, #tpu.memory_space<vmem_shared>>)
        %add3A_283 = arith.constant 5 : i32
        %add3A_284 = arith.addi %mul3A_118, %add3A_283 : i32
        %add3A_285 = arith.constant 4 : i32
        %add3A_286 = arith.addi %add3A_284, %add3A_285 : i32
        %dma_start3A_287 = arith.constant 0 : i32
        %dma_start3A_288 = tpu.memref_slice %arg6[%add3A_286, %dma_start3A_287] : memref<250x40xi32, #tpu.memory_space<vmem>> -> memref<1x40xi32, #tpu.memory_space<vmem>>
        %dma_start3A_289 = tpu.memref_squeeze %dma_start3A_288 : memref<1x40xi32, #tpu.memory_space<vmem>> -> memref<40xi32, #tpu.memory_space<vmem>>
        %dma_start3A_290 = arith.constant 0 : i32
        %dma_start3A_291 = arith.constant 0 : i32
        %dma_start3A_292 = tpu.memref_slice %arg2[%dma_start3A_290, %dma_start3A_291] : memref<10000x128xf32, #tpu.memory_space<hbm>> -> memref<10000x128xf32, #tpu.memory_space<hbm>>
        tpu.enqueue_indirect_dma source(%dma_start3A_292 : memref<10000x128xf32, #tpu.memory_space<hbm>>) target(%arg12 : memref<40x128xf32, #tpu.memory_space<vmem>>) offsets(%dma_start3A_289 : memref<40xi32, #tpu.memory_space<vmem>>) semaphore(%arg18 : memref<!tpu.dma_semaphore, #tpu.memory_space<semaphore_mem>>)
      } else {
      }
    }
    %scan3A_75 = arith.constant 50 : i32
    %dma_wait3A_76 = arith.constant 245 : i32
    %dma_wait3A_77 = arith.constant 0 : i32
    %dma_wait3A_78 = tpu.memref_slice %arg7[%dma_wait3A_76, %dma_wait3A_77] : memref<250x40xi32, #tpu.memory_space<vmem>> -> memref<1x40xi32, #tpu.memory_space<vmem>>
    %dma_wait3A_79 = tpu.memref_squeeze %dma_wait3A_78 : memref<1x40xi32, #tpu.memory_space<vmem>> -> memref<40xi32, #tpu.memory_space<vmem>>
    %dma_wait3A_80 = arith.constant 0 : i32
    %dma_wait3A_81 = arith.constant 0 : i32
    %dma_wait3A_82 = tpu.memref_slice %arg13[%dma_wait3A_80, %dma_wait3A_81] : memref<10000x128xf32, #tpu.memory_space<vmem_shared>> -> memref<10000x128xf32, #tpu.memory_space<vmem_shared>>
    tpu.wait_indirect_dma semaphore(%arg19 : memref<!tpu.dma_semaphore, #tpu.memory_space<semaphore_mem>>) src(%arg8 : memref<40x128xf32, #tpu.memory_space<vmem>>) dst(%dma_wait3A_82 : memref<10000x128xf32, #tpu.memory_space<vmem_shared>>)
    %dma_wait3A_83 = arith.constant 246 : i32
    %dma_wait3A_84 = arith.constant 0 : i32
    %dma_wait3A_85 = tpu.memref_slice %arg7[%dma_wait3A_83, %dma_wait3A_84] : memref<250x40xi32, #tpu.memory_space<vmem>> -> memref<1x40xi32, #tpu.memory_space<vmem>>
    %dma_wait3A_86 = tpu.memref_squeeze %dma_wait3A_85 : memref<1x40xi32, #tpu.memory_space<vmem>> -> memref<40xi32, #tpu.memory_space<vmem>>
    %dma_wait3A_87 = arith.constant 0 : i32
    %dma_wait3A_88 = arith.constant 0 : i32
    %dma_wait3A_89 = tpu.memref_slice %arg13[%dma_wait3A_87, %dma_wait3A_88] : memref<10000x128xf32, #tpu.memory_space<vmem_shared>> -> memref<10000x128xf32, #tpu.memory_space<vmem_shared>>
    tpu.wait_indirect_dma semaphore(%arg20 : memref<!tpu.dma_semaphore, #tpu.memory_space<semaphore_mem>>) src(%arg9 : memref<40x128xf32, #tpu.memory_space<vmem>>) dst(%dma_wait3A_89 : memref<10000x128xf32, #tpu.memory_space<vmem_shared>>)
    %dma_wait3A_90 = arith.constant 247 : i32
    %dma_wait3A_91 = arith.constant 0 : i32
    %dma_wait3A_92 = tpu.memref_slice %arg7[%dma_wait3A_90, %dma_wait3A_91] : memref<250x40xi32, #tpu.memory_space<vmem>> -> memref<1x40xi32, #tpu.memory_space<vmem>>
    %dma_wait3A_93 = tpu.memref_squeeze %dma_wait3A_92 : memref<1x40xi32, #tpu.memory_space<vmem>> -> memref<40xi32, #tpu.memory_space<vmem>>
    %dma_wait3A_94 = arith.constant 0 : i32
    %dma_wait3A_95 = arith.constant 0 : i32
    %dma_wait3A_96 = tpu.memref_slice %arg13[%dma_wait3A_94, %dma_wait3A_95] : memref<10000x128xf32, #tpu.memory_space<vmem_shared>> -> memref<10000x128xf32, #tpu.memory_space<vmem_shared>>
    tpu.wait_indirect_dma semaphore(%arg21 : memref<!tpu.dma_semaphore, #tpu.memory_space<semaphore_mem>>) src(%arg10 : memref<40x128xf32, #tpu.memory_space<vmem>>) dst(%dma_wait3A_96 : memref<10000x128xf32, #tpu.memory_space<vmem_shared>>)
    %dma_wait3A_97 = arith.constant 248 : i32
    %dma_wait3A_98 = arith.constant 0 : i32
    %dma_wait3A_99 = tpu.memref_slice %arg7[%dma_wait3A_97, %dma_wait3A_98] : memref<250x40xi32, #tpu.memory_space<vmem>> -> memref<1x40xi32, #tpu.memory_space<vmem>>
    %dma_wait3A_100 = tpu.memref_squeeze %dma_wait3A_99 : memref<1x40xi32, #tpu.memory_space<vmem>> -> memref<40xi32, #tpu.memory_space<vmem>>
    %dma_wait3A_101 = arith.constant 0 : i32
    %dma_wait3A_102 = arith.constant 0 : i32
    %dma_wait3A_103 = tpu.memref_slice %arg13[%dma_wait3A_101, %dma_wait3A_102] : memref<10000x128xf32, #tpu.memory_space<vmem_shared>> -> memref<10000x128xf32, #tpu.memory_space<vmem_shared>>
    tpu.wait_indirect_dma semaphore(%arg22 : memref<!tpu.dma_semaphore, #tpu.memory_space<semaphore_mem>>) src(%arg11 : memref<40x128xf32, #tpu.memory_space<vmem>>) dst(%dma_wait3A_103 : memref<10000x128xf32, #tpu.memory_space<vmem_shared>>)
    %dma_wait3A_104 = arith.constant 249 : i32
    %dma_wait3A_105 = arith.constant 0 : i32
    %dma_wait3A_106 = tpu.memref_slice %arg7[%dma_wait3A_104, %dma_wait3A_105] : memref<250x40xi32, #tpu.memory_space<vmem>> -> memref<1x40xi32, #tpu.memory_space<vmem>>
    %dma_wait3A_107 = tpu.memref_squeeze %dma_wait3A_106 : memref<1x40xi32, #tpu.memory_space<vmem>> -> memref<40xi32, #tpu.memory_space<vmem>>
    %dma_wait3A_108 = arith.constant 0 : i32
    %dma_wait3A_109 = arith.constant 0 : i32
    %dma_wait3A_110 = tpu.memref_slice %arg13[%dma_wait3A_108, %dma_wait3A_109] : memref<10000x128xf32, #tpu.memory_space<vmem_shared>> -> memref<10000x128xf32, #tpu.memory_space<vmem_shared>>
    tpu.wait_indirect_dma semaphore(%arg23 : memref<!tpu.dma_semaphore, #tpu.memory_space<semaphore_mem>>) src(%arg12 : memref<40x128xf32, #tpu.memory_space<vmem>>) dst(%dma_wait3A_110 : memref<10000x128xf32, #tpu.memory_space<vmem_shared>>)
    %barrier3A_111 = arith.constant 0 : index
    tpu.barrier barrier_id(%barrier3A_111)
    %mul3A_112 = arith.constant 625 : i32
    %mul3A_113 = arith.muli %arg1, %mul3A_112 : i32
    %mul3A_114 = arith.constant 625 : i32
    %mul3A_115 = arith.muli %arg1, %mul3A_114 : i32
    "tpu.region"() ({
      %run_scoped3A = tpu.sem_alloc : memref<!tpu.dma_semaphore, #tpu.memory_space<semaphore_mem>>
      %dma_start3A_116 = arith.constant 0 : i32
      %dma_start3A_117 = tpu.memref_slice %arg5[%arg0, %mul3A_115, %dma_start3A_116] : memref<2x10000x128xf32, #tpu.memory_space<hbm>> -> memref<1x625x128xf32, #tpu.memory_space<hbm>>
      %dma_start3A_118 = tpu.memref_squeeze %dma_start3A_117 : memref<1x625x128xf32, #tpu.memory_space<hbm>> -> memref<625x128xf32, #tpu.memory_space<hbm>>
      %dma_start3A_119 = arith.constant 0 : i32
      %dma_start3A_120 = tpu.memref_slice %arg13[%mul3A_113, %dma_start3A_119] : memref<10000x128xf32, #tpu.memory_space<vmem_shared>> -> memref<625x128xf32, #tpu.memory_space<vmem_shared>>
      tpu.enqueue_dma source(%dma_start3A_120 : memref<625x128xf32, #tpu.memory_space<vmem_shared>>) target(%dma_start3A_118 : memref<625x128xf32, #tpu.memory_space<hbm>>) target_semaphore(%run_scoped3A : memref<!tpu.dma_semaphore, #tpu.memory_space<semaphore_mem>>)
      %dma_wait3A_121 = arith.constant 0 : i32
      %dma_wait3A_122 = tpu.memref_slice %arg5[%arg0, %mul3A_115, %dma_wait3A_121] : memref<2x10000x128xf32, #tpu.memory_space<hbm>> -> memref<1x625x128xf32, #tpu.memory_space<hbm>>
      %dma_wait3A_123 = tpu.memref_squeeze %dma_wait3A_122 : memref<1x625x128xf32, #tpu.memory_space<hbm>> -> memref<625x128xf32, #tpu.memory_space<hbm>>
      %dma_wait3A_124 = arith.constant 0 : i32
      %dma_wait3A_125 = tpu.memref_slice %arg13[%mul3A_113, %dma_wait3A_124] : memref<10000x128xf32, #tpu.memory_space<vmem_shared>> -> memref<625x128xf32, #tpu.memory_space<vmem_shared>>
      tpu.wait_dma2 semaphore(%run_scoped3A : memref<!tpu.dma_semaphore, #tpu.memory_space<semaphore_mem>>) src(%dma_wait3A_125 : memref<625x128xf32, #tpu.memory_space<vmem_shared>>) dst(%dma_wait3A_123 : memref<625x128xf32, #tpu.memory_space<hbm>>)
      tpu.yield
    }) : () -> ()
    return
  }
}

module attributes {stable_mosaic.version = 14 : i64} {
  func.func @body(%arg0: i32, %arg1: memref<2x5000x128xf32, #tpu.memory_space<vmem>>, %arg2: memref<5000x1xf32, #tpu.memory_space<vmem>>, %arg3: memref<1x128xf32, #tpu.memory_space<vmem>>, %arg4: memref<1x128xf32, #tpu.memory_space<vmem>>, %arg5: memref<1x128xf32, #tpu.memory_space<vmem>>, %arg6: memref<5000x128xf32, #tpu.memory_space<vmem>>, %arg7: memref<128x128xf32, #tpu.memory_space<vmem>>, %arg8: memref<5000x128xf32, #tpu.memory_space<vmem>>) attributes {dimension_semantics = [#tpu.dimension_semantics<arbitrary>], iteration_bounds = array<i64: 2>, scalar_prefetch = 0 : i64, scratch_operands = 0 : i64, tpu.core_type = #tpu.core_type<tc>, window_params = [{transform_indices = @transform_0, window_bounds = array<i64: 2, 5000, 128>}, {transform_indices = @transform_1, window_bounds = array<i64: 5000, 1>}, {pipeline_mode = #tpu.pipeline_mode<synchronous>, transform_indices = @transform_2, window_bounds = array<i64: 1, 128>}, {pipeline_mode = #tpu.pipeline_mode<synchronous>, transform_indices = @transform_3, window_bounds = array<i64: 1, 128>}, {pipeline_mode = #tpu.pipeline_mode<synchronous>, transform_indices = @transform_4, window_bounds = array<i64: 1, 128>}, {transform_indices = @transform_5, window_bounds = array<i64: 5000, 128>}, {pipeline_mode = #tpu.pipeline_mode<synchronous>, transform_indices = @transform_6, window_bounds = array<i64: 128, 128>}, {transform_indices = @transform_7, window_bounds = array<i64: 5000, 128>}]} {
    %get3A = arith.constant 0 : index
    %get3A_0 = arith.constant 0 : index
    %get3A_1 = arith.constant 0 : index
    %get3A_2 = vector.load %arg1[%get3A, %get3A_0, %get3A_1] : memref<2x5000x128xf32, #tpu.memory_space<vmem>>, vector<2x5000x128xf32>
    %get3A_3 = arith.constant 0 : index
    %get3A_4 = arith.constant 0 : index
    %get3A_5 = vector.load %arg2[%get3A_3, %get3A_4] : memref<5000x1xf32, #tpu.memory_space<vmem>>, vector<5000x1xf32>
    %slice3A = vector.extract_strided_slice %get3A_2 {offsets = [0, 0, 0], sizes = [1, 5000, 128], strides = [1, 1, 1]} : vector<2x5000x128xf32> to vector<1x5000x128xf32>
    %squeeze3A = vector.shape_cast %slice3A : vector<1x5000x128xf32> to vector<5000x128xf32>
    %slice3A_6 = vector.extract_strided_slice %get3A_2 {offsets = [1, 0, 0], sizes = [1, 5000, 128], strides = [1, 1, 1]} : vector<2x5000x128xf32> to vector<1x5000x128xf32>
    %squeeze3A_7 = vector.shape_cast %slice3A_6 : vector<1x5000x128xf32> to vector<5000x128xf32>
    %add3A = arith.addf %squeeze3A, %squeeze3A_7 : vector<5000x128xf32>
    %mul3A = vector.broadcast %get3A_5 : vector<5000x1xf32> to vector<5000x128xf32>
    %mul3A_8 = arith.mulf %add3A, %mul3A : vector<5000x128xf32>
    %get3A_9 = arith.constant 0 : index
    %get3A_10 = arith.constant 0 : index
    %get3A_11 = vector.load %arg3[%get3A_9, %get3A_10] : memref<1x128xf32, #tpu.memory_space<vmem>>, vector<1x128xf32>
    %add3A_12 = vector.broadcast %get3A_11 : vector<1x128xf32> to vector<5000x128xf32>
    %add3A_13 = arith.addf %mul3A_8, %add3A_12 : vector<5000x128xf32>
    %get3A_14 = arith.constant 0 : index
    %get3A_15 = arith.constant 0 : index
    %get3A_16 = vector.load %arg4[%get3A_14, %get3A_15] : memref<1x128xf32, #tpu.memory_space<vmem>>, vector<1x128xf32>
    %mul3A_17 = arith.constant 0.999994993 : f32
    %mul3A_18 = vector.broadcast %mul3A_17 : f32 to vector<1x128xf32>
    %mul3A_19 = arith.mulf %get3A_16, %mul3A_18 : vector<1x128xf32>
    %mul3A_20 = vector.broadcast %mul3A_19 : vector<1x128xf32> to vector<5000x128xf32>
    %mul3A_21 = arith.mulf %add3A_13, %mul3A_20 : vector<5000x128xf32>
    %get3A_22 = arith.constant 0 : index
    %get3A_23 = arith.constant 0 : index
    %get3A_24 = vector.load %arg5[%get3A_22, %get3A_23] : memref<1x128xf32, #tpu.memory_space<vmem>>, vector<1x128xf32>
    %add3A_25 = vector.broadcast %get3A_24 : vector<1x128xf32> to vector<5000x128xf32>
    %add3A_26 = arith.addf %mul3A_21, %add3A_25 : vector<5000x128xf32>
    %get3A_27 = arith.constant 0 : index
    %get3A_28 = arith.constant 0 : index
    %get3A_29 = vector.load %arg6[%get3A_27, %get3A_28] : memref<5000x128xf32, #tpu.memory_space<vmem>>, vector<5000x128xf32>
    %add3A_30 = arith.addf %add3A_26, %get3A_29 : vector<5000x128xf32>
    %max3A = arith.constant 0.000000e+00 : f32
    %max3A_31 = vector.broadcast %max3A : f32 to vector<5000x128xf32>
    %max3A_32 = arith.maximumf %add3A_30, %max3A_31 : vector<5000x128xf32>
    %get3A_33 = arith.constant 0 : index
    %get3A_34 = arith.constant 0 : index
    %get3A_35 = vector.load %arg7[%get3A_33, %get3A_34] : memref<128x128xf32, #tpu.memory_space<vmem>>, vector<128x128xf32>
    %dot_general3A = arith.constant dense<0.000000e+00> : vector<5000x128xf32>
    %dot_general3A_36 = tpu.matmul %max3A_32, %get3A_35, %dot_general3A {dimension_numbers = #tpu.dot_dimension_numbers<[1], [0], [0], [1], [0, 0, 1, 1], [], []>, transpose_lhs_hint = false} : vector<5000x128xf32>, vector<128x128xf32>, vector<5000x128xf32> -> vector<5000x128xf32>
    %mul3A_37 = vector.broadcast %get3A_5 : vector<5000x1xf32> to vector<5000x128xf32>
    %mul3A_38 = arith.mulf %dot_general3A_36, %mul3A_37 : vector<5000x128xf32>
    %swap3A = arith.constant 0 : index
    %swap3A_39 = arith.constant 0 : index
    %swap3A_40 = vector.load %arg8[%swap3A, %swap3A_39] : memref<5000x128xf32, #tpu.memory_space<vmem>>, vector<5000x128xf32>
    tpu.vector_store %arg8[%swap3A, %swap3A_39], %mul3A_38 {strides = array<i32>} : memref<5000x128xf32, #tpu.memory_space<vmem>>, vector<5000x128xf32>,
    return
  }
  func.func @transform_0(%arg0: i32) -> (i32, i32, i32) {
    %c0_i32 = arith.constant 0 : i32
    %c0_i32_0 = arith.constant 0 : i32
    %c0_i32_1 = arith.constant 0 : i32
    return %c0_i32, %arg0, %c0_i32_0 : i32, i32, i32
  }
  func.func @transform_1(%arg0: i32) -> (i32, i32) {
    %c0_i32 = arith.constant 0 : i32
    %c0_i32_0 = arith.constant 0 : i32
    return %arg0, %c0_i32 : i32, i32
  }
  func.func @transform_2(%arg0: i32) -> (i32, i32) {
    %c0_i32 = arith.constant 0 : i32
    %c0_i32_0 = arith.constant 0 : i32
    %c0_i32_1 = arith.constant 0 : i32
    return %c0_i32, %c0_i32_0 : i32, i32
  }
  func.func @transform_3(%arg0: i32) -> (i32, i32) {
    %c0_i32 = arith.constant 0 : i32
    %c0_i32_0 = arith.constant 0 : i32
    %c0_i32_1 = arith.constant 0 : i32
    return %c0_i32, %c0_i32_0 : i32, i32
  }
  func.func @transform_4(%arg0: i32) -> (i32, i32) {
    %c0_i32 = arith.constant 0 : i32
    %c0_i32_0 = arith.constant 0 : i32
    %c0_i32_1 = arith.constant 0 : i32
    return %c0_i32, %c0_i32_0 : i32, i32
  }
  func.func @transform_5(%arg0: i32) -> (i32, i32) {
    %c0_i32 = arith.constant 0 : i32
    %c0_i32_0 = arith.constant 0 : i32
    return %arg0, %c0_i32 : i32, i32
  }
  func.func @transform_6(%arg0: i32) -> (i32, i32) {
    %c0_i32 = arith.constant 0 : i32
    %c0_i32_0 = arith.constant 0 : i32
    %c0_i32_1 = arith.constant 0 : i32
    return %c0_i32, %c0_i32_0 : i32, i32
  }
  func.func @transform_7(%arg0: i32) -> (i32, i32) {
    %c0_i32 = arith.constant 0 : i32
    %c0_i32_0 = arith.constant 0 : i32
    return %arg0, %c0_i32 : i32, i32
  }
}

module attributes {stable_mosaic.version = 14 : i64} {
  func.func @body(%arg0: i32, %arg1: memref<5000x32xf32, #tpu.memory_space<vmem>>, %arg2: memref<5000x128xf32, #tpu.memory_space<vmem>>, %arg3: memref<128x128xf32, #tpu.memory_space<vmem>>, %arg4: memref<5000x1xf32, #tpu.memory_space<vmem>>, %arg5: memref<5000x128xf32, #tpu.memory_space<vmem>>) attributes {dimension_semantics = [#tpu.dimension_semantics<arbitrary>], iteration_bounds = array<i64: 2>, scalar_prefetch = 0 : i64, scratch_operands = 0 : i64, tpu.core_type = #tpu.core_type<tc>, window_params = [{transform_indices = @transform_0, window_bounds = array<i64: 5000, 32>}, {transform_indices = @transform_1, window_bounds = array<i64: 5000, 128>}, {pipeline_mode = #tpu.pipeline_mode<synchronous>, transform_indices = @transform_2, window_bounds = array<i64: 128, 128>}, {transform_indices = @transform_3, window_bounds = array<i64: 5000, 1>}, {transform_indices = @transform_4, window_bounds = array<i64: 5000, 128>}]} {
    %get3A = arith.constant 0 : index
    %get3A_0 = arith.constant 0 : index
    %get3A_1 = vector.load %arg1[%get3A, %get3A_0] : memref<5000x32xf32, #tpu.memory_space<vmem>>, vector<5000x32xf32>
    %reduce_sum3A = arith.constant dense<0.000000e+00> : vector<5000xf32>
    %reduce_sum3A_2 = vector.multi_reduction <add>, %get3A_1, %reduce_sum3A [1] : vector<5000x32xf32> to vector<5000xf32>
    %broadcast_in_dim3A = vector.shape_cast %reduce_sum3A_2 : vector<5000xf32> to vector<5000x1xf32>
    %add3A = arith.constant 1.000000e+00 : f32
    %add3A_3 = vector.broadcast %add3A : f32 to vector<5000x1xf32>
    %add3A_4 = arith.addf %broadcast_in_dim3A, %add3A_3 : vector<5000x1xf32>
    %rsqrt3A = math.rsqrt %add3A_4 : vector<5000x1xf32>
    %swap3A = arith.constant 0 : index
    %swap3A_5 = arith.constant 0 : index
    %swap3A_6 = vector.load %arg4[%swap3A, %swap3A_5] : memref<5000x1xf32, #tpu.memory_space<vmem>>, vector<5000x1xf32>
    tpu.vector_store %arg4[%swap3A, %swap3A_5], %rsqrt3A {strides = array<i32>} : memref<5000x1xf32, #tpu.memory_space<vmem>>, vector<5000x1xf32>,
    %get3A_7 = arith.constant 0 : index
    %get3A_8 = arith.constant 0 : index
    %get3A_9 = vector.load %arg2[%get3A_7, %get3A_8] : memref<5000x128xf32, #tpu.memory_space<vmem>>, vector<5000x128xf32>
    %get3A_10 = arith.constant 0 : index
    %get3A_11 = arith.constant 0 : index
    %get3A_12 = vector.load %arg3[%get3A_10, %get3A_11] : memref<128x128xf32, #tpu.memory_space<vmem>>, vector<128x128xf32>
    %dot_general3A = arith.constant dense<0.000000e+00> : vector<5000x128xf32>
    %dot_general3A_13 = tpu.matmul %get3A_9, %get3A_12, %dot_general3A {dimension_numbers = #tpu.dot_dimension_numbers<[1], [0], [0], [1], [0, 0, 1, 1], [], []>, transpose_lhs_hint = false} : vector<5000x128xf32>, vector<128x128xf32>, vector<5000x128xf32> -> vector<5000x128xf32>
    %mul3A = vector.broadcast %rsqrt3A : vector<5000x1xf32> to vector<5000x128xf32>
    %mul3A_14 = arith.mulf %dot_general3A_13, %mul3A : vector<5000x128xf32>
    %swap3A_15 = arith.constant 0 : index
    %swap3A_16 = arith.constant 0 : index
    %swap3A_17 = vector.load %arg5[%swap3A_15, %swap3A_16] : memref<5000x128xf32, #tpu.memory_space<vmem>>, vector<5000x128xf32>
    tpu.vector_store %arg5[%swap3A_15, %swap3A_16], %mul3A_14 {strides = array<i32>} : memref<5000x128xf32, #tpu.memory_space<vmem>>, vector<5000x128xf32>,
    return
  }
  func.func @transform_0(%arg0: i32) -> (i32, i32) {
    %c0_i32 = arith.constant 0 : i32
    %c0_i32_0 = arith.constant 0 : i32
    return %arg0, %c0_i32 : i32, i32
  }
  func.func @transform_1(%arg0: i32) -> (i32, i32) {
    %c0_i32 = arith.constant 0 : i32
    %c0_i32_0 = arith.constant 0 : i32
    return %arg0, %c0_i32 : i32, i32
  }
  func.func @transform_2(%arg0: i32) -> (i32, i32) {
    %c0_i32 = arith.constant 0 : i32
    %c0_i32_0 = arith.constant 0 : i32
    %c0_i32_1 = arith.constant 0 : i32
    return %c0_i32, %c0_i32_0 : i32, i32
  }
  func.func @transform_3(%arg0: i32) -> (i32, i32) {
    %c0_i32 = arith.constant 0 : i32
    %c0_i32_0 = arith.constant 0 : i32
    return %arg0, %c0_i32 : i32, i32
  }
  func.func @transform_4(%arg0: i32) -> (i32, i32) {
    %c0_i32 = arith.constant 0 : i32
    %c0_i32_0 = arith.constant 0 : i32
    return %arg0, %c0_i32 : i32, i32
  }
}

module attributes {stable_mosaic.version = 14 : i64} {
  func.func @body(%arg0: i32, %arg1: memref<2x5000x128xf32, #tpu.memory_space<vmem>>, %arg2: memref<5000x1xf32, #tpu.memory_space<vmem>>, %arg3: memref<1x128xf32, #tpu.memory_space<vmem>>, %arg4: memref<1x128xf32, #tpu.memory_space<vmem>>, %arg5: memref<1x128xf32, #tpu.memory_space<vmem>>, %arg6: memref<128x48xf32, #tpu.memory_space<vmem>>, %arg7: memref<5000x48xf32, #tpu.memory_space<vmem>>) attributes {dimension_semantics = [#tpu.dimension_semantics<arbitrary>], iteration_bounds = array<i64: 2>, scalar_prefetch = 0 : i64, scratch_operands = 0 : i64, tpu.core_type = #tpu.core_type<tc>, window_params = [{transform_indices = @transform_0, window_bounds = array<i64: 2, 5000, 128>}, {transform_indices = @transform_1, window_bounds = array<i64: 5000, 1>}, {pipeline_mode = #tpu.pipeline_mode<synchronous>, transform_indices = @transform_2, window_bounds = array<i64: 1, 128>}, {pipeline_mode = #tpu.pipeline_mode<synchronous>, transform_indices = @transform_3, window_bounds = array<i64: 1, 128>}, {pipeline_mode = #tpu.pipeline_mode<synchronous>, transform_indices = @transform_4, window_bounds = array<i64: 1, 128>}, {pipeline_mode = #tpu.pipeline_mode<synchronous>, transform_indices = @transform_5, window_bounds = array<i64: 128, 48>}, {transform_indices = @transform_6, window_bounds = array<i64: 5000, 48>}]} {
    %get3A = arith.constant 0 : index
    %get3A_0 = arith.constant 0 : index
    %get3A_1 = arith.constant 0 : index
    %get3A_2 = vector.load %arg1[%get3A, %get3A_0, %get3A_1] : memref<2x5000x128xf32, #tpu.memory_space<vmem>>, vector<2x5000x128xf32>
    %get3A_3 = arith.constant 0 : index
    %get3A_4 = arith.constant 0 : index
    %get3A_5 = vector.load %arg2[%get3A_3, %get3A_4] : memref<5000x1xf32, #tpu.memory_space<vmem>>, vector<5000x1xf32>
    %slice3A = vector.extract_strided_slice %get3A_2 {offsets = [0, 0, 0], sizes = [1, 5000, 128], strides = [1, 1, 1]} : vector<2x5000x128xf32> to vector<1x5000x128xf32>
    %squeeze3A = vector.shape_cast %slice3A : vector<1x5000x128xf32> to vector<5000x128xf32>
    %slice3A_6 = vector.extract_strided_slice %get3A_2 {offsets = [1, 0, 0], sizes = [1, 5000, 128], strides = [1, 1, 1]} : vector<2x5000x128xf32> to vector<1x5000x128xf32>
    %squeeze3A_7 = vector.shape_cast %slice3A_6 : vector<1x5000x128xf32> to vector<5000x128xf32>
    %add3A = arith.addf %squeeze3A, %squeeze3A_7 : vector<5000x128xf32>
    %mul3A = vector.broadcast %get3A_5 : vector<5000x1xf32> to vector<5000x128xf32>
    %mul3A_8 = arith.mulf %add3A, %mul3A : vector<5000x128xf32>
    %get3A_9 = arith.constant 0 : index
    %get3A_10 = arith.constant 0 : index
    %get3A_11 = vector.load %arg3[%get3A_9, %get3A_10] : memref<1x128xf32, #tpu.memory_space<vmem>>, vector<1x128xf32>
    %add3A_12 = vector.broadcast %get3A_11 : vector<1x128xf32> to vector<5000x128xf32>
    %add3A_13 = arith.addf %mul3A_8, %add3A_12 : vector<5000x128xf32>
    %get3A_14 = arith.constant 0 : index
    %get3A_15 = arith.constant 0 : index
    %get3A_16 = vector.load %arg4[%get3A_14, %get3A_15] : memref<1x128xf32, #tpu.memory_space<vmem>>, vector<1x128xf32>
    %mul3A_17 = arith.constant 0.999994993 : f32
    %mul3A_18 = vector.broadcast %mul3A_17 : f32 to vector<1x128xf32>
    %mul3A_19 = arith.mulf %get3A_16, %mul3A_18 : vector<1x128xf32>
    %mul3A_20 = vector.broadcast %mul3A_19 : vector<1x128xf32> to vector<5000x128xf32>
    %mul3A_21 = arith.mulf %add3A_13, %mul3A_20 : vector<5000x128xf32>
    %get3A_22 = arith.constant 0 : index
    %get3A_23 = arith.constant 0 : index
    %get3A_24 = vector.load %arg5[%get3A_22, %get3A_23] : memref<1x128xf32, #tpu.memory_space<vmem>>, vector<1x128xf32>
    %add3A_25 = vector.broadcast %get3A_24 : vector<1x128xf32> to vector<5000x128xf32>
    %add3A_26 = arith.addf %mul3A_21, %add3A_25 : vector<5000x128xf32>
    %max3A = arith.constant 0.000000e+00 : f32
    %max3A_27 = vector.broadcast %max3A : f32 to vector<5000x128xf32>
    %max3A_28 = arith.maximumf %add3A_26, %max3A_27 : vector<5000x128xf32>
    %get3A_29 = arith.constant 0 : index
    %get3A_30 = arith.constant 0 : index
    %get3A_31 = vector.load %arg6[%get3A_29, %get3A_30] : memref<128x48xf32, #tpu.memory_space<vmem>>, vector<128x48xf32>
    %dot_general3A = arith.constant dense<0.000000e+00> : vector<5000x48xf32>
    %dot_general3A_32 = tpu.matmul %max3A_28, %get3A_31, %dot_general3A {dimension_numbers = #tpu.dot_dimension_numbers<[1], [0], [0], [1], [0, 0, 1, 1], [], []>, transpose_lhs_hint = false} : vector<5000x128xf32>, vector<128x48xf32>, vector<5000x48xf32> -> vector<5000x48xf32>
    %mul3A_33 = vector.broadcast %get3A_5 : vector<5000x1xf32> to vector<5000x48xf32>
    %mul3A_34 = arith.mulf %dot_general3A_32, %mul3A_33 : vector<5000x48xf32>
    %swap3A = arith.constant 0 : index
    %swap3A_35 = arith.constant 0 : index
    %swap3A_36 = vector.load %arg7[%swap3A, %swap3A_35] : memref<5000x48xf32, #tpu.memory_space<vmem>>, vector<5000x48xf32>
    tpu.vector_store %arg7[%swap3A, %swap3A_35], %mul3A_34 {strides = array<i32>} : memref<5000x48xf32, #tpu.memory_space<vmem>>, vector<5000x48xf32>,
    return
  }
  func.func @transform_0(%arg0: i32) -> (i32, i32, i32) {
    %c0_i32 = arith.constant 0 : i32
    %c0_i32_0 = arith.constant 0 : i32
    %c0_i32_1 = arith.constant 0 : i32
    return %c0_i32, %arg0, %c0_i32_0 : i32, i32, i32
  }
  func.func @transform_1(%arg0: i32) -> (i32, i32) {
    %c0_i32 = arith.constant 0 : i32
    %c0_i32_0 = arith.constant 0 : i32
    return %arg0, %c0_i32 : i32, i32
  }
  func.func @transform_2(%arg0: i32) -> (i32, i32) {
    %c0_i32 = arith.constant 0 : i32
    %c0_i32_0 = arith.constant 0 : i32
    %c0_i32_1 = arith.constant 0 : i32
    return %c0_i32, %c0_i32_0 : i32, i32
  }
  func.func @transform_3(%arg0: i32) -> (i32, i32) {
    %c0_i32 = arith.constant 0 : i32
    %c0_i32_0 = arith.constant 0 : i32
    %c0_i32_1 = arith.constant 0 : i32
    return %c0_i32, %c0_i32_0 : i32, i32
  }
  func.func @transform_4(%arg0: i32) -> (i32, i32) {
    %c0_i32 = arith.constant 0 : i32
    %c0_i32_0 = arith.constant 0 : i32
    %c0_i32_1 = arith.constant 0 : i32
    return %c0_i32, %c0_i32_0 : i32, i32
  }
  func.func @transform_5(%arg0: i32) -> (i32, i32) {
    %c0_i32 = arith.constant 0 : i32
    %c0_i32_0 = arith.constant 0 : i32
    %c0_i32_1 = arith.constant 0 : i32
    return %c0_i32, %c0_i32_0 : i32, i32
  }
  func.func @transform_6(%arg0: i32) -> (i32, i32) {
    %c0_i32 = arith.constant 0 : i32
    %c0_i32_0 = arith.constant 0 : i32
    return %arg0, %c0_i32 : i32, i32
  }
}

module attributes {stable_mosaic.version = 14 : i64} {
  func.func @body(%arg0: i32, %arg1: memref<2x5000x48xf32, #tpu.memory_space<vmem>>, %arg2: memref<5000x1xf32, #tpu.memory_space<vmem>>, %arg3: memref<1x48xf32, #tpu.memory_space<vmem>>, %arg4: memref<5000x48xf32, #tpu.memory_space<vmem>>) attributes {dimension_semantics = [#tpu.dimension_semantics<arbitrary>], iteration_bounds = array<i64: 2>, scalar_prefetch = 0 : i64, scratch_operands = 0 : i64, tpu.core_type = #tpu.core_type<tc>, window_params = [{transform_indices = @transform_0, window_bounds = array<i64: 2, 5000, 48>}, {transform_indices = @transform_1, window_bounds = array<i64: 5000, 1>}, {pipeline_mode = #tpu.pipeline_mode<synchronous>, transform_indices = @transform_2, window_bounds = array<i64: 1, 48>}, {transform_indices = @transform_3, window_bounds = array<i64: 5000, 48>}]} {
    %get3A = arith.constant 0 : index
    %get3A_0 = arith.constant 0 : index
    %get3A_1 = arith.constant 0 : index
    %get3A_2 = vector.load %arg1[%get3A, %get3A_0, %get3A_1] : memref<2x5000x48xf32, #tpu.memory_space<vmem>>, vector<2x5000x48xf32>
    %slice3A = vector.extract_strided_slice %get3A_2 {offsets = [0, 0, 0], sizes = [1, 5000, 48], strides = [1, 1, 1]} : vector<2x5000x48xf32> to vector<1x5000x48xf32>
    %squeeze3A = vector.shape_cast %slice3A : vector<1x5000x48xf32> to vector<5000x48xf32>
    %slice3A_3 = vector.extract_strided_slice %get3A_2 {offsets = [1, 0, 0], sizes = [1, 5000, 48], strides = [1, 1, 1]} : vector<2x5000x48xf32> to vector<1x5000x48xf32>
    %squeeze3A_4 = vector.shape_cast %slice3A_3 : vector<1x5000x48xf32> to vector<5000x48xf32>
    %add3A = arith.addf %squeeze3A, %squeeze3A_4 : vector<5000x48xf32>
    %get3A_5 = arith.constant 0 : index
    %get3A_6 = arith.constant 0 : index
    %get3A_7 = vector.load %arg2[%get3A_5, %get3A_6] : memref<5000x1xf32, #tpu.memory_space<vmem>>, vector<5000x1xf32>
    %mul3A = vector.broadcast %get3A_7 : vector<5000x1xf32> to vector<5000x48xf32>
    %mul3A_8 = arith.mulf %add3A, %mul3A : vector<5000x48xf32>
    %get3A_9 = arith.constant 0 : index
    %get3A_10 = arith.constant 0 : index
    %get3A_11 = vector.load %arg3[%get3A_9, %get3A_10] : memref<1x48xf32, #tpu.memory_space<vmem>>, vector<1x48xf32>
    %add3A_12 = vector.broadcast %get3A_11 : vector<1x48xf32> to vector<5000x48xf32>
    %add3A_13 = arith.addf %mul3A_8, %add3A_12 : vector<5000x48xf32>
    %reduce_max3A = arith.constant dense<0xFF800000> : vector<5000xf32>
    %reduce_max3A_14 = vector.multi_reduction <maximumf>, %add3A_13, %reduce_max3A [1] : vector<5000x48xf32> to vector<5000xf32>
    %broadcast_in_dim3A = vector.shape_cast %reduce_max3A_14 : vector<5000xf32> to vector<5000x1xf32>
    %sub3A = vector.broadcast %broadcast_in_dim3A : vector<5000x1xf32> to vector<5000x48xf32>
    %sub3A_15 = arith.subf %add3A_13, %sub3A : vector<5000x48xf32>
    %exp3A = math.exp %sub3A_15 : vector<5000x48xf32>
    %reduce_sum3A = arith.constant dense<0.000000e+00> : vector<5000xf32>
    %reduce_sum3A_16 = vector.multi_reduction <add>, %exp3A, %reduce_sum3A [1] : vector<5000x48xf32> to vector<5000xf32>
    %broadcast_in_dim3A_17 = vector.shape_cast %reduce_sum3A_16 : vector<5000xf32> to vector<5000x1xf32>
    %log3A = math.log %broadcast_in_dim3A_17 : vector<5000x1xf32>
    %sub3A_18 = vector.broadcast %log3A : vector<5000x1xf32> to vector<5000x48xf32>
    %sub3A_19 = arith.subf %sub3A_15, %sub3A_18 : vector<5000x48xf32>
    %swap3A = arith.constant 0 : index
    %swap3A_20 = arith.constant 0 : index
    %swap3A_21 = vector.load %arg4[%swap3A, %swap3A_20] : memref<5000x48xf32, #tpu.memory_space<vmem>>, vector<5000x48xf32>
    tpu.vector_store %arg4[%swap3A, %swap3A_20], %sub3A_19 {strides = array<i32>} : memref<5000x48xf32, #tpu.memory_space<vmem>>, vector<5000x48xf32>,
    return
  }
  func.func @transform_0(%arg0: i32) -> (i32, i32, i32) {
    %c0_i32 = arith.constant 0 : i32
    %c0_i32_0 = arith.constant 0 : i32
    %c0_i32_1 = arith.constant 0 : i32
    return %c0_i32, %arg0, %c0_i32_0 : i32, i32, i32
  }
  func.func @transform_1(%arg0: i32) -> (i32, i32) {
    %c0_i32 = arith.constant 0 : i32
    %c0_i32_0 = arith.constant 0 : i32
    return %arg0, %c0_i32 : i32, i32
  }
  func.func @transform_2(%arg0: i32) -> (i32, i32) {
    %c0_i32 = arith.constant 0 : i32
    %c0_i32_0 = arith.constant 0 : i32
    %c0_i32_1 = arith.constant 0 : i32
    return %c0_i32, %c0_i32_0 : i32, i32
  }
  func.func @transform_3(%arg0: i32) -> (i32, i32) {
    %c0_i32 = arith.constant 0 : i32
    %c0_i32_0 = arith.constant 0 : i32
    return %arg0, %c0_i32 : i32, i32
  }
}

</mosaic_0001>

<sc_bundles>
// kernel: kernel.10.cloned.1.call-start
scs
__scs_entry_jumppad:
0x0: {  	(pc) =	sbr.rel $0x88, $3  }
0x1: {  	(tag) =	ssettag $0x0;
	lr =	simm.s32 $0x1  }
0x2: {  	[smem:$0x3F95] =	sst lr;
	_ =	strace $0xD0000000  }
0x3: {  	_ = 	snop  }
0x4: {  	_ = 	snop  }
0x5: {  	_ = 	snop  }
0x6: {  	_ = 	snop  }
0x7: {  	_ = 	snop  }
__scs_overlays_trampoline_lowered:
0x8: {  	[smem:$0x3FA4] =	sst s0  }
0x9: {  	[smem:$0x3FA5] =	sst s1  }
0xa: {  	[smem:$0x3FA6] =	sst s2  }
0xb: {  	[smem:$0x3FA7] =	sst s3  }
0xc: {  	[smem:$0x3FA8] =	sst s4  }
0xd: {  	[smem:$0x3FA9] =	sst s5  }
0xe: {  	[smem:$0x3FAA] =	sst s6  }
0xf: {  	[smem:$0x3FAB] =	sst s7  }
0x10: {  	[smem:$0x3FAC] =	sst s8  }
0x11: {  	[smem:$0x3FAD] =	sst s9;
	s0 =	simm.s32 @!p0 $0x0  }
0x12: {  	s1 =	sld [smem:$0x3F93];
	s0 =	simm.s32 @p0 $0x1  }
0x13: {  	[smem:$0x3FAE] =	sst s0;
	s0 =	simm.s32 @!p1 $0x0  }
0x14: {  	s2 =	sld [smem:$0x3F92];
	s0 =	simm.s32 @p1 $0x1  }
0x15: {  	[smem:$0x3FAF] =	sst s0;
	s0 =	simm.s32 @!p2 $0x0  }
0x16: {  	s3 =	sld [smem:$0x3FDB];
	s0 =	simm.s32 @p2 $0x1  }
0x17: {  	s4 =	simm.s32 $0x1BF5;
	[smem:$0x3FB1] =	sst s0  }
0x18: {  	s0 =	sld [smem:$0x3F94];
	_ =	swait.ge [sflag:s4], $0x0  }
0x19: {  	s7 =	sld [smem:$0x3F95]  }
0x1a: {  	s8 =	sadd.s32 $0xFFFFE003, lr  }
0x1b: {  	s9 =	sadd.s32 $0xFFFFFEF7, lr;
	s5 =	simm.s32 $0xFFFFFFFF;
	p2 =	slt.u32 s8, $0xFFFFF086  }
0x1c: {  	p1 =	slt.u32 s9, $0xF7A;
	s5 =	simm.s32 @!p2 $0x0  }
0x1d: {  	s5 =	simm.s32 @p1 $0x1;
	p0 =	seq.s32 s7, s2  }
0x1e: {  	s7 =	smul.u32 @!p0 $0xF7A, s2;
	p2 =	seq.s32 @!p0 s5, $0x0  }
0x1f: {  	s9 =	smul.u32 $0xF7A, s1;
	s8 =	simm.s32 @!p0 $0x1BF5;
	p2 =	por !p2, p0  }
0x20: {  	[sflag:s8] =	ssyncset.s32 @!p0 $0xFFFFF086;
	s6 =	sadd.s32 @!p0 s3, s7;
	s7 =	simm.s32 @!p0 $0x108  }
0x21: {  	s3 =	sadd.s32 s3, s9;
	s6 =	sadd.s32 @!p0 $0x88, s6;
	s7 =	simm.s32 @p2 $0x1082  }
0x22: {  	[simem:s7], [sflag:s8] =	dma.local @!p0 [hbm:s6], $0xF7A  }
0x23: {  	s9 =	sor.u32 $0xD0000000, s2;
	s6 =	simm.s32 $0x108;
	_ =	swait.ge @!p0 [sflag:s8], $0x0  }
0x24: {  	s3 =	sadd.s32 $0x88, s3;
	s6 =	simm.s32 @!p1 $0x1082;
	[sflag:s4] =	ssyncset.s32 $0xFFFFF086  }
0x25: {  	[simem:s6], [sflag:s4] =	dma.local [hbm:s3], $0xF7A  }
0x26: {  	[smem:$0x3F95] =	sst s1;
	(tag) =	ssettag s2;
	_ =	strace s9  }
0x27: {  	s1 =	sld [smem:$0x3FA5]  }
0x28: {  	s2 =	sld [smem:$0x3FA6]  }
0x29: {  	s4 =	sld [smem:$0x3FA8]  }
0x2a: {  	p0 =	seq.s32 s5, $0x0;
	s5 =	sld [smem:$0x3FA9]  }
0x2b: {  	s6 =	sld [smem:$0x3FAA]  }
0x2c: {  	s7 =	sld [smem:$0x3FAB]  }
0x2d: {  	s3 =	simm.s32 $0x108;
	s8 =	sld [smem:$0x3FAC]  }
0x2e: {  	s3 =	simm.s32 @!p0 $0x1082;
	s9 =	sld [smem:$0x3FAD]  }
0x2f: {  	lr =	sadd.s32 s0, s3;
	s0 =	sld [smem:$0x3FA4]  }
0x30: {  	s3 =	sld [smem:$0x3FA7]  }
0x31: {  	[smem:$0x3FB0] =	sst s10  }
0x32: {  	s10 =	sld [smem:$0x3FAE];
	_ =	sdelay $0x3  }
0x33: {  	p0 =	seq.s32 s10, $0x1;
	s10 =	sld [smem:$0x3FB0];
	_ =	sdelay $0x3  }
0x34: {  	[smem:$0x3FB0] =	sst s10  }
0x35: {  	s10 =	sld [smem:$0x3FAF];
	_ =	sdelay $0x3  }
0x36: {  	p1 =	seq.s32 s10, $0x1;
	s10 =	sld [smem:$0x3FB0];
	_ =	sdelay $0x3  }
0x37: {  	[smem:$0x3FB0] =	sst s10  }
0x38: {  	s10 =	sld [smem:$0x3FB1]  }
0x39: {  	_ = 	snop;
	(pc) =	sbr.ind lr, $3  }
0x3a: {  	_ = 	snop  }
0x3b: {  	_ = 	snop  }
0x3c: {  	p2 =	seq.s32 s10, $0x1;
	s10 =	sld [smem:$0x3FB0]  }
0x3d: {  	_ =	shalt  }
0x3e: {  	_ =	shalt  }
0x3f: {  	_ =	shalt  }
0x40: {  	_ =	shalt  }
0x41: {  	_ =	shalt  }
0x42: {  	_ =	shalt  }
0x43: {  	_ =	shalt  }
0x44: {  	_ =	shalt  }
0x45: {  	_ =	shalt  }
0x46: {  	_ =	shalt  }
0x47: {  	_ =	shalt  }
0x48: {  	_ =	shalt  }
0x49: {  	_ =	shalt  }
0x4a: {  	_ =	shalt  }
0x4b: {  	_ =	shalt  }
0x4c: {  	_ =	shalt  }
0x4d: {  	_ =	shalt  }
0x4e: {  	_ =	shalt  }
0x4f: {  	_ =	shalt  }
0x50: {  	_ =	shalt  }
0x51: {  	_ =	shalt  }
0x52: {  	_ =	shalt  }
0x53: {  	_ =	shalt  }
0x54: {  	_ =	shalt  }
0x55: {  	_ =	shalt  }
0x56: {  	_ =	shalt  }
0x57: {  	_ =	shalt  }
0x58: {  	_ =	shalt  }
0x59: {  	_ =	shalt  }
0x5a: {  	_ =	shalt  }
0x5b: {  	_ =	shalt  }
0x5c: {  	_ =	shalt  }
0x5d: {  	_ =	shalt  }
0x5e: {  	_ =	shalt  }
0x5f: {  	_ =	shalt  }
0x60: {  	_ =	shalt  }
0x61: {  	_ =	shalt  }
0x62: {  	_ =	shalt  }
0x63: {  	_ =	shalt  }
0x64: {  	_ =	shalt  }
0x65: {  	_ =	shalt  }
0x66: {  	_ =	shalt  }
0x67: {  	_ =	shalt  }
0x68: {  	_ =	shalt  }
0x69: {  	_ =	shalt  }
0x6a: {  	_ =	shalt  }
0x6b: {  	_ =	shalt  }
0x6c: {  	_ =	shalt  }
0x6d: {  	_ =	shalt  }
0x6e: {  	_ =	shalt  }
0x6f: {  	_ =	shalt  }
0x70: {  	_ =	shalt  }
0x71: {  	_ =	shalt  }
0x72: {  	_ =	shalt  }
0x73: {  	_ =	shalt  }
0x74: {  	_ =	shalt  }
0x75: {  	_ =	shalt  }
0x76: {  	_ =	shalt  }
0x77: {  	_ =	shalt  }
0x78: {  	_ =	shalt  }
0x79: {  	_ =	shalt  }
0x7a: {  	_ =	shalt  }
0x7b: {  	_ =	shalt  }
0x7c: {  	_ =	shalt  }
0x7d: {  	_ =	shalt  }
0x7e: {  	_ =	shalt  }
0x7f: {  	_ =	shalt  }
0x80: {  	_ =	shalt  }
0x81: {  	_ =	shalt  }
0x82: {  	_ =	shalt  }
0x83: {  	_ =	shalt  }
0x84: {  	_ =	shalt  }
0x85: {  	_ =	shalt  }
0x86: {  	_ =	shalt  }
0x87: {  	_ =	shalt  }
.Lfunc_end0:
.L_simem_size_0:
called_computation_lowered:
.L_overlay_start_0:
0x88: {  	s2 =	sld [smem:$0x3FD9]  }
0x89: {  	s3 =	sld [smem:$0x3FFE];
	_ =	sdelay $0x1  }
0x8a: {  	s1 =	srdreg.scid  }
0x8b: {  	s0 =	sand.u32 $0x1, s1  }
0x8c: {  	s17 =	sshll.u32 s0, $0xA;
	s2 =	sadd.s32 s3, s2  }
0x8d: {  	s2 =	sadd.s32 s2, s17  }
0x8e: {  	[smem:$0x3FBC] =	sst s2  }
0x8f: {  	_ = 	snop  }
0x90: {  	s2 =	sld [smem:$0x3FD0];
	(tm) =	ssettm $0x1  }
0x91: {  	s18 =	sld [smem:$0x3FFB];
	_ =	sdelay $0x3  }
0x92: {  	_ =	strace s18  }
0x93: {  	s3 =	sld [smem:$0x3FFC];
	_ =	sdelay $0x3  }
0x94: {  	_ =	strace s3  }
0x95: {  	s3 =	sld [smem:$0x3FFD];
	_ =	sdelay $0x3  }
0x96: {  	_ =	strace s3  }
0x97: {  	_ =	strace $0x8FFFFFFF  }
0x98: {  	s19 =	sld [smem:$0x3FDB];
	_ =	sdelay $0x1  }
0x99: {  	s4 =	simm.s32 $_scs_section_size  }
0x9a: {  	s5 =	simm.s32 $_size__tile_overlayer_lowered;
	s6 =	simm.s32 $_tile_overlayer_lowered  }
0x9b: {  	s22 =	simm.s32 $0x1BFF;
	s21 =	sshll.u32 s6, $0x1;
	s3 =	sadd.s32 s4, s19  }
0x9c: {  	s7 =	simm.s32 $0x0;
	s20 =	sshll.u32 s5, $0x1;
	s5 =	sadd.s32 s21, s3  }
0x9d: {  	[timem:s7], [sflag:s22] =	dma.local [hbm:s5], s20  }
0x9e: {  	_ =	swait.ge [sflag:s22], s20  }
0x9f: {  	s4 =	ssub.s32 $0x0, s20;
	[sflag:s22] =	ssyncset.done $0x0  }
0xa0: {  	[sflag:s22] =	ssyncadd.s32 s4;
	_ =	sdelay $0x1  }
0xa1: {  	s23 =	simm.s32 $0x1B8B  }
0xa2: {  	_ =	swait.ge [sflag:s23], $0x1  }
0xa3: {  	[sflag:s23] =	ssyncset.done $0x0  }
0xa4: {  	s25 =	simm.s32 $0x1B8E;
	s24 =	sld [smem:$0x3FFE];
	[sflag:s23] =	ssyncadd.s32 $0xFFFFFFFF  }
0xa5: {  	s26 =	simm.s32 $execute0_lowered;
	[smem:$0x3FD2] =	sst s25  }
0xa6: {  	s5 =	sshll.u32 s26, $0x1;
	_ =	strace $0x80000046;
	[dreg:$0x1] =	wrdreg $0xFFFFFFFF  }
0xa7: {  	s28 =	simm.s32 $_size_execute0_lowered;
	s3 =	sadd.s32 s3, s5;
	[dreg:$0x0] =	wrdreg $0x0  }
0xa8: {  	s5 =	sshll.u32 s28, $0x1;
	[dreg:$0x2] =	wrdreg s3  }
0xa9: {  	[dreg:$0x3] =	wrdreg s5  }
0xaa: {  	[dreg:$0x4] =	wrdreg $0xC0  }
0xab: {  	_ =	task [dreg:s7], $0x5FFFF  }
0xac: {  	[dreg:$0x1] =	wrdreg $0xFFFFFFFF  }
0xad: {  	[dreg:$0x0] =	wrdreg $0x60  }
0xae: {  	[dreg:$0x2] =	wrdreg s24  }
0xaf: {  	[dreg:$0x3] =	wrdreg s2  }
0xb0: {  	[dreg:$0x4] =	wrdreg $0x9  }
0xb1: {  	_ =	task.clear_ibuf [dreg:s7], $0x5FFFF;
	_ =	strace $0x90000046  }
0xb2: {  	s29 =	simm.s32 $0x9;
	_ =	strace $0x80000048  }
0xb3: {  	_ =	swait.ge [sflag:s29], $0x1  }
0xb4: {  	[sflag:s29] =	ssyncadd.s32 $0xFFFFFFFF  }
0xb5: {  	_ =	strace $0x90000048  }
0xb6: {  	_ =	sfence  }
0xb7: {  	s30 =	sld [smem:$0x0];
	_ =	sdelay $0x2  }
0xb8: {  	s31 =	sshll.u32 s1, $0xD;
	s1 =	sshrl.u32 s1, $0x2  }
0xb9: {  	s3 =	sand.u32 $0x4000, s31;
	s1 =	sadd.s32 s1, s30  }
0xba: {  	s0 =	sor.u32 s3, s0;
	s1 =	sshll.u32 s1, $0x11  }
0xbb: {  	s0 =	sor.u32 s1, s0  }
0xbc: {  	s0 =	sadd.s32 $0x8F2B, s0  }
0xbd: {  	[sflag:s0] =	ssyncadd.remote.s32 $0x1  }
0xbe: {  	_ =	sfence.sel $0xFFFF  }
0xbf: {  	[dreg:$0x0] =	wrdreg $0xFFFFFFFF;
	(pc) =	sbr.abs _section_cstart, $3  }
0xc0: {  	[dreg:$0x1] =	wrdreg $0xFFFFFFFF  }
0xc1: {  	_ =	task.clear_ibuf [dreg:s7], $0x2FFFF;
	_ =	strace $0x9FFFFFFF  }
0xc2: {  	(tm) =	ssettm $0x7FFFFFFF  }
0xc3: {  	_ =	shalt  }
tec
execute0_lowered:
.L_overlay_start_1:
0x0: {  	(tag) =	ssettag $0x1  }
0x1: {  	s3 =	rddreg [dreg:$0x0];
	s1 =	srdreg.scid  }
0x2: {  	s0 =	stileid.u32;
	s4 =	rddreg [dreg:$0x1];
	s9 =	simm.s32 $0x400  }
0x3: {  	s5 =	sand.u32 $0x1, s1;
	s2 =	sshll.u32 s0, $0x1;
	s8 =	sshrl.u32 s0, $0x2  }
0x4: {  	s1 =	rddreg [dreg:$0x2];
	s6 =	sor.u32 s5, s2;
	s8 =	smul.u32 $0x13C00, s8  }
0x5: {  	s2 =	simm.s32 $0x0;
	s5 =	ssub.s32 $0x2, s5;
	s7 =	smul.u32 $0x4E2, s6  }
0x6: {  	[smem:$0x7FF] =	sst s2;
	s6 =	sshll.u32 s6, $0x7;
	s31 =	sshrl.u32 s5, $0x1  }
0x7: {  	_ =	strace $0x80000047;
	s6 =	sand.u32 $0x380, s6;
	s5 =	ssub.s32 s5, s31  }
0x8: {  	s3 =	sadd.s32 s7, s3;
	s6 =	sor.u32 s8, s6;
	s5 =	smax.u32 s5, $0x1  }
0x9: {  	s7 =	simm.s32 $0x2780;
	s8 =	simm.s32 $0x80;
	s6 =	sshrl.u32 s6, $0x3  }
0xa: {  	v0 =	vimm.f32 $0.0e+00;
	v1 =	vimm.f32 $1.000000000e+00;
	s3 =	sadd.s32 $0xCA00, s3;
	s4 =	sadd.s32 s4, s6;
	s6 =	simm.s32 $0x1  }
.LBB2_1:
0xb: {  	s10 =	simm.s32 $0x40;
	s11 =	simm.s32 $0x0  }
.LBB2_2:
0xc: {  	p0 =	sne.s32 s10, $0x9C00;
	[tilespmem:s11+$0x2780] =	vst v0;
	s11 =	smov.u32 s10;
	s10 =	sadd.s32 $0x40, s10  }
.Ltmp0:
0xd: {  	(pc) =	sbr.rel @p0 .LBB2_2-.Ltmp0, $2  }
0xe: {  	_ =	sdelay $0x2  }
0xf: {  	s11 =	sshra.s32 s11, $0x2  }
0x10: {  	[tilespmem:s11+$0x2780] =	vst v0;
	s10 =	simm.s32 $0x0  }
0x11: {  	[tilespmem:s10], [sflag:$0x1] =	stream.linear.gather [hbm4b:s3+s10], $0x2710, $0x38;
	[tilespmem:$0x4F00] =	vst v63  }
0x12: {  	_ =	swait.ge [sflag:s6], $0x2710  }
0x13: {  	[sflag:s6] =	ssyncset.done $0x0  }
0x14: {  	s11 =	simm.s32 $0x0;
	s10 =	simm.s32 $0x40;
	[sflag:s6] =	ssyncadd.s32 $0xFFFFD8F0  }
.LBB2_4:
0x15: {  	p0 =	sne.s32 s10, $0x9C00;
	v2 =	vld [tilespmem:s11+$0x0];
	_ =	sdelay $0x3  }
.Ltmp1:
0x16: {  	(pc) =	sbr.rel @p0 .LBB2_4-.Ltmp1, $2  }
0x17: {  	_ =	sdelay $0x2  }
0x18: {  	s11 =	sshra.s32 s10, $0x2;
	s10 =	sadd.s32 $0x40, s10;
	[tilespmem:v2+s7+$0x0] =	vst.idx.add.f32.msk $0xffff, v1  }
0x19: {  	v2 =	vld [tilespmem:s11+$0x0];
	_ =	sdelay $0x5  }
0x1a: {  	s2 =	sadd.s32 $0x1, s2  }
0x1b: {  	p0 =	sne.s32 s2, s5  }
.Ltmp2:
0x1c: {  	[tilespmem:v2+s7+$0x0] =	vst.idx.add.f32.msk $0xffff, v1;
	(pc) =	sbr.rel @p0 .LBB2_1-.Ltmp2, $4  }
0x1d: {  	[hbm4b:s4+s8] =	stream.strided.scatter [tilespmem:s7], [sflag:$0x1], $0x2780, s9, s8, $0x38;
	[tilespmem:$0x4F00] =	vst v63  }
0x1e: {  	_ =	swait.ge [sflag:s6], $0x2780  }
0x1f: {  	[sflag:s6] =	ssyncset.done $0x0  }
0x20: {  	[sflag:s6] =	ssyncadd.s32 $0xFFFFD880  }
0x21: {  	_ =	sfence.sel $0x180000  }
0x22: {  	[bflag:$0x0] =	sbarrier.arrive $0xFFFF  }
0x23: {  	p0 =	sne.s32 s0, $0x0;
	_ =	strace $0x90000047  }
0x24: {  	s0 =	sadd.s32 @!p0 $0x100000, s1;
	[bflag:$0x2] =	sbarrier.arrive $0xFFFF  }
0x25: {  	[sflag:s0] =	ssyncadd.tile.s32 @!p0 $0x1;
	_ =	shalt  }
.Lfunc_end2:
_tile_overlayer_lowered:
.L_overlay_start_2:
0x26: {  	(tag) =	ssettag $0x2  }
0x27: {  	s0 =	rddreg [dreg:$0x0];
	s2 =	stileid.u32  }
0x28: {  	s1 =	rddreg [dreg:$0x1];
	p0 =	sne.s32 s2, $0x0  }
0x29: {  	s3 =	rddreg [dreg:$0x2];
	[bflag:$0x3] =	sbarrier.arrive $0xFFFF;
	s2 =	simm.s32 @!p0 $0x1C01  }
0x2a: {  	[timem:s3], [sflag:s2] =	dma.local @!p0 [hbm:s0], s1  }
0x2b: {  	s0 =	simm.s32 @!p0 $0x1  }
0x2c: {  	_ =	swait.ge @!p0 [sflag:s0], s1  }
0x2d: {  	s1 =	ssub.s32 @!p0 $0x0, s1;
	[sflag:s0] =	ssyncset.done @!p0 $0x0  }
0x2e: {  	[sflag:s0] =	ssyncadd.s32 @!p0 s1  }
0x2f: {  	[bflag:$0x3] =	sbarrier.arrive $0xFFFF  }
0x30: {  	_ =	shalt  }

// kernel: kernel.13.cloned.1.call-start
scs
__scs_entry_jumppad:
0x0: {  	(pc) =	sbr.rel $0x88, $3  }
0x1: {  	(tag) =	ssettag $0x0;
	lr =	simm.s32 $0x1  }
0x2: {  	[smem:$0x3F95] =	sst lr;
	_ =	strace $0xD0000000  }
0x3: {  	_ = 	snop  }
0x4: {  	_ = 	snop  }
0x5: {  	_ = 	snop  }
0x6: {  	_ = 	snop  }
0x7: {  	_ = 	snop  }
__scs_overlays_trampoline_lowered:
0x8: {  	[smem:$0x3FA4] =	sst s0  }
0x9: {  	[smem:$0x3FA5] =	sst s1  }
0xa: {  	[smem:$0x3FA6] =	sst s2  }
0xb: {  	[smem:$0x3FA7] =	sst s3  }
0xc: {  	[smem:$0x3FA8] =	sst s4  }
0xd: {  	[smem:$0x3FA9] =	sst s5  }
0xe: {  	[smem:$0x3FAA] =	sst s6  }
0xf: {  	[smem:$0x3FAB] =	sst s7  }
0x10: {  	[smem:$0x3FAC] =	sst s8  }
0x11: {  	[smem:$0x3FAD] =	sst s9;
	s0 =	simm.s32 @!p0 $0x0  }
0x12: {  	s1 =	sld [smem:$0x3F93];
	s0 =	simm.s32 @p0 $0x1  }
0x13: {  	[smem:$0x3FAE] =	sst s0;
	s0 =	simm.s32 @!p1 $0x0  }
0x14: {  	s2 =	sld [smem:$0x3F92];
	s0 =	simm.s32 @p1 $0x1  }
0x15: {  	[smem:$0x3FAF] =	sst s0;
	s0 =	simm.s32 @!p2 $0x0  }
0x16: {  	s3 =	sld [smem:$0x3FDB];
	s0 =	simm.s32 @p2 $0x1  }
0x17: {  	s4 =	simm.s32 $0x1BF5;
	[smem:$0x3FB1] =	sst s0  }
0x18: {  	s0 =	sld [smem:$0x3F94];
	_ =	swait.ge [sflag:s4], $0x0  }
0x19: {  	s7 =	sld [smem:$0x3F95]  }
0x1a: {  	s8 =	sadd.s32 $0xFFFFE003, lr  }
0x1b: {  	s9 =	sadd.s32 $0xFFFFFEF7, lr;
	s5 =	simm.s32 $0xFFFFFFFF;
	p2 =	slt.u32 s8, $0xFFFFF086  }
0x1c: {  	p1 =	slt.u32 s9, $0xF7A;
	s5 =	simm.s32 @!p2 $0x0  }
0x1d: {  	s5 =	simm.s32 @p1 $0x1;
	p0 =	seq.s32 s7, s2  }
0x1e: {  	s7 =	smul.u32 @!p0 $0xF7A, s2;
	p2 =	seq.s32 @!p0 s5, $0x0  }
0x1f: {  	s9 =	smul.u32 $0xF7A, s1;
	s8 =	simm.s32 @!p0 $0x1BF5;
	p2 =	por !p2, p0  }
0x20: {  	[sflag:s8] =	ssyncset.s32 @!p0 $0xFFFFF086;
	s6 =	sadd.s32 @!p0 s3, s7;
	s7 =	simm.s32 @!p0 $0x108  }
0x21: {  	s3 =	sadd.s32 s3, s9;
	s6 =	sadd.s32 @!p0 $0x88, s6;
	s7 =	simm.s32 @p2 $0x1082  }
0x22: {  	[simem:s7], [sflag:s8] =	dma.local @!p0 [hbm:s6], $0xF7A  }
0x23: {  	s9 =	sor.u32 $0xD0000000, s2;
	s6 =	simm.s32 $0x108;
	_ =	swait.ge @!p0 [sflag:s8], $0x0  }
0x24: {  	s3 =	sadd.s32 $0x88, s3;
	s6 =	simm.s32 @!p1 $0x1082;
	[sflag:s4] =	ssyncset.s32 $0xFFFFF086  }
0x25: {  	[simem:s6], [sflag:s4] =	dma.local [hbm:s3], $0xF7A  }
0x26: {  	[smem:$0x3F95] =	sst s1;
	(tag) =	ssettag s2;
	_ =	strace s9  }
0x27: {  	s1 =	sld [smem:$0x3FA5]  }
0x28: {  	s2 =	sld [smem:$0x3FA6]  }
0x29: {  	s4 =	sld [smem:$0x3FA8]  }
0x2a: {  	p0 =	seq.s32 s5, $0x0;
	s5 =	sld [smem:$0x3FA9]  }
0x2b: {  	s6 =	sld [smem:$0x3FAA]  }
0x2c: {  	s7 =	sld [smem:$0x3FAB]  }
0x2d: {  	s3 =	simm.s32 $0x108;
	s8 =	sld [smem:$0x3FAC]  }
0x2e: {  	s3 =	simm.s32 @!p0 $0x1082;
	s9 =	sld [smem:$0x3FAD]  }
0x2f: {  	lr =	sadd.s32 s0, s3;
	s0 =	sld [smem:$0x3FA4]  }
0x30: {  	s3 =	sld [smem:$0x3FA7]  }
0x31: {  	[smem:$0x3FB0] =	sst s10  }
0x32: {  	s10 =	sld [smem:$0x3FAE];
	_ =	sdelay $0x3  }
0x33: {  	p0 =	seq.s32 s10, $0x1;
	s10 =	sld [smem:$0x3FB0];
	_ =	sdelay $0x3  }
0x34: {  	[smem:$0x3FB0] =	sst s10  }
0x35: {  	s10 =	sld [smem:$0x3FAF];
	_ =	sdelay $0x3  }
0x36: {  	p1 =	seq.s32 s10, $0x1;
	s10 =	sld [smem:$0x3FB0];
	_ =	sdelay $0x3  }
0x37: {  	[smem:$0x3FB0] =	sst s10  }
0x38: {  	s10 =	sld [smem:$0x3FB1]  }
0x39: {  	_ = 	snop;
	(pc) =	sbr.ind lr, $3  }
0x3a: {  	_ = 	snop  }
0x3b: {  	_ = 	snop  }
0x3c: {  	p2 =	seq.s32 s10, $0x1;
	s10 =	sld [smem:$0x3FB0]  }
0x3d: {  	_ =	shalt  }
0x3e: {  	_ =	shalt  }
0x3f: {  	_ =	shalt  }
0x40: {  	_ =	shalt  }
0x41: {  	_ =	shalt  }
0x42: {  	_ =	shalt  }
0x43: {  	_ =	shalt  }
0x44: {  	_ =	shalt  }
0x45: {  	_ =	shalt  }
0x46: {  	_ =	shalt  }
0x47: {  	_ =	shalt  }
0x48: {  	_ =	shalt  }
0x49: {  	_ =	shalt  }
0x4a: {  	_ =	shalt  }
0x4b: {  	_ =	shalt  }
0x4c: {  	_ =	shalt  }
0x4d: {  	_ =	shalt  }
0x4e: {  	_ =	shalt  }
0x4f: {  	_ =	shalt  }
0x50: {  	_ =	shalt  }
0x51: {  	_ =	shalt  }
0x52: {  	_ =	shalt  }
0x53: {  	_ =	shalt  }
0x54: {  	_ =	shalt  }
0x55: {  	_ =	shalt  }
0x56: {  	_ =	shalt  }
0x57: {  	_ =	shalt  }
0x58: {  	_ =	shalt  }
0x59: {  	_ =	shalt  }
0x5a: {  	_ =	shalt  }
0x5b: {  	_ =	shalt  }
0x5c: {  	_ =	shalt  }
0x5d: {  	_ =	shalt  }
0x5e: {  	_ =	shalt  }
0x5f: {  	_ =	shalt  }
0x60: {  	_ =	shalt  }
0x61: {  	_ =	shalt  }
0x62: {  	_ =	shalt  }
0x63: {  	_ =	shalt  }
0x64: {  	_ =	shalt  }
0x65: {  	_ =	shalt  }
0x66: {  	_ =	shalt  }
0x67: {  	_ =	shalt  }
0x68: {  	_ =	shalt  }
0x69: {  	_ =	shalt  }
0x6a: {  	_ =	shalt  }
0x6b: {  	_ =	shalt  }
0x6c: {  	_ =	shalt  }
0x6d: {  	_ =	shalt  }
0x6e: {  	_ =	shalt  }
0x6f: {  	_ =	shalt  }
0x70: {  	_ =	shalt  }
0x71: {  	_ =	shalt  }
0x72: {  	_ =	shalt  }
0x73: {  	_ =	shalt  }
0x74: {  	_ =	shalt  }
0x75: {  	_ =	shalt  }
0x76: {  	_ =	shalt  }
0x77: {  	_ =	shalt  }
0x78: {  	_ =	shalt  }
0x79: {  	_ =	shalt  }
0x7a: {  	_ =	shalt  }
0x7b: {  	_ =	shalt  }
0x7c: {  	_ =	shalt  }
0x7d: {  	_ =	shalt  }
0x7e: {  	_ =	shalt  }
0x7f: {  	_ =	shalt  }
0x80: {  	_ =	shalt  }
0x81: {  	_ =	shalt  }
0x82: {  	_ =	shalt  }
0x83: {  	_ =	shalt  }
0x84: {  	_ =	shalt  }
0x85: {  	_ =	shalt  }
0x86: {  	_ =	shalt  }
0x87: {  	_ =	shalt  }
.Lfunc_end0:
.L_simem_size_0:
called_computation.1_lowered:
.L_overlay_start_0:
0x88: {  	s2 =	sld [smem:$0x3FD9]  }
0x89: {  	s3 =	sld [smem:$0x3FFE];
	_ =	sdelay $0x1  }
0x8a: {  	s1 =	srdreg.scid  }
0x8b: {  	s0 =	sand.u32 $0x1, s1  }
0x8c: {  	s16 =	sshll.u32 s0, $0xA;
	s2 =	sadd.s32 s3, s2  }
0x8d: {  	s2 =	sadd.s32 s2, s16  }
0x8e: {  	[smem:$0x3FBC] =	sst s2  }
0x8f: {  	_ = 	snop  }
0x90: {  	(tm) =	ssettm $0x1  }
0x91: {  	s17 =	sld [smem:$0x3FFB];
	_ =	sdelay $0x3  }
0x92: {  	_ =	strace s17  }
0x93: {  	s2 =	sld [smem:$0x3FFC];
	_ =	sdelay $0x3  }
0x94: {  	_ =	strace s2  }
0x95: {  	s2 =	sld [smem:$0x3FFD];
	_ =	sdelay $0x3  }
0x96: {  	_ =	strace s2  }
0x97: {  	_ =	strace $0x8FFFFFFF  }
0x98: {  	s18 =	sld [smem:$0x3FDB];
	_ =	sdelay $0x1  }
0x99: {  	s19 =	simm.s32 $_scs_section_size  }
0x9a: {  	s4 =	simm.s32 $_size__tile_overlayer_lowered;
	s5 =	simm.s32 $_tile_overlayer_lowered  }
0x9b: {  	s22 =	simm.s32 $0x1BFF;
	s21 =	sshll.u32 s5, $0x1;
	s2 =	sadd.s32 s19, s18  }
0x9c: {  	s6 =	simm.s32 $0x0;
	s20 =	sshll.u32 s4, $0x1;
	s4 =	sadd.s32 s21, s2  }
0x9d: {  	[timem:s6], [sflag:s22] =	dma.local [hbm:s4], s20  }
0x9e: {  	_ =	swait.ge [sflag:s22], s20  }
0x9f: {  	s3 =	ssub.s32 $0x0, s20;
	[sflag:s22] =	ssyncset.done $0x0  }
0xa0: {  	[sflag:s22] =	ssyncadd.s32 s3;
	_ =	sdelay $0x1  }
0xa1: {  	s23 =	simm.s32 $0x1B8B  }
0xa2: {  	_ =	swait.ge [sflag:s23], $0x1  }
0xa3: {  	[sflag:s23] =	ssyncset.done $0x0  }
0xa4: {  	s25 =	simm.s32 $0x1B8E;
	s24 =	sld [smem:$0x3FFE];
	[sflag:s23] =	ssyncadd.s32 $0xFFFFFFFF  }
0xa5: {  	s26 =	simm.s32 $execute0_lowered;
	[smem:$0x3FD2] =	sst s25  }
0xa6: {  	s4 =	sshll.u32 s26, $0x1;
	_ =	strace $0x80000049;
	[dreg:$0x1] =	wrdreg $0xFFFFFFFF  }
0xa7: {  	s28 =	simm.s32 $_size_execute0_lowered;
	s2 =	sadd.s32 s2, s4;
	[dreg:$0x0] =	wrdreg $0x0  }
0xa8: {  	s4 =	sshll.u32 s28, $0x1;
	[dreg:$0x2] =	wrdreg s2  }
0xa9: {  	[dreg:$0x3] =	wrdreg s4  }
0xaa: {  	[dreg:$0x4] =	wrdreg $0xC0  }
0xab: {  	_ =	task [dreg:s6], $0x5FFFF  }
0xac: {  	[dreg:$0x1] =	wrdreg $0xFFFFFFFF  }
0xad: {  	[dreg:$0x0] =	wrdreg $0x60  }
0xae: {  	[dreg:$0x2] =	wrdreg s24  }
0xaf: {  	[dreg:$0x3] =	wrdreg $0xB2200  }
0xb0: {  	[dreg:$0x4] =	wrdreg $0x9  }
0xb1: {  	_ =	task.clear_ibuf [dreg:s6], $0x5FFFF;
	_ =	strace $0x90000049  }
0xb2: {  	s29 =	simm.s32 $0x9;
	_ =	strace $0x8000004B  }
0xb3: {  	_ =	swait.ge [sflag:s29], $0x1  }
0xb4: {  	[sflag:s29] =	ssyncadd.s32 $0xFFFFFFFF  }
0xb5: {  	_ =	strace $0x9000004B  }
0xb6: {  	_ =	sfence  }
0xb7: {  	s30 =	sld [smem:$0x0];
	_ =	sdelay $0x2  }
0xb8: {  	s31 =	sshll.u32 s1, $0xD;
	s1 =	sshrl.u32 s1, $0x2  }
0xb9: {  	s3 =	sand.u32 $0x4000, s31;
	s1 =	sadd.s32 s1, s30  }
0xba: {  	s0 =	sor.u32 s3, s0;
	s1 =	sshll.u32 s1, $0x11  }
0xbb: {  	s0 =	sor.u32 s1, s0  }
0xbc: {  	s0 =	sadd.s32 $0x8F2B, s0  }
0xbd: {  	[sflag:s0] =	ssyncadd.remote.s32 $0x1  }
0xbe: {  	_ =	sfence.sel $0xFFFF  }
0xbf: {  	[dreg:$0x0] =	wrdreg $0xFFFFFFFF;
	(pc) =	sbr.abs _section_cstart, $3  }
0xc0: {  	[dreg:$0x1] =	wrdreg $0xFFFFFFFF  }
0xc1: {  	_ =	task.clear_ibuf [dreg:s6], $0x2FFFF;
	_ =	strace $0x9FFFFFFF  }
0xc2: {  	(tm) =	ssettm $0x7FFFFFFF  }
0xc3: {  	_ =	shalt  }
tec
execute0_lowered:
.L_overlay_start_1:
0x0: {  	(tag) =	ssettag $0x1  }
0x1: {  	s0 =	rddreg [dreg:$0x0]  }
0x2: {  	s2 =	rddreg [dreg:$0x1]  }
0x3: {  	s5 =	simm.s32 $0x0;
	s1 =	srdreg.scid;
	s3 =	stileid.u32  }
0x4: {  	s13 =	simm.s32 $0x1;
	s14 =	simm.s32 $0x2;
	s15 =	simm.s32 $0x28  }
0x5: {  	s16 =	simm.s32 $0x6220;
	s18 =	simm.s32 $0x7620;
	s20 =	simm.s32 $0x8A20  }
0x6: {  	s22 =	simm.s32 $0x9E20;
	s28 =	simm.s32 $0x4;
	s29 =	simm.s32 $0x5  }
0x7: {  	s30 =	simm.s32 $0x6;
	s31 =	simm.s32 $0x7;
	s12 =	simm.s32 $0xA  }
0x8: {  	s17 =	simm.s32 $0x0;
	s1 =	sand.u32 $0x1, s1;
	s7 =	smul.u32 $0x13880, s3  }
0x9: {  	s4 =	sshll.u32 s3, $0x1;
	[smem:$0x7FF] =	sst s5;
	s25 =	smul.u32 $0x4E200, s3  }
0xa: {  	s26 =	sshll.u32 s3, $0x6;
	s4 =	sor.u32 s1, s4;
	s24 =	smul.u32 $0x138800, s1  }
0xb: {  	_ =	strace $0x8000004A;
	s8 =	ssub.s32 $0x2, s1;
	p0 =	sne.s32 s1, $0x0  }
0xc: {  	s23 =	sor.u32 $0x1C0B, s26;
	s26 =	simm.s32 $0x3;
	s1 =	simm.s32 $0x9  }
0xd: {  	s6 =	smul.u32 $0x4E2, s4;
	s4 =	sadd.s32 $0x16800, s0;
	s9 =	sshrl.u32 s8, $0x1  }
0xe: {  	s10 =	sshrl.u32 s7, $0x3;
	s11 =	sshrl.u32 s25, $0x2;
	s25 =	simm.s32 $0x4E20  }
0xf: {  	s5 =	sadd.s32 s7, s24;
	s8 =	ssub.s32 s8, s9;
	s7 =	sadd.s32 s7, s2  }
0x10: {  	s10 =	sadd.s32 s4, s10;
	s11 =	sadd.s32 s11, s2;
	s24 =	simm.s32 $0xB  }
0x11: {  	s6 =	sadd.s32 s6, s0;
	s5 =	sshrl.u32 s5, $0x3;
	[dreg:$0x3] =	wrdreg s10  }
0x12: {  	s10 =	smax.u32 s8, $0x1;
	s0 =	sadd.s32 s5, s0;
	s5 =	sadd.s32 $0x2C00, s6  }
0x13: {  	v0 =	vimm.f32 $0.0e+00;
	s6 =	sadd.s32 $0xCA00, s6;
	s9 =	sadd.s32 $0x3DA00, s0;
	s0 =	simm.s32 $0x8  }
.LBB2_1:
0x14: {  	s3 =	simm.s32 $0x0  }
0x15: {  	[tilespmem:s3], [sflag:$0x1] =	stream.linear.gather [hbm4b:s5+s3], $0x2710, $0x38;
	[tilespmem:$0x1EAA0] =	vst v63  }
0x16: {  	s8 =	simm.s32 $0x2710  }
0x17: {  	[tilespmem:s8], [sflag:$0x2] =	stream.linear.gather [hbm4b:s6+s3], $0x2710, $0x38;
	[tilespmem:$0x1EAA0] =	vst v63  }
0x18: {  	s19 =	simm.s32 $0x200;
	s8 =	simm.s32 $0x0  }
.LBB2_2:
0x19: {  	p1 =	sne.s32 s19, $0x3000;
	[tilespmem:s8+$0x4E90] =	vst v0  }
0x1a: {  	[tilespmem:s8+$0x4E20] =	vst v0  }
0x1b: {  	[tilespmem:s8+$0x4E30] =	vst v0  }
.Ltmp0:
0x1c: {  	[tilespmem:s8+$0x4E40] =	vst v0;
	(pc) =	sbr.rel @p1 .LBB2_2-.Ltmp0, $4  }
0x1d: {  	[tilespmem:s8+$0x4E50] =	vst v0  }
0x1e: {  	[tilespmem:s8+$0x4E60] =	vst v0  }
0x1f: {  	[tilespmem:s8+$0x4E70] =	vst v0  }
0x20: {  	[tilespmem:s8+$0x4E80] =	vst v0;
	s8 =	sshra.s32 s19, $0x2;
	s19 =	sadd.s32 $0x200, s19  }
0x21: {  	[tilespmem:s8+$0x4E90] =	vst v0  }
0x22: {  	[tilespmem:s8+$0x4E20] =	vst v0  }
0x23: {  	[tilespmem:s8+$0x4E30] =	vst v0  }
0x24: {  	[tilespmem:s8+$0x4E40] =	vst v0  }
0x25: {  	[tilespmem:s8+$0x4E50] =	vst v0  }
0x26: {  	[tilespmem:s8+$0x4E60] =	vst v0  }
0x27: {  	[tilespmem:s8+$0x4E70] =	vst v0  }
0x28: {  	[tilespmem:s8+$0x4E80] =	vst v0  }
0x29: {  	_ =	swait.ge [sflag:s13], $0x2710  }
0x2a: {  	[sflag:s13] =	ssyncset.done $0x0  }
0x2b: {  	[sflag:s13] =	ssyncadd.s32 $0xFFFFD8F0  }
0x2c: {  	_ =	swait.ge [sflag:s14], $0x2710  }
0x2d: {  	[sflag:s14] =	ssyncset.done $0x0  }
0x2e: {  	[sflag:s14] =	ssyncadd.s32 $0xFFFFD8F0  }
0x2f: {  	[tilespmem:s16], [sflag:$0x2] =	stream.indirect.gather [hbm4b:s4+s15], $0x80, s15, s15, $0xb8;
	[tilespmem:$0x1EAA0] =	vst v63  }
0x30: {  	s3 =	simm.s32 $0x50  }
0x31: {  	[tilespmem:s18], [sflag:$0x3] =	stream.indirect.gather [hbm4b:s4+s15], $0x80, s3, s15, $0xb8;
	[tilespmem:$0x1EAA0] =	vst v63  }
.Ltmp1:
0x32: {  	_ = 	snop;
	(pc) =	sbr.rel @p0 .LBB2_5-.Ltmp1, $4  }
0x33: {  	s19 =	simm.s32 $0x78  }
0x34: {  	[tilespmem:s20], [sflag:$0x4] =	stream.indirect.gather [hbm4b:s4+s15], $0x80, s19, s15, $0xb8;
	[tilespmem:$0x1EAA0] =	vst v63  }
0x35: {  	s21 =	simm.s32 $0xA0;
	s8 =	simm.s32 $0x0;
	s19 =	sshrl.u32 s7, $0x3  }
0x36: {  	[tilespmem:s22], [sflag:$0x5] =	stream.indirect.gather [hbm4b:s4+s15], $0x80, s21, s15, $0xb8;
	[tilespmem:$0x1EAA0] =	vst v63  }
.Ltmp2:
0x37: {  	s3 =	rddreg [dreg:$0x3];
	(pc) =	sbr.rel .LBB2_8-.Ltmp2, $4  }
0x38: {  	[spmem:s19], [sflag:s23] =	dma.local [hbm:s3], $0x2710  }
0x39: {  	_ =	swait.ge [sflag:s24], $0x2710  }
0x3a: {  	[sflag:s24] =	ssyncset.done $0x0  }
0x3b: {  	[sflag:s24] =	ssyncadd.s32 $0xFFFFD8F0  }
.LBB2_5:
0x3c: {  	s21 =	sshra.s32 s8, $0x2  }
0x3d: {  	s21 =	sadd.s32 s21, s11  }
0x3e: {  	[spmem:s21] =	stream.linear.scatter [tilespmem:s25], [sflag:$0xB], $0xC80, $0x38;
	[tilespmem:$0x1EAA0] =	vst v63  }
0x3f: {  	s8 =	sadd.s32 $0x3200, s8;
	_ =	swait.ge [sflag:s24], $0xC80  }
.LBB2_6:
0x40: {  	s21 =	sshra.s32 s8, $0x2;
	[sflag:s24] =	ssyncset.done $0x0;
	p1 =	sne.s32 s8, $0x4B000  }
.Ltmp3:
0x41: {  	s21 =	sadd.s32 s21, s11;
	[sflag:s24] =	ssyncadd.s32 $0xFFFFF380;
	(pc) =	sbr.rel @p1 .LBB2_6-.Ltmp3, $3  }
0x42: {  	[spmem:s21] =	stream.linear.scatter [tilespmem:s25], [sflag:$0xB], $0xC80, $0x38;
	[tilespmem:$0x1EAA0] =	vst v63  }
0x43: {  	s8 =	sadd.s32 $0x3200, s8;
	_ =	sdelay $0x1  }
0x44: {  	_ =	swait.ge [sflag:s24], $0xC80  }
0x45: {  	[sflag:s24] =	ssyncset.done $0x0  }
0x46: {  	[sflag:s24] =	ssyncadd.s32 $0xFFFFF380  }
.LBB2_8:
0x47: {  	[bflag:$0x0] =	sbarrier.arrive $0xFFFF;
	s8 =	simm.s32 $0x0  }
0x48: {  	[tilespmem:s25], [sflag:$0x1] =	stream.indirect.gather [hbm4b:s4+s15], $0x80, s8, s15, $0xb8;
	[tilespmem:$0x1EAA0] =	vst v63  }
0x49: {  	_ =	swait.ge [sflag:s13], $0x1400  }
0x4a: {  	[sflag:s13] =	ssyncset.done $0x0  }
0x4b: {  	s21 =	simm.s32 $0x2710;
	[sflag:s13] =	ssyncadd.s32 $0xFFFFEC00  }
0x4c: {  	[spmem:s2] =	stream.indirect.scatter.add.f32 [tilespmem:s25], [sflag:$0x6], $0x80, s21, s15, $0xb8;
	[tilespmem:$0x1EAA0] =	vst v63  }
0x4d: {  	_ =	swait.ge [sflag:s14], $0x1400  }
0x4e: {  	[sflag:s14] =	ssyncset.done $0x0  }
0x4f: {  	s3 =	simm.s32 $0x2738;
	[sflag:s14] =	ssyncadd.s32 $0xFFFFEC00  }
0x50: {  	[spmem:s2] =	stream.indirect.scatter.add.f32 [tilespmem:s16], [sflag:$0x7], $0x80, s3, s15, $0xb8;
	[tilespmem:$0x1EAA0] =	vst v63  }
0x51: {  	_ =	swait.ge [sflag:s26], $0x1400  }
0x52: {  	[sflag:s26] =	ssyncset.done $0x0  }
0x53: {  	s21 =	simm.s32 $0x2760;
	[sflag:s26] =	ssyncadd.s32 $0xFFFFEC00  }
0x54: {  	[spmem:s2] =	stream.indirect.scatter.add.f32 [tilespmem:s18], [sflag:$0x8], $0x80, s21, s15, $0xb8;
	[tilespmem:$0x1EAA0] =	vst v63  }
0x55: {  	_ =	swait.ge [sflag:s28], $0x1400  }
0x56: {  	[sflag:s28] =	ssyncset.done $0x0  }
0x57: {  	s3 =	simm.s32 $0x2788;
	[sflag:s28] =	ssyncadd.s32 $0xFFFFEC00  }
0x58: {  	[spmem:s2] =	stream.indirect.scatter.add.f32 [tilespmem:s20], [sflag:$0x9], $0x80, s3, s15, $0xb8;
	[tilespmem:$0x1EAA0] =	vst v63  }
0x59: {  	_ =	swait.ge [sflag:s29], $0x1400  }
0x5a: {  	[sflag:s29] =	ssyncset.done $0x0  }
0x5b: {  	s21 =	simm.s32 $0x27B0;
	[sflag:s29] =	ssyncadd.s32 $0xFFFFEC00  }
0x5c: {  	[spmem:s2] =	stream.indirect.scatter.add.f32 [tilespmem:s22], [sflag:$0xA], $0x80, s21, s15, $0xb8;
	[tilespmem:$0x1EAA0] =	vst v63  }
0x5d: {  	_ =	swait.ge [sflag:s30], $0x1400  }
0x5e: {  	[sflag:s30] =	ssyncset.done $0x0  }
0x5f: {  	s3 =	simm.s32 $0xC8;
	[sflag:s30] =	ssyncadd.s32 $0xFFFFEC00  }
0x60: {  	[tilespmem:s25], [sflag:$0x1] =	stream.indirect.gather [hbm4b:s4+s15], $0x80, s3, s15, $0xb8;
	[tilespmem:$0x1EAA0] =	vst v63  }
0x61: {  	_ =	swait.ge [sflag:s31], $0x1400  }
0x62: {  	[sflag:s31] =	ssyncset.done $0x0  }
0x63: {  	s21 =	simm.s32 $0xF0;
	[sflag:s31] =	ssyncadd.s32 $0xFFFFEC00  }
0x64: {  	[tilespmem:s16], [sflag:$0x2] =	stream.indirect.gather [hbm4b:s4+s15], $0x80, s21, s15, $0xb8;
	[tilespmem:$0x1EAA0] =	vst v63  }
0x65: {  	_ =	swait.ge [sflag:s0], $0x1400  }
0x66: {  	[sflag:s0] =	ssyncset.done $0x0  }
0x67: {  	s3 =	simm.s32 $0x118;
	[sflag:s0] =	ssyncadd.s32 $0xFFFFEC00  }
0x68: {  	[tilespmem:s18], [sflag:$0x3] =	stream.indirect.gather [hbm4b:s4+s15], $0x80, s3, s15, $0xb8;
	[tilespmem:$0x1EAA0] =	vst v63  }
0x69: {  	_ =	swait.ge [sflag:s1], $0x1400  }
0x6a: {  	[sflag:s1] =	ssyncset.done $0x0  }
0x6b: {  	s21 =	simm.s32 $0x140;
	[sflag:s1] =	ssyncadd.s32 $0xFFFFEC00  }
0x6c: {  	[tilespmem:s20], [sflag:$0x4] =	stream.indirect.gather [hbm4b:s4+s15], $0x80, s21, s15, $0xb8;
	[tilespmem:$0x1EAA0] =	vst v63  }
0x6d: {  	_ =	swait.ge [sflag:s12], $0x1400  }
0x6e: {  	[sflag:s12] =	ssyncset.done $0x0  }
0x6f: {  	s8 =	simm.s32 $0x168;
	s21 =	simm.s32 $0x320;
	[sflag:s12] =	ssyncadd.s32 $0xFFFFEC00  }
.LBB2_9:
0x70: {  	[tilespmem:s22], [sflag:$0x5] =	stream.indirect.gather [hbm4b:s4+s15], $0x80, s8, s15, $0xb8;
	[tilespmem:$0x1EAA0] =	vst v63  }
0x71: {  	s8 =	smov.u32 s21  }
0x72: {  	p1 =	sne.s32 s21, $0x9600;
	s21 =	sadd.s32 $0x320, s21;
	_ =	swait.ge [sflag:s13], $0x1400  }
0x73: {  	s8 =	sshra.s32 s8, $0x2;
	[sflag:s13] =	ssyncset.done $0x0  }
0x74: {  	s3 =	sadd.s32 $0x2710, s8;
	[sflag:s13] =	ssyncadd.s32 $0xFFFFEC00  }
0x75: {  	[spmem:s2] =	stream.indirect.scatter.add.f32 [tilespmem:s25], [sflag:$0x6], $0x80, s3, s15, $0xb8;
	[tilespmem:$0x1EAA0] =	vst v63  }
0x76: {  	_ =	swait.ge [sflag:s14], $0x1400  }
0x77: {  	[sflag:s14] =	ssyncset.done $0x0  }
0x78: {  	s3 =	sadd.s32 $0x2738, s8;
	[sflag:s14] =	ssyncadd.s32 $0xFFFFEC00  }
0x79: {  	[spmem:s2] =	stream.indirect.scatter.add.f32 [tilespmem:s16], [sflag:$0x7], $0x80, s3, s15, $0xb8;
	[tilespmem:$0x1EAA0] =	vst v63  }
0x7a: {  	_ =	swait.ge [sflag:s26], $0x1400  }
0x7b: {  	[sflag:s26] =	ssyncset.done $0x0  }
0x7c: {  	s3 =	sadd.s32 $0x2760, s8;
	[sflag:s26] =	ssyncadd.s32 $0xFFFFEC00  }
0x7d: {  	[spmem:s2] =	stream.indirect.scatter.add.f32 [tilespmem:s18], [sflag:$0x8], $0x80, s3, s15, $0xb8;
	[tilespmem:$0x1EAA0] =	vst v63  }
0x7e: {  	_ =	swait.ge [sflag:s28], $0x1400  }
0x7f: {  	[sflag:s28] =	ssyncset.done $0x0  }
0x80: {  	s3 =	sadd.s32 $0x2788, s8;
	[sflag:s28] =	ssyncadd.s32 $0xFFFFEC00  }
0x81: {  	[spmem:s2] =	stream.indirect.scatter.add.f32 [tilespmem:s20], [sflag:$0x9], $0x80, s3, s15, $0xb8;
	[tilespmem:$0x1EAA0] =	vst v63  }
0x82: {  	_ =	swait.ge [sflag:s29], $0x1400  }
0x83: {  	[sflag:s29] =	ssyncset.done $0x0  }
0x84: {  	s3 =	sadd.s32 $0x27B0, s8;
	[sflag:s29] =	ssyncadd.s32 $0xFFFFEC00  }
0x85: {  	[spmem:s2] =	stream.indirect.scatter.add.f32 [tilespmem:s22], [sflag:$0xA], $0x80, s3, s15, $0xb8;
	[tilespmem:$0x1EAA0] =	vst v63  }
0x86: {  	_ =	swait.ge [sflag:s30], $0x1400  }
0x87: {  	[sflag:s30] =	ssyncset.done $0x0  }
0x88: {  	s3 =	sadd.s32 $0xC8, s8;
	[sflag:s30] =	ssyncadd.s32 $0xFFFFEC00  }
0x89: {  	[tilespmem:s25], [sflag:$0x1] =	stream.indirect.gather [hbm4b:s4+s15], $0x80, s3, s15, $0xb8;
	[tilespmem:$0x1EAA0] =	vst v63  }
0x8a: {  	_ =	swait.ge [sflag:s31], $0x1400  }
0x8b: {  	[sflag:s31] =	ssyncset.done $0x0  }
0x8c: {  	s3 =	sadd.s32 $0xF0, s8;
	[sflag:s31] =	ssyncadd.s32 $0xFFFFEC00  }
0x8d: {  	[tilespmem:s16], [sflag:$0x2] =	stream.indirect.gather [hbm4b:s4+s15], $0x80, s3, s15, $0xb8;
	[tilespmem:$0x1EAA0] =	vst v63  }
0x8e: {  	_ =	swait.ge [sflag:s0], $0x1400  }
0x8f: {  	[sflag:s0] =	ssyncset.done $0x0  }
0x90: {  	s3 =	sadd.s32 $0x118, s8;
	[sflag:s0] =	ssyncadd.s32 $0xFFFFEC00  }
0x91: {  	[tilespmem:s18], [sflag:$0x3] =	stream.indirect.gather [hbm4b:s4+s15], $0x80, s3, s15, $0xb8;
	[tilespmem:$0x1EAA0] =	vst v63  }
0x92: {  	_ =	swait.ge [sflag:s1], $0x1400  }
0x93: {  	[sflag:s1] =	ssyncset.done $0x0  }
.Ltmp4:
0x94: {  	s3 =	sadd.s32 $0x140, s8;
	[sflag:s1] =	ssyncadd.s32 $0xFFFFEC00;
	(pc) =	sbr.rel @p1 .LBB2_9-.Ltmp4, $4  }
0x95: {  	[tilespmem:s20], [sflag:$0x4] =	stream.indirect.gather [hbm4b:s4+s15], $0x80, s3, s15, $0xb8;
	[tilespmem:$0x1EAA0] =	vst v63  }
0x96: {  	_ =	swait.ge [sflag:s12], $0x1400  }
0x97: {  	[sflag:s12] =	ssyncset.done $0x0  }
0x98: {  	s8 =	sadd.s32 $0x168, s8;
	[sflag:s12] =	ssyncadd.s32 $0xFFFFEC00  }
0x99: {  	[tilespmem:s22], [sflag:$0x5] =	stream.indirect.gather [hbm4b:s4+s15], $0x80, s8, s15, $0xb8;
	[tilespmem:$0x1EAA0] =	vst v63  }
0x9a: {  	_ =	swait.ge [sflag:s13], $0x1400  }
0x9b: {  	[sflag:s13] =	ssyncset.done $0x0  }
0x9c: {  	s3 =	simm.s32 $0x4D58;
	[sflag:s13] =	ssyncadd.s32 $0xFFFFEC00  }
0x9d: {  	[spmem:s2] =	stream.indirect.scatter.add.f32 [tilespmem:s25], [sflag:$0x6], $0x80, s3, s15, $0xb8;
	[tilespmem:$0x1EAA0] =	vst v63  }
0x9e: {  	_ =	swait.ge [sflag:s14], $0x1400  }
0x9f: {  	[sflag:s14] =	ssyncset.done $0x0  }
0xa0: {  	s8 =	simm.s32 $0x4D80;
	[sflag:s14] =	ssyncadd.s32 $0xFFFFEC00  }
0xa1: {  	[spmem:s2] =	stream.indirect.scatter.add.f32 [tilespmem:s16], [sflag:$0x7], $0x80, s8, s15, $0xb8;
	[tilespmem:$0x1EAA0] =	vst v63  }
0xa2: {  	_ =	swait.ge [sflag:s26], $0x1400  }
0xa3: {  	[sflag:s26] =	ssyncset.done $0x0  }
0xa4: {  	s21 =	simm.s32 $0x4DA8;
	[sflag:s26] =	ssyncadd.s32 $0xFFFFEC00  }
0xa5: {  	[spmem:s2] =	stream.indirect.scatter.add.f32 [tilespmem:s18], [sflag:$0x8], $0x80, s21, s15, $0xb8;
	[tilespmem:$0x1EAA0] =	vst v63  }
0xa6: {  	_ =	swait.ge [sflag:s28], $0x1400  }
0xa7: {  	[sflag:s28] =	ssyncset.done $0x0  }
0xa8: {  	s8 =	simm.s32 $0x4DD0;
	[sflag:s28] =	ssyncadd.s32 $0xFFFFEC00  }
0xa9: {  	[spmem:s2] =	stream.indirect.scatter.add.f32 [tilespmem:s20], [sflag:$0x9], $0x80, s8, s15, $0xb8;
	[tilespmem:$0x1EAA0] =	vst v63  }
0xaa: {  	_ =	swait.ge [sflag:s29], $0x1400  }
0xab: {  	[sflag:s29] =	ssyncset.done $0x0  }
0xac: {  	s21 =	simm.s32 $0x4DF8;
	[sflag:s29] =	ssyncadd.s32 $0xFFFFEC00  }
0xad: {  	[spmem:s2] =	stream.indirect.scatter.add.f32 [tilespmem:s22], [sflag:$0xA], $0x80, s21, s15, $0xb8;
	[tilespmem:$0x1EAA0] =	vst v63  }
0xae: {  	_ =	swait.ge [sflag:s30], $0x1400  }
0xaf: {  	[sflag:s30] =	ssyncset.done $0x0  }
0xb0: {  	[sflag:s30] =	ssyncadd.s32 $0xFFFFEC00  }
0xb1: {  	_ =	swait.ge [sflag:s31], $0x1400  }
0xb2: {  	[sflag:s31] =	ssyncset.done $0x0  }
0xb3: {  	[sflag:s31] =	ssyncadd.s32 $0xFFFFEC00  }
0xb4: {  	_ =	swait.ge [sflag:s0], $0x1400  }
0xb5: {  	[sflag:s0] =	ssyncset.done $0x0  }
0xb6: {  	[sflag:s0] =	ssyncadd.s32 $0xFFFFEC00  }
0xb7: {  	_ =	swait.ge [sflag:s1], $0x1400  }
0xb8: {  	[sflag:s1] =	ssyncset.done $0x0  }
0xb9: {  	[sflag:s1] =	ssyncadd.s32 $0xFFFFEC00  }
0xba: {  	_ =	swait.ge [sflag:s12], $0x1400  }
0xbb: {  	s17 =	sadd.s32 $0x1, s17;
	[sflag:s12] =	ssyncset.done $0x0  }
0xbc: {  	p1 =	sne.s32 s17, s10;
	[sflag:s12] =	ssyncadd.s32 $0xFFFFEC00  }
.Ltmp5:
0xbd: {  	[bflag:$0x0] =	sbarrier.arrive $0xFFFF;
	(pc) =	sbr.rel @p1 .LBB2_1-.Ltmp5, $4  }
0xbe: {  	[hbm:s9], [sflag:s23] =	dma.local [spmem:s19], $0x2710  }
0xbf: {  	_ =	swait.ge [sflag:s24], $0x2710  }
0xc0: {  	[sflag:s24] =	ssyncset.done $0x0  }
0xc1: {  	[sflag:s24] =	ssyncadd.s32 $0xFFFFD8F0  }
0xc2: {  	_ =	sfence.sel $0x180000  }
0xc3: {  	[bflag:$0x0] =	sbarrier.arrive $0xFFFF  }
0xc4: {  	_ =	strace $0x9000004A  }
0xc5: {  	s0 =	stileid.u32;
	[bflag:$0x2] =	sbarrier.arrive $0xFFFF  }
0xc6: {  	p0 =	sne.s32 s0, $0x0;
	s0 =	rddreg [dreg:$0x2]  }
0xc7: {  	s0 =	sadd.s32 @!p0 $0x100000, s0  }
0xc8: {  	[sflag:s0] =	ssyncadd.tile.s32 @!p0 $0x1;
	_ =	shalt  }
.Lfunc_end2:
_tile_overlayer_lowered:
.L_overlay_start_2:
0xc9: {  	(tag) =	ssettag $0x2  }
0xca: {  	s0 =	rddreg [dreg:$0x0];
	s2 =	stileid.u32  }
0xcb: {  	s1 =	rddreg [dreg:$0x1];
	p0 =	sne.s32 s2, $0x0  }
0xcc: {  	s3 =	rddreg [dreg:$0x2];
	[bflag:$0x3] =	sbarrier.arrive $0xFFFF;
	s2 =	simm.s32 @!p0 $0x1C0B  }
0xcd: {  	[timem:s3], [sflag:s2] =	dma.local @!p0 [hbm:s0], s1  }
0xce: {  	s0 =	simm.s32 @!p0 $0xB  }
0xcf: {  	_ =	swait.ge @!p0 [sflag:s0], s1  }
0xd0: {  	s1 =	ssub.s32 @!p0 $0x0, s1;
	[sflag:s0] =	ssyncset.done @!p0 $0x0  }
0xd1: {  	[sflag:s0] =	ssyncadd.s32 @!p0 s1  }
0xd2: {  	[bflag:$0x3] =	sbarrier.arrive $0xFFFF  }
0xd3: {  	_ =	shalt  }

// kernel: kernel.16.cloned.1.call-start
scs
__scs_entry_jumppad:
0x0: {  	(pc) =	sbr.rel $0x88, $3  }
0x1: {  	(tag) =	ssettag $0x0;
	lr =	simm.s32 $0x1  }
0x2: {  	[smem:$0x3F95] =	sst lr;
	_ =	strace $0xD0000000  }
0x3: {  	_ = 	snop  }
0x4: {  	_ = 	snop  }
0x5: {  	_ = 	snop  }
0x6: {  	_ = 	snop  }
0x7: {  	_ = 	snop  }
__scs_overlays_trampoline_lowered:
0x8: {  	[smem:$0x3FA4] =	sst s0  }
0x9: {  	[smem:$0x3FA5] =	sst s1  }
0xa: {  	[smem:$0x3FA6] =	sst s2  }
0xb: {  	[smem:$0x3FA7] =	sst s3  }
0xc: {  	[smem:$0x3FA8] =	sst s4  }
0xd: {  	[smem:$0x3FA9] =	sst s5  }
0xe: {  	[smem:$0x3FAA] =	sst s6  }
0xf: {  	[smem:$0x3FAB] =	sst s7  }
0x10: {  	[smem:$0x3FAC] =	sst s8  }
0x11: {  	[smem:$0x3FAD] =	sst s9;
	s0 =	simm.s32 @!p0 $0x0  }
0x12: {  	s1 =	sld [smem:$0x3F93];
	s0 =	simm.s32 @p0 $0x1  }
0x13: {  	[smem:$0x3FAE] =	sst s0;
	s0 =	simm.s32 @!p1 $0x0  }
0x14: {  	s2 =	sld [smem:$0x3F92];
	s0 =	simm.s32 @p1 $0x1  }
0x15: {  	[smem:$0x3FAF] =	sst s0;
	s0 =	simm.s32 @!p2 $0x0  }
0x16: {  	s3 =	sld [smem:$0x3FDB];
	s0 =	simm.s32 @p2 $0x1  }
0x17: {  	s4 =	simm.s32 $0x1BF5;
	[smem:$0x3FB1] =	sst s0  }
0x18: {  	s0 =	sld [smem:$0x3F94];
	_ =	swait.ge [sflag:s4], $0x0  }
0x19: {  	s7 =	sld [smem:$0x3F95]  }
0x1a: {  	s8 =	sadd.s32 $0xFFFFE003, lr  }
0x1b: {  	s9 =	sadd.s32 $0xFFFFFEF7, lr;
	s5 =	simm.s32 $0xFFFFFFFF;
	p2 =	slt.u32 s8, $0xFFFFF086  }
0x1c: {  	p1 =	slt.u32 s9, $0xF7A;
	s5 =	simm.s32 @!p2 $0x0  }
0x1d: {  	s5 =	simm.s32 @p1 $0x1;
	p0 =	seq.s32 s7, s2  }
0x1e: {  	s7 =	smul.u32 @!p0 $0xF7A, s2;
	p2 =	seq.s32 @!p0 s5, $0x0  }
0x1f: {  	s9 =	smul.u32 $0xF7A, s1;
	s8 =	simm.s32 @!p0 $0x1BF5;
	p2 =	por !p2, p0  }
0x20: {  	[sflag:s8] =	ssyncset.s32 @!p0 $0xFFFFF086;
	s6 =	sadd.s32 @!p0 s3, s7;
	s7 =	simm.s32 @!p0 $0x108  }
0x21: {  	s3 =	sadd.s32 s3, s9;
	s6 =	sadd.s32 @!p0 $0x88, s6;
	s7 =	simm.s32 @p2 $0x1082  }
0x22: {  	[simem:s7], [sflag:s8] =	dma.local @!p0 [hbm:s6], $0xF7A  }
0x23: {  	s9 =	sor.u32 $0xD0000000, s2;
	s6 =	simm.s32 $0x108;
	_ =	swait.ge @!p0 [sflag:s8], $0x0  }
0x24: {  	s3 =	sadd.s32 $0x88, s3;
	s6 =	simm.s32 @!p1 $0x1082;
	[sflag:s4] =	ssyncset.s32 $0xFFFFF086  }
0x25: {  	[simem:s6], [sflag:s4] =	dma.local [hbm:s3], $0xF7A  }
0x26: {  	[smem:$0x3F95] =	sst s1;
	(tag) =	ssettag s2;
	_ =	strace s9  }
0x27: {  	s1 =	sld [smem:$0x3FA5]  }
0x28: {  	s2 =	sld [smem:$0x3FA6]  }
0x29: {  	s4 =	sld [smem:$0x3FA8]  }
0x2a: {  	p0 =	seq.s32 s5, $0x0;
	s5 =	sld [smem:$0x3FA9]  }
0x2b: {  	s6 =	sld [smem:$0x3FAA]  }
0x2c: {  	s7 =	sld [smem:$0x3FAB]  }
0x2d: {  	s3 =	simm.s32 $0x108;
	s8 =	sld [smem:$0x3FAC]  }
0x2e: {  	s3 =	simm.s32 @!p0 $0x1082;
	s9 =	sld [smem:$0x3FAD]  }
0x2f: {  	lr =	sadd.s32 s0, s3;
	s0 =	sld [smem:$0x3FA4]  }
0x30: {  	s3 =	sld [smem:$0x3FA7]  }
0x31: {  	[smem:$0x3FB0] =	sst s10  }
0x32: {  	s10 =	sld [smem:$0x3FAE];
	_ =	sdelay $0x3  }
0x33: {  	p0 =	seq.s32 s10, $0x1;
	s10 =	sld [smem:$0x3FB0];
	_ =	sdelay $0x3  }
0x34: {  	[smem:$0x3FB0] =	sst s10  }
0x35: {  	s10 =	sld [smem:$0x3FAF];
	_ =	sdelay $0x3  }
0x36: {  	p1 =	seq.s32 s10, $0x1;
	s10 =	sld [smem:$0x3FB0];
	_ =	sdelay $0x3  }
0x37: {  	[smem:$0x3FB0] =	sst s10  }
0x38: {  	s10 =	sld [smem:$0x3FB1]  }
0x39: {  	_ = 	snop;
	(pc) =	sbr.ind lr, $3  }
0x3a: {  	_ = 	snop  }
0x3b: {  	_ = 	snop  }
0x3c: {  	p2 =	seq.s32 s10, $0x1;
	s10 =	sld [smem:$0x3FB0]  }
0x3d: {  	_ =	shalt  }
0x3e: {  	_ =	shalt  }
0x3f: {  	_ =	shalt  }
0x40: {  	_ =	shalt  }
0x41: {  	_ =	shalt  }
0x42: {  	_ =	shalt  }
0x43: {  	_ =	shalt  }
0x44: {  	_ =	shalt  }
0x45: {  	_ =	shalt  }
0x46: {  	_ =	shalt  }
0x47: {  	_ =	shalt  }
0x48: {  	_ =	shalt  }
0x49: {  	_ =	shalt  }
0x4a: {  	_ =	shalt  }
0x4b: {  	_ =	shalt  }
0x4c: {  	_ =	shalt  }
0x4d: {  	_ =	shalt  }
0x4e: {  	_ =	shalt  }
0x4f: {  	_ =	shalt  }
0x50: {  	_ =	shalt  }
0x51: {  	_ =	shalt  }
0x52: {  	_ =	shalt  }
0x53: {  	_ =	shalt  }
0x54: {  	_ =	shalt  }
0x55: {  	_ =	shalt  }
0x56: {  	_ =	shalt  }
0x57: {  	_ =	shalt  }
0x58: {  	_ =	shalt  }
0x59: {  	_ =	shalt  }
0x5a: {  	_ =	shalt  }
0x5b: {  	_ =	shalt  }
0x5c: {  	_ =	shalt  }
0x5d: {  	_ =	shalt  }
0x5e: {  	_ =	shalt  }
0x5f: {  	_ =	shalt  }
0x60: {  	_ =	shalt  }
0x61: {  	_ =	shalt  }
0x62: {  	_ =	shalt  }
0x63: {  	_ =	shalt  }
0x64: {  	_ =	shalt  }
0x65: {  	_ =	shalt  }
0x66: {  	_ =	shalt  }
0x67: {  	_ =	shalt  }
0x68: {  	_ =	shalt  }
0x69: {  	_ =	shalt  }
0x6a: {  	_ =	shalt  }
0x6b: {  	_ =	shalt  }
0x6c: {  	_ =	shalt  }
0x6d: {  	_ =	shalt  }
0x6e: {  	_ =	shalt  }
0x6f: {  	_ =	shalt  }
0x70: {  	_ =	shalt  }
0x71: {  	_ =	shalt  }
0x72: {  	_ =	shalt  }
0x73: {  	_ =	shalt  }
0x74: {  	_ =	shalt  }
0x75: {  	_ =	shalt  }
0x76: {  	_ =	shalt  }
0x77: {  	_ =	shalt  }
0x78: {  	_ =	shalt  }
0x79: {  	_ =	shalt  }
0x7a: {  	_ =	shalt  }
0x7b: {  	_ =	shalt  }
0x7c: {  	_ =	shalt  }
0x7d: {  	_ =	shalt  }
0x7e: {  	_ =	shalt  }
0x7f: {  	_ =	shalt  }
0x80: {  	_ =	shalt  }
0x81: {  	_ =	shalt  }
0x82: {  	_ =	shalt  }
0x83: {  	_ =	shalt  }
0x84: {  	_ =	shalt  }
0x85: {  	_ =	shalt  }
0x86: {  	_ =	shalt  }
0x87: {  	_ =	shalt  }
.Lfunc_end0:
.L_simem_size_0:
called_computation.2_lowered:
.L_overlay_start_0:
0x88: {  	s2 =	sld [smem:$0x3FD9]  }
0x89: {  	s3 =	sld [smem:$0x3FFE];
	_ =	sdelay $0x1  }
0x8a: {  	s1 =	srdreg.scid  }
0x8b: {  	s0 =	sand.u32 $0x1, s1  }
0x8c: {  	s16 =	sshll.u32 s0, $0xA;
	s2 =	sadd.s32 s3, s2  }
0x8d: {  	s2 =	sadd.s32 s2, s16  }
0x8e: {  	[smem:$0x3FBC] =	sst s2  }
0x8f: {  	_ = 	snop  }
0x90: {  	(tm) =	ssettm $0x1  }
0x91: {  	s17 =	sld [smem:$0x3FFB];
	_ =	sdelay $0x3  }
0x92: {  	_ =	strace s17  }
0x93: {  	s2 =	sld [smem:$0x3FFC];
	_ =	sdelay $0x3  }
0x94: {  	_ =	strace s2  }
0x95: {  	s2 =	sld [smem:$0x3FFD];
	_ =	sdelay $0x3  }
0x96: {  	_ =	strace s2  }
0x97: {  	_ =	strace $0x8FFFFFFF  }
0x98: {  	s18 =	sld [smem:$0x3FDB];
	_ =	sdelay $0x1  }
0x99: {  	s19 =	simm.s32 $_scs_section_size  }
0x9a: {  	s4 =	simm.s32 $_size__tile_overlayer_lowered;
	s5 =	simm.s32 $_tile_overlayer_lowered  }
0x9b: {  	s22 =	simm.s32 $0x1BFF;
	s21 =	sshll.u32 s5, $0x1;
	s2 =	sadd.s32 s19, s18  }
0x9c: {  	s6 =	simm.s32 $0x0;
	s20 =	sshll.u32 s4, $0x1;
	s4 =	sadd.s32 s21, s2  }
0x9d: {  	[timem:s6], [sflag:s22] =	dma.local [hbm:s4], s20  }
0x9e: {  	_ =	swait.ge [sflag:s22], s20  }
0x9f: {  	s3 =	ssub.s32 $0x0, s20;
	[sflag:s22] =	ssyncset.done $0x0  }
0xa0: {  	[sflag:s22] =	ssyncadd.s32 s3;
	_ =	sdelay $0x1  }
0xa1: {  	s23 =	simm.s32 $0x1B8B  }
0xa2: {  	_ =	swait.ge [sflag:s23], $0x1  }
0xa3: {  	[sflag:s23] =	ssyncset.done $0x0  }
0xa4: {  	s25 =	simm.s32 $0x1B8E;
	s24 =	sld [smem:$0x3FFE];
	[sflag:s23] =	ssyncadd.s32 $0xFFFFFFFF  }
0xa5: {  	s26 =	simm.s32 $execute0_lowered;
	[smem:$0x3FD2] =	sst s25  }
0xa6: {  	s4 =	sshll.u32 s26, $0x1;
	_ =	strace $0x8000004C;
	[dreg:$0x1] =	wrdreg $0xFFFFFFFF  }
0xa7: {  	s28 =	simm.s32 $_size_execute0_lowered;
	s2 =	sadd.s32 s2, s4;
	[dreg:$0x0] =	wrdreg $0x0  }
0xa8: {  	s4 =	sshll.u32 s28, $0x1;
	[dreg:$0x2] =	wrdreg s2  }
0xa9: {  	[dreg:$0x3] =	wrdreg s4  }
0xaa: {  	[dreg:$0x4] =	wrdreg $0xC0  }
0xab: {  	_ =	task [dreg:s6], $0x5FFFF  }
0xac: {  	[dreg:$0x1] =	wrdreg $0xFFFFFFFF  }
0xad: {  	[dreg:$0x0] =	wrdreg $0x60  }
0xae: {  	[dreg:$0x2] =	wrdreg s24  }
0xaf: {  	[dreg:$0x3] =	wrdreg $0xB2200  }
0xb0: {  	[dreg:$0x4] =	wrdreg $0x9  }
0xb1: {  	_ =	task.clear_ibuf [dreg:s6], $0x5FFFF;
	_ =	strace $0x9000004C  }
0xb2: {  	s29 =	simm.s32 $0x9;
	_ =	strace $0x8000004E  }
0xb3: {  	_ =	swait.ge [sflag:s29], $0x1  }
0xb4: {  	[sflag:s29] =	ssyncadd.s32 $0xFFFFFFFF  }
0xb5: {  	_ =	strace $0x9000004E  }
0xb6: {  	_ =	sfence  }
0xb7: {  	s30 =	sld [smem:$0x0];
	_ =	sdelay $0x2  }
0xb8: {  	s31 =	sshll.u32 s1, $0xD;
	s1 =	sshrl.u32 s1, $0x2  }
0xb9: {  	s3 =	sand.u32 $0x4000, s31;
	s1 =	sadd.s32 s1, s30  }
0xba: {  	s0 =	sor.u32 s3, s0;
	s1 =	sshll.u32 s1, $0x11  }
0xbb: {  	s0 =	sor.u32 s1, s0  }
0xbc: {  	s0 =	sadd.s32 $0x8F2B, s0  }
0xbd: {  	[sflag:s0] =	ssyncadd.remote.s32 $0x1  }
0xbe: {  	_ =	sfence.sel $0xFFFF  }
0xbf: {  	[dreg:$0x0] =	wrdreg $0xFFFFFFFF;
	(pc) =	sbr.abs _section_cstart, $3  }
0xc0: {  	[dreg:$0x1] =	wrdreg $0xFFFFFFFF  }
0xc1: {  	_ =	task.clear_ibuf [dreg:s6], $0x2FFFF;
	_ =	strace $0x9FFFFFFF  }
0xc2: {  	(tm) =	ssettm $0x7FFFFFFF  }
0xc3: {  	_ =	shalt  }
tec
execute0_lowered:
.L_overlay_start_1:
0x0: {  	(tag) =	ssettag $0x1  }
0x1: {  	s0 =	rddreg [dreg:$0x0]  }
0x2: {  	s2 =	rddreg [dreg:$0x1]  }
0x3: {  	s5 =	simm.s32 $0x0;
	s1 =	srdreg.scid;
	s3 =	stileid.u32  }
0x4: {  	s13 =	simm.s32 $0x1;
	s14 =	simm.s32 $0x2;
	s15 =	simm.s32 $0x28  }
0x5: {  	s16 =	simm.s32 $0x6220;
	s18 =	simm.s32 $0x7620;
	s20 =	simm.s32 $0x8A20  }
0x6: {  	s22 =	simm.s32 $0x9E20;
	s28 =	simm.s32 $0x4;
	s29 =	simm.s32 $0x5  }
0x7: {  	s30 =	simm.s32 $0x6;
	s31 =	simm.s32 $0x7;
	s12 =	simm.s32 $0xA  }
0x8: {  	s17 =	simm.s32 $0x0;
	s1 =	sand.u32 $0x1, s1;
	s7 =	smul.u32 $0x13880, s3  }
0x9: {  	s4 =	sshll.u32 s3, $0x1;
	[smem:$0x7FF] =	sst s5;
	s25 =	smul.u32 $0x4E200, s3  }
0xa: {  	s26 =	sshll.u32 s3, $0x6;
	s4 =	sor.u32 s1, s4;
	s24 =	smul.u32 $0x138800, s1  }
0xb: {  	_ =	strace $0x8000004D;
	s8 =	ssub.s32 $0x2, s1;
	p0 =	sne.s32 s1, $0x0  }
0xc: {  	s23 =	sor.u32 $0x1C0B, s26;
	s26 =	simm.s32 $0x3;
	s1 =	simm.s32 $0x9  }
0xd: {  	s6 =	smul.u32 $0x4E2, s4;
	s4 =	sadd.s32 $0x16800, s0;
	s9 =	sshrl.u32 s8, $0x1  }
0xe: {  	s10 =	sshrl.u32 s7, $0x3;
	s11 =	sshrl.u32 s25, $0x2;
	s25 =	simm.s32 $0x4E20  }
0xf: {  	s5 =	sadd.s32 s7, s24;
	s8 =	ssub.s32 s8, s9;
	s7 =	sadd.s32 s7, s2  }
0x10: {  	s10 =	sadd.s32 s4, s10;
	s11 =	sadd.s32 s11, s2;
	s24 =	simm.s32 $0xB  }
0x11: {  	s6 =	sadd.s32 s6, s0;
	s5 =	sshrl.u32 s5, $0x3;
	[dreg:$0x3] =	wrdreg s10  }
0x12: {  	s10 =	smax.u32 s8, $0x1;
	s0 =	sadd.s32 s5, s0;
	s5 =	sadd.s32 $0x2C00, s6  }
0x13: {  	v0 =	vimm.f32 $0.0e+00;
	s6 =	sadd.s32 $0xCA00, s6;
	s9 =	sadd.s32 $0x3DA00, s0;
	s0 =	simm.s32 $0x8  }
.LBB2_1:
0x14: {  	s3 =	simm.s32 $0x0  }
0x15: {  	[tilespmem:s3], [sflag:$0x1] =	stream.linear.gather [hbm4b:s5+s3], $0x2710, $0x38;
	[tilespmem:$0x1EAA0] =	vst v63  }
0x16: {  	s8 =	simm.s32 $0x2710  }
0x17: {  	[tilespmem:s8], [sflag:$0x2] =	stream.linear.gather [hbm4b:s6+s3], $0x2710, $0x38;
	[tilespmem:$0x1EAA0] =	vst v63  }
0x18: {  	s19 =	simm.s32 $0x200;
	s8 =	simm.s32 $0x0  }
.LBB2_2:
0x19: {  	p1 =	sne.s32 s19, $0x3000;
	[tilespmem:s8+$0x4E90] =	vst v0  }
0x1a: {  	[tilespmem:s8+$0x4E20] =	vst v0  }
0x1b: {  	[tilespmem:s8+$0x4E30] =	vst v0  }
.Ltmp0:
0x1c: {  	[tilespmem:s8+$0x4E40] =	vst v0;
	(pc) =	sbr.rel @p1 .LBB2_2-.Ltmp0, $4  }
0x1d: {  	[tilespmem:s8+$0x4E50] =	vst v0  }
0x1e: {  	[tilespmem:s8+$0x4E60] =	vst v0  }
0x1f: {  	[tilespmem:s8+$0x4E70] =	vst v0  }
0x20: {  	[tilespmem:s8+$0x4E80] =	vst v0;
	s8 =	sshra.s32 s19, $0x2;
	s19 =	sadd.s32 $0x200, s19  }
0x21: {  	[tilespmem:s8+$0x4E90] =	vst v0  }
0x22: {  	[tilespmem:s8+$0x4E20] =	vst v0  }
0x23: {  	[tilespmem:s8+$0x4E30] =	vst v0  }
0x24: {  	[tilespmem:s8+$0x4E40] =	vst v0  }
0x25: {  	[tilespmem:s8+$0x4E50] =	vst v0  }
0x26: {  	[tilespmem:s8+$0x4E60] =	vst v0  }
0x27: {  	[tilespmem:s8+$0x4E70] =	vst v0  }
0x28: {  	[tilespmem:s8+$0x4E80] =	vst v0  }
0x29: {  	_ =	swait.ge [sflag:s13], $0x2710  }
0x2a: {  	[sflag:s13] =	ssyncset.done $0x0  }
0x2b: {  	[sflag:s13] =	ssyncadd.s32 $0xFFFFD8F0  }
0x2c: {  	_ =	swait.ge [sflag:s14], $0x2710  }
0x2d: {  	[sflag:s14] =	ssyncset.done $0x0  }
0x2e: {  	[sflag:s14] =	ssyncadd.s32 $0xFFFFD8F0  }
0x2f: {  	[tilespmem:s16], [sflag:$0x2] =	stream.indirect.gather [hbm4b:s4+s15], $0x80, s15, s15, $0xb8;
	[tilespmem:$0x1EAA0] =	vst v63  }
0x30: {  	s3 =	simm.s32 $0x50  }
0x31: {  	[tilespmem:s18], [sflag:$0x3] =	stream.indirect.gather [hbm4b:s4+s15], $0x80, s3, s15, $0xb8;
	[tilespmem:$0x1EAA0] =	vst v63  }
.Ltmp1:
0x32: {  	_ = 	snop;
	(pc) =	sbr.rel @p0 .LBB2_5-.Ltmp1, $4  }
0x33: {  	s19 =	simm.s32 $0x78  }
0x34: {  	[tilespmem:s20], [sflag:$0x4] =	stream.indirect.gather [hbm4b:s4+s15], $0x80, s19, s15, $0xb8;
	[tilespmem:$0x1EAA0] =	vst v63  }
0x35: {  	s21 =	simm.s32 $0xA0;
	s8 =	simm.s32 $0x0;
	s19 =	sshrl.u32 s7, $0x3  }
0x36: {  	[tilespmem:s22], [sflag:$0x5] =	stream.indirect.gather [hbm4b:s4+s15], $0x80, s21, s15, $0xb8;
	[tilespmem:$0x1EAA0] =	vst v63  }
.Ltmp2:
0x37: {  	s3 =	rddreg [dreg:$0x3];
	(pc) =	sbr.rel .LBB2_8-.Ltmp2, $4  }
0x38: {  	[spmem:s19], [sflag:s23] =	dma.local [hbm:s3], $0x2710  }
0x39: {  	_ =	swait.ge [sflag:s24], $0x2710  }
0x3a: {  	[sflag:s24] =	ssyncset.done $0x0  }
0x3b: {  	[sflag:s24] =	ssyncadd.s32 $0xFFFFD8F0  }
.LBB2_5:
0x3c: {  	s21 =	sshra.s32 s8, $0x2  }
0x3d: {  	s21 =	sadd.s32 s21, s11  }
0x3e: {  	[spmem:s21] =	stream.linear.scatter [tilespmem:s25], [sflag:$0xB], $0xC80, $0x38;
	[tilespmem:$0x1EAA0] =	vst v63  }
0x3f: {  	s8 =	sadd.s32 $0x3200, s8;
	_ =	swait.ge [sflag:s24], $0xC80  }
.LBB2_6:
0x40: {  	s21 =	sshra.s32 s8, $0x2;
	[sflag:s24] =	ssyncset.done $0x0;
	p1 =	sne.s32 s8, $0x4B000  }
.Ltmp3:
0x41: {  	s21 =	sadd.s32 s21, s11;
	[sflag:s24] =	ssyncadd.s32 $0xFFFFF380;
	(pc) =	sbr.rel @p1 .LBB2_6-.Ltmp3, $3  }
0x42: {  	[spmem:s21] =	stream.linear.scatter [tilespmem:s25], [sflag:$0xB], $0xC80, $0x38;
	[tilespmem:$0x1EAA0] =	vst v63  }
0x43: {  	s8 =	sadd.s32 $0x3200, s8;
	_ =	sdelay $0x1  }
0x44: {  	_ =	swait.ge [sflag:s24], $0xC80  }
0x45: {  	[sflag:s24] =	ssyncset.done $0x0  }
0x46: {  	[sflag:s24] =	ssyncadd.s32 $0xFFFFF380  }
.LBB2_8:
0x47: {  	[bflag:$0x0] =	sbarrier.arrive $0xFFFF;
	s8 =	simm.s32 $0x0  }
0x48: {  	[tilespmem:s25], [sflag:$0x1] =	stream.indirect.gather [hbm4b:s4+s15], $0x80, s8, s15, $0xb8;
	[tilespmem:$0x1EAA0] =	vst v63  }
0x49: {  	_ =	swait.ge [sflag:s13], $0x1400  }
0x4a: {  	[sflag:s13] =	ssyncset.done $0x0  }
0x4b: {  	s21 =	simm.s32 $0x2710;
	[sflag:s13] =	ssyncadd.s32 $0xFFFFEC00  }
0x4c: {  	[spmem:s2] =	stream.indirect.scatter.add.f32 [tilespmem:s25], [sflag:$0x6], $0x80, s21, s15, $0xb8;
	[tilespmem:$0x1EAA0] =	vst v63  }
0x4d: {  	_ =	swait.ge [sflag:s14], $0x1400  }
0x4e: {  	[sflag:s14] =	ssyncset.done $0x0  }
0x4f: {  	s3 =	simm.s32 $0x2738;
	[sflag:s14] =	ssyncadd.s32 $0xFFFFEC00  }
0x50: {  	[spmem:s2] =	stream.indirect.scatter.add.f32 [tilespmem:s16], [sflag:$0x7], $0x80, s3, s15, $0xb8;
	[tilespmem:$0x1EAA0] =	vst v63  }
0x51: {  	_ =	swait.ge [sflag:s26], $0x1400  }
0x52: {  	[sflag:s26] =	ssyncset.done $0x0  }
0x53: {  	s21 =	simm.s32 $0x2760;
	[sflag:s26] =	ssyncadd.s32 $0xFFFFEC00  }
0x54: {  	[spmem:s2] =	stream.indirect.scatter.add.f32 [tilespmem:s18], [sflag:$0x8], $0x80, s21, s15, $0xb8;
	[tilespmem:$0x1EAA0] =	vst v63  }
0x55: {  	_ =	swait.ge [sflag:s28], $0x1400  }
0x56: {  	[sflag:s28] =	ssyncset.done $0x0  }
0x57: {  	s3 =	simm.s32 $0x2788;
	[sflag:s28] =	ssyncadd.s32 $0xFFFFEC00  }
0x58: {  	[spmem:s2] =	stream.indirect.scatter.add.f32 [tilespmem:s20], [sflag:$0x9], $0x80, s3, s15, $0xb8;
	[tilespmem:$0x1EAA0] =	vst v63  }
0x59: {  	_ =	swait.ge [sflag:s29], $0x1400  }
0x5a: {  	[sflag:s29] =	ssyncset.done $0x0  }
0x5b: {  	s21 =	simm.s32 $0x27B0;
	[sflag:s29] =	ssyncadd.s32 $0xFFFFEC00  }
0x5c: {  	[spmem:s2] =	stream.indirect.scatter.add.f32 [tilespmem:s22], [sflag:$0xA], $0x80, s21, s15, $0xb8;
	[tilespmem:$0x1EAA0] =	vst v63  }
0x5d: {  	_ =	swait.ge [sflag:s30], $0x1400  }
0x5e: {  	[sflag:s30] =	ssyncset.done $0x0  }
0x5f: {  	s3 =	simm.s32 $0xC8;
	[sflag:s30] =	ssyncadd.s32 $0xFFFFEC00  }
0x60: {  	[tilespmem:s25], [sflag:$0x1] =	stream.indirect.gather [hbm4b:s4+s15], $0x80, s3, s15, $0xb8;
	[tilespmem:$0x1EAA0] =	vst v63  }
0x61: {  	_ =	swait.ge [sflag:s31], $0x1400  }
0x62: {  	[sflag:s31] =	ssyncset.done $0x0  }
0x63: {  	s21 =	simm.s32 $0xF0;
	[sflag:s31] =	ssyncadd.s32 $0xFFFFEC00  }
0x64: {  	[tilespmem:s16], [sflag:$0x2] =	stream.indirect.gather [hbm4b:s4+s15], $0x80, s21, s15, $0xb8;
	[tilespmem:$0x1EAA0] =	vst v63  }
0x65: {  	_ =	swait.ge [sflag:s0], $0x1400  }
0x66: {  	[sflag:s0] =	ssyncset.done $0x0  }
0x67: {  	s3 =	simm.s32 $0x118;
	[sflag:s0] =	ssyncadd.s32 $0xFFFFEC00  }
0x68: {  	[tilespmem:s18], [sflag:$0x3] =	stream.indirect.gather [hbm4b:s4+s15], $0x80, s3, s15, $0xb8;
	[tilespmem:$0x1EAA0] =	vst v63  }
0x69: {  	_ =	swait.ge [sflag:s1], $0x1400  }
0x6a: {  	[sflag:s1] =	ssyncset.done $0x0  }
0x6b: {  	s21 =	simm.s32 $0x140;
	[sflag:s1] =	ssyncadd.s32 $0xFFFFEC00  }
0x6c: {  	[tilespmem:s20], [sflag:$0x4] =	stream.indirect.gather [hbm4b:s4+s15], $0x80, s21, s15, $0xb8;
	[tilespmem:$0x1EAA0] =	vst v63  }
0x6d: {  	_ =	swait.ge [sflag:s12], $0x1400  }
0x6e: {  	[sflag:s12] =	ssyncset.done $0x0  }
0x6f: {  	s8 =	simm.s32 $0x168;
	s21 =	simm.s32 $0x320;
	[sflag:s12] =	ssyncadd.s32 $0xFFFFEC00  }
.LBB2_9:
0x70: {  	[tilespmem:s22], [sflag:$0x5] =	stream.indirect.gather [hbm4b:s4+s15], $0x80, s8, s15, $0xb8;
	[tilespmem:$0x1EAA0] =	vst v63  }
0x71: {  	s8 =	smov.u32 s21  }
0x72: {  	p1 =	sne.s32 s21, $0x9600;
	s21 =	sadd.s32 $0x320, s21;
	_ =	swait.ge [sflag:s13], $0x1400  }
0x73: {  	s8 =	sshra.s32 s8, $0x2;
	[sflag:s13] =	ssyncset.done $0x0  }
0x74: {  	s3 =	sadd.s32 $0x2710, s8;
	[sflag:s13] =	ssyncadd.s32 $0xFFFFEC00  }
0x75: {  	[spmem:s2] =	stream.indirect.scatter.add.f32 [tilespmem:s25], [sflag:$0x6], $0x80, s3, s15, $0xb8;
	[tilespmem:$0x1EAA0] =	vst v63  }
0x76: {  	_ =	swait.ge [sflag:s14], $0x1400  }
0x77: {  	[sflag:s14] =	ssyncset.done $0x0  }
0x78: {  	s3 =	sadd.s32 $0x2738, s8;
	[sflag:s14] =	ssyncadd.s32 $0xFFFFEC00  }
0x79: {  	[spmem:s2] =	stream.indirect.scatter.add.f32 [tilespmem:s16], [sflag:$0x7], $0x80, s3, s15, $0xb8;
	[tilespmem:$0x1EAA0] =	vst v63  }
0x7a: {  	_ =	swait.ge [sflag:s26], $0x1400  }
0x7b: {  	[sflag:s26] =	ssyncset.done $0x0  }
0x7c: {  	s3 =	sadd.s32 $0x2760, s8;
	[sflag:s26] =	ssyncadd.s32 $0xFFFFEC00  }
0x7d: {  	[spmem:s2] =	stream.indirect.scatter.add.f32 [tilespmem:s18], [sflag:$0x8], $0x80, s3, s15, $0xb8;
	[tilespmem:$0x1EAA0] =	vst v63  }
0x7e: {  	_ =	swait.ge [sflag:s28], $0x1400  }
0x7f: {  	[sflag:s28] =	ssyncset.done $0x0  }
0x80: {  	s3 =	sadd.s32 $0x2788, s8;
	[sflag:s28] =	ssyncadd.s32 $0xFFFFEC00  }
0x81: {  	[spmem:s2] =	stream.indirect.scatter.add.f32 [tilespmem:s20], [sflag:$0x9], $0x80, s3, s15, $0xb8;
	[tilespmem:$0x1EAA0] =	vst v63  }
0x82: {  	_ =	swait.ge [sflag:s29], $0x1400  }
0x83: {  	[sflag:s29] =	ssyncset.done $0x0  }
0x84: {  	s3 =	sadd.s32 $0x27B0, s8;
	[sflag:s29] =	ssyncadd.s32 $0xFFFFEC00  }
0x85: {  	[spmem:s2] =	stream.indirect.scatter.add.f32 [tilespmem:s22], [sflag:$0xA], $0x80, s3, s15, $0xb8;
	[tilespmem:$0x1EAA0] =	vst v63  }
0x86: {  	_ =	swait.ge [sflag:s30], $0x1400  }
0x87: {  	[sflag:s30] =	ssyncset.done $0x0  }
0x88: {  	s3 =	sadd.s32 $0xC8, s8;
	[sflag:s30] =	ssyncadd.s32 $0xFFFFEC00  }
0x89: {  	[tilespmem:s25], [sflag:$0x1] =	stream.indirect.gather [hbm4b:s4+s15], $0x80, s3, s15, $0xb8;
	[tilespmem:$0x1EAA0] =	vst v63  }
0x8a: {  	_ =	swait.ge [sflag:s31], $0x1400  }
0x8b: {  	[sflag:s31] =	ssyncset.done $0x0  }
0x8c: {  	s3 =	sadd.s32 $0xF0, s8;
	[sflag:s31] =	ssyncadd.s32 $0xFFFFEC00  }
0x8d: {  	[tilespmem:s16], [sflag:$0x2] =	stream.indirect.gather [hbm4b:s4+s15], $0x80, s3, s15, $0xb8;
	[tilespmem:$0x1EAA0] =	vst v63  }
0x8e: {  	_ =	swait.ge [sflag:s0], $0x1400  }
0x8f: {  	[sflag:s0] =	ssyncset.done $0x0  }
0x90: {  	s3 =	sadd.s32 $0x118, s8;
	[sflag:s0] =	ssyncadd.s32 $0xFFFFEC00  }
0x91: {  	[tilespmem:s18], [sflag:$0x3] =	stream.indirect.gather [hbm4b:s4+s15], $0x80, s3, s15, $0xb8;
	[tilespmem:$0x1EAA0] =	vst v63  }
0x92: {  	_ =	swait.ge [sflag:s1], $0x1400  }
0x93: {  	[sflag:s1] =	ssyncset.done $0x0  }
.Ltmp4:
0x94: {  	s3 =	sadd.s32 $0x140, s8;
	[sflag:s1] =	ssyncadd.s32 $0xFFFFEC00;
	(pc) =	sbr.rel @p1 .LBB2_9-.Ltmp4, $4  }
0x95: {  	[tilespmem:s20], [sflag:$0x4] =	stream.indirect.gather [hbm4b:s4+s15], $0x80, s3, s15, $0xb8;
	[tilespmem:$0x1EAA0] =	vst v63  }
0x96: {  	_ =	swait.ge [sflag:s12], $0x1400  }
0x97: {  	[sflag:s12] =	ssyncset.done $0x0  }
0x98: {  	s8 =	sadd.s32 $0x168, s8;
	[sflag:s12] =	ssyncadd.s32 $0xFFFFEC00  }
0x99: {  	[tilespmem:s22], [sflag:$0x5] =	stream.indirect.gather [hbm4b:s4+s15], $0x80, s8, s15, $0xb8;
	[tilespmem:$0x1EAA0] =	vst v63  }
0x9a: {  	_ =	swait.ge [sflag:s13], $0x1400  }
0x9b: {  	[sflag:s13] =	ssyncset.done $0x0  }
0x9c: {  	s3 =	simm.s32 $0x4D58;
	[sflag:s13] =	ssyncadd.s32 $0xFFFFEC00  }
0x9d: {  	[spmem:s2] =	stream.indirect.scatter.add.f32 [tilespmem:s25], [sflag:$0x6], $0x80, s3, s15, $0xb8;
	[tilespmem:$0x1EAA0] =	vst v63  }
0x9e: {  	_ =	swait.ge [sflag:s14], $0x1400  }
0x9f: {  	[sflag:s14] =	ssyncset.done $0x0  }
0xa0: {  	s8 =	simm.s32 $0x4D80;
	[sflag:s14] =	ssyncadd.s32 $0xFFFFEC00  }
0xa1: {  	[spmem:s2] =	stream.indirect.scatter.add.f32 [tilespmem:s16], [sflag:$0x7], $0x80, s8, s15, $0xb8;
	[tilespmem:$0x1EAA0] =	vst v63  }
0xa2: {  	_ =	swait.ge [sflag:s26], $0x1400  }
0xa3: {  	[sflag:s26] =	ssyncset.done $0x0  }
0xa4: {  	s21 =	simm.s32 $0x4DA8;
	[sflag:s26] =	ssyncadd.s32 $0xFFFFEC00  }
0xa5: {  	[spmem:s2] =	stream.indirect.scatter.add.f32 [tilespmem:s18], [sflag:$0x8], $0x80, s21, s15, $0xb8;
	[tilespmem:$0x1EAA0] =	vst v63  }
0xa6: {  	_ =	swait.ge [sflag:s28], $0x1400  }
0xa7: {  	[sflag:s28] =	ssyncset.done $0x0  }
0xa8: {  	s8 =	simm.s32 $0x4DD0;
	[sflag:s28] =	ssyncadd.s32 $0xFFFFEC00  }
0xa9: {  	[spmem:s2] =	stream.indirect.scatter.add.f32 [tilespmem:s20], [sflag:$0x9], $0x80, s8, s15, $0xb8;
	[tilespmem:$0x1EAA0] =	vst v63  }
0xaa: {  	_ =	swait.ge [sflag:s29], $0x1400  }
0xab: {  	[sflag:s29] =	ssyncset.done $0x0  }
0xac: {  	s21 =	simm.s32 $0x4DF8;
	[sflag:s29] =	ssyncadd.s32 $0xFFFFEC00  }
0xad: {  	[spmem:s2] =	stream.indirect.scatter.add.f32 [tilespmem:s22], [sflag:$0xA], $0x80, s21, s15, $0xb8;
	[tilespmem:$0x1EAA0] =	vst v63  }
0xae: {  	_ =	swait.ge [sflag:s30], $0x1400  }
0xaf: {  	[sflag:s30] =	ssyncset.done $0x0  }
0xb0: {  	[sflag:s30] =	ssyncadd.s32 $0xFFFFEC00  }
0xb1: {  	_ =	swait.ge [sflag:s31], $0x1400  }
0xb2: {  	[sflag:s31] =	ssyncset.done $0x0  }
0xb3: {  	[sflag:s31] =	ssyncadd.s32 $0xFFFFEC00  }
0xb4: {  	_ =	swait.ge [sflag:s0], $0x1400  }
0xb5: {  	[sflag:s0] =	ssyncset.done $0x0  }
0xb6: {  	[sflag:s0] =	ssyncadd.s32 $0xFFFFEC00  }
0xb7: {  	_ =	swait.ge [sflag:s1], $0x1400  }
0xb8: {  	[sflag:s1] =	ssyncset.done $0x0  }
0xb9: {  	[sflag:s1] =	ssyncadd.s32 $0xFFFFEC00  }
0xba: {  	_ =	swait.ge [sflag:s12], $0x1400  }
0xbb: {  	s17 =	sadd.s32 $0x1, s17;
	[sflag:s12] =	ssyncset.done $0x0  }
0xbc: {  	p1 =	sne.s32 s17, s10;
	[sflag:s12] =	ssyncadd.s32 $0xFFFFEC00  }
.Ltmp5:
0xbd: {  	[bflag:$0x0] =	sbarrier.arrive $0xFFFF;
	(pc) =	sbr.rel @p1 .LBB2_1-.Ltmp5, $4  }
0xbe: {  	[hbm:s9], [sflag:s23] =	dma.local [spmem:s19], $0x2710  }
0xbf: {  	_ =	swait.ge [sflag:s24], $0x2710  }
0xc0: {  	[sflag:s24] =	ssyncset.done $0x0  }
0xc1: {  	[sflag:s24] =	ssyncadd.s32 $0xFFFFD8F0  }
0xc2: {  	_ =	sfence.sel $0x180000  }
0xc3: {  	[bflag:$0x0] =	sbarrier.arrive $0xFFFF  }
0xc4: {  	_ =	strace $0x9000004D  }
0xc5: {  	s0 =	stileid.u32;
	[bflag:$0x2] =	sbarrier.arrive $0xFFFF  }
0xc6: {  	p0 =	sne.s32 s0, $0x0;
	s0 =	rddreg [dreg:$0x2]  }
0xc7: {  	s0 =	sadd.s32 @!p0 $0x100000, s0  }
0xc8: {  	[sflag:s0] =	ssyncadd.tile.s32 @!p0 $0x1;
	_ =	shalt  }
.Lfunc_end2:
_tile_overlayer_lowered:
.L_overlay_start_2:
0xc9: {  	(tag) =	ssettag $0x2  }
0xca: {  	s0 =	rddreg [dreg:$0x0];
	s2 =	stileid.u32  }
0xcb: {  	s1 =	rddreg [dreg:$0x1];
	p0 =	sne.s32 s2, $0x0  }
0xcc: {  	s3 =	rddreg [dreg:$0x2];
	[bflag:$0x3] =	sbarrier.arrive $0xFFFF;
	s2 =	simm.s32 @!p0 $0x1C0B  }
0xcd: {  	[timem:s3], [sflag:s2] =	dma.local @!p0 [hbm:s0], s1  }
0xce: {  	s0 =	simm.s32 @!p0 $0xB  }
0xcf: {  	_ =	swait.ge @!p0 [sflag:s0], s1  }
0xd0: {  	s1 =	ssub.s32 @!p0 $0x0, s1;
	[sflag:s0] =	ssyncset.done @!p0 $0x0  }
0xd1: {  	[sflag:s0] =	ssyncadd.s32 @!p0 s1  }
0xd2: {  	[bflag:$0x3] =	sbarrier.arrive $0xFFFF  }
0xd3: {  	_ =	shalt  }

// kernel: kernel.19.cloned.1.call-start
scs
__scs_entry_jumppad:
0x0: {  	(pc) =	sbr.rel $0x88, $3  }
0x1: {  	(tag) =	ssettag $0x0;
	lr =	simm.s32 $0x1  }
0x2: {  	[smem:$0x3F95] =	sst lr;
	_ =	strace $0xD0000000  }
0x3: {  	_ = 	snop  }
0x4: {  	_ = 	snop  }
0x5: {  	_ = 	snop  }
0x6: {  	_ = 	snop  }
0x7: {  	_ = 	snop  }
__scs_overlays_trampoline_lowered:
0x8: {  	[smem:$0x3FA4] =	sst s0  }
0x9: {  	[smem:$0x3FA5] =	sst s1  }
0xa: {  	[smem:$0x3FA6] =	sst s2  }
0xb: {  	[smem:$0x3FA7] =	sst s3  }
0xc: {  	[smem:$0x3FA8] =	sst s4  }
0xd: {  	[smem:$0x3FA9] =	sst s5  }
0xe: {  	[smem:$0x3FAA] =	sst s6  }
0xf: {  	[smem:$0x3FAB] =	sst s7  }
0x10: {  	[smem:$0x3FAC] =	sst s8  }
0x11: {  	[smem:$0x3FAD] =	sst s9;
	s0 =	simm.s32 @!p0 $0x0  }
0x12: {  	s1 =	sld [smem:$0x3F93];
	s0 =	simm.s32 @p0 $0x1  }
0x13: {  	[smem:$0x3FAE] =	sst s0;
	s0 =	simm.s32 @!p1 $0x0  }
0x14: {  	s2 =	sld [smem:$0x3F92];
	s0 =	simm.s32 @p1 $0x1  }
0x15: {  	[smem:$0x3FAF] =	sst s0;
	s0 =	simm.s32 @!p2 $0x0  }
0x16: {  	s3 =	sld [smem:$0x3FDB];
	s0 =	simm.s32 @p2 $0x1  }
0x17: {  	s4 =	simm.s32 $0x1BF5;
	[smem:$0x3FB1] =	sst s0  }
0x18: {  	s0 =	sld [smem:$0x3F94];
	_ =	swait.ge [sflag:s4], $0x0  }
0x19: {  	s7 =	sld [smem:$0x3F95]  }
0x1a: {  	s8 =	sadd.s32 $0xFFFFE003, lr  }
0x1b: {  	s9 =	sadd.s32 $0xFFFFFEF7, lr;
	s5 =	simm.s32 $0xFFFFFFFF;
	p2 =	slt.u32 s8, $0xFFFFF086  }
0x1c: {  	p1 =	slt.u32 s9, $0xF7A;
	s5 =	simm.s32 @!p2 $0x0  }
0x1d: {  	s5 =	simm.s32 @p1 $0x1;
	p0 =	seq.s32 s7, s2  }
0x1e: {  	s7 =	smul.u32 @!p0 $0xF7A, s2;
	p2 =	seq.s32 @!p0 s5, $0x0  }
0x1f: {  	s9 =	smul.u32 $0xF7A, s1;
	s8 =	simm.s32 @!p0 $0x1BF5;
	p2 =	por !p2, p0  }
0x20: {  	[sflag:s8] =	ssyncset.s32 @!p0 $0xFFFFF086;
	s6 =	sadd.s32 @!p0 s3, s7;
	s7 =	simm.s32 @!p0 $0x108  }
0x21: {  	s3 =	sadd.s32 s3, s9;
	s6 =	sadd.s32 @!p0 $0x88, s6;
	s7 =	simm.s32 @p2 $0x1082  }
0x22: {  	[simem:s7], [sflag:s8] =	dma.local @!p0 [hbm:s6], $0xF7A  }
0x23: {  	s9 =	sor.u32 $0xD0000000, s2;
	s6 =	simm.s32 $0x108;
	_ =	swait.ge @!p0 [sflag:s8], $0x0  }
0x24: {  	s3 =	sadd.s32 $0x88, s3;
	s6 =	simm.s32 @!p1 $0x1082;
	[sflag:s4] =	ssyncset.s32 $0xFFFFF086  }
0x25: {  	[simem:s6], [sflag:s4] =	dma.local [hbm:s3], $0xF7A  }
0x26: {  	[smem:$0x3F95] =	sst s1;
	(tag) =	ssettag s2;
	_ =	strace s9  }
0x27: {  	s1 =	sld [smem:$0x3FA5]  }
0x28: {  	s2 =	sld [smem:$0x3FA6]  }
0x29: {  	s4 =	sld [smem:$0x3FA8]  }
0x2a: {  	p0 =	seq.s32 s5, $0x0;
	s5 =	sld [smem:$0x3FA9]  }
0x2b: {  	s6 =	sld [smem:$0x3FAA]  }
0x2c: {  	s7 =	sld [smem:$0x3FAB]  }
0x2d: {  	s3 =	simm.s32 $0x108;
	s8 =	sld [smem:$0x3FAC]  }
0x2e: {  	s3 =	simm.s32 @!p0 $0x1082;
	s9 =	sld [smem:$0x3FAD]  }
0x2f: {  	lr =	sadd.s32 s0, s3;
	s0 =	sld [smem:$0x3FA4]  }
0x30: {  	s3 =	sld [smem:$0x3FA7]  }
0x31: {  	[smem:$0x3FB0] =	sst s10  }
0x32: {  	s10 =	sld [smem:$0x3FAE];
	_ =	sdelay $0x3  }
0x33: {  	p0 =	seq.s32 s10, $0x1;
	s10 =	sld [smem:$0x3FB0];
	_ =	sdelay $0x3  }
0x34: {  	[smem:$0x3FB0] =	sst s10  }
0x35: {  	s10 =	sld [smem:$0x3FAF];
	_ =	sdelay $0x3  }
0x36: {  	p1 =	seq.s32 s10, $0x1;
	s10 =	sld [smem:$0x3FB0];
	_ =	sdelay $0x3  }
0x37: {  	[smem:$0x3FB0] =	sst s10  }
0x38: {  	s10 =	sld [smem:$0x3FB1]  }
0x39: {  	_ = 	snop;
	(pc) =	sbr.ind lr, $3  }
0x3a: {  	_ = 	snop  }
0x3b: {  	_ = 	snop  }
0x3c: {  	p2 =	seq.s32 s10, $0x1;
	s10 =	sld [smem:$0x3FB0]  }
0x3d: {  	_ =	shalt  }
0x3e: {  	_ =	shalt  }
0x3f: {  	_ =	shalt  }
0x40: {  	_ =	shalt  }
0x41: {  	_ =	shalt  }
0x42: {  	_ =	shalt  }
0x43: {  	_ =	shalt  }
0x44: {  	_ =	shalt  }
0x45: {  	_ =	shalt  }
0x46: {  	_ =	shalt  }
0x47: {  	_ =	shalt  }
0x48: {  	_ =	shalt  }
0x49: {  	_ =	shalt  }
0x4a: {  	_ =	shalt  }
0x4b: {  	_ =	shalt  }
0x4c: {  	_ =	shalt  }
0x4d: {  	_ =	shalt  }
0x4e: {  	_ =	shalt  }
0x4f: {  	_ =	shalt  }
0x50: {  	_ =	shalt  }
0x51: {  	_ =	shalt  }
0x52: {  	_ =	shalt  }
0x53: {  	_ =	shalt  }
0x54: {  	_ =	shalt  }
0x55: {  	_ =	shalt  }
0x56: {  	_ =	shalt  }
0x57: {  	_ =	shalt  }
0x58: {  	_ =	shalt  }
0x59: {  	_ =	shalt  }
0x5a: {  	_ =	shalt  }
0x5b: {  	_ =	shalt  }
0x5c: {  	_ =	shalt  }
0x5d: {  	_ =	shalt  }
0x5e: {  	_ =	shalt  }
0x5f: {  	_ =	shalt  }
0x60: {  	_ =	shalt  }
0x61: {  	_ =	shalt  }
0x62: {  	_ =	shalt  }
0x63: {  	_ =	shalt  }
0x64: {  	_ =	shalt  }
0x65: {  	_ =	shalt  }
0x66: {  	_ =	shalt  }
0x67: {  	_ =	shalt  }
0x68: {  	_ =	shalt  }
0x69: {  	_ =	shalt  }
0x6a: {  	_ =	shalt  }
0x6b: {  	_ =	shalt  }
0x6c: {  	_ =	shalt  }
0x6d: {  	_ =	shalt  }
0x6e: {  	_ =	shalt  }
0x6f: {  	_ =	shalt  }
0x70: {  	_ =	shalt  }
0x71: {  	_ =	shalt  }
0x72: {  	_ =	shalt  }
0x73: {  	_ =	shalt  }
0x74: {  	_ =	shalt  }
0x75: {  	_ =	shalt  }
0x76: {  	_ =	shalt  }
0x77: {  	_ =	shalt  }
0x78: {  	_ =	shalt  }
0x79: {  	_ =	shalt  }
0x7a: {  	_ =	shalt  }
0x7b: {  	_ =	shalt  }
0x7c: {  	_ =	shalt  }
0x7d: {  	_ =	shalt  }
0x7e: {  	_ =	shalt  }
0x7f: {  	_ =	shalt  }
0x80: {  	_ =	shalt  }
0x81: {  	_ =	shalt  }
0x82: {  	_ =	shalt  }
0x83: {  	_ =	shalt  }
0x84: {  	_ =	shalt  }
0x85: {  	_ =	shalt  }
0x86: {  	_ =	shalt  }
0x87: {  	_ =	shalt  }
.Lfunc_end0:
.L_simem_size_0:
called_computation.3_lowered:
.L_overlay_start_0:
0x88: {  	s2 =	sld [smem:$0x3FD9]  }
0x89: {  	s3 =	sld [smem:$0x3FFE];
	_ =	sdelay $0x1  }
0x8a: {  	s1 =	srdreg.scid  }
0x8b: {  	s0 =	sand.u32 $0x1, s1  }
0x8c: {  	s16 =	sshll.u32 s0, $0xA;
	s2 =	sadd.s32 s3, s2  }
0x8d: {  	s2 =	sadd.s32 s2, s16  }
0x8e: {  	[smem:$0x3FBC] =	sst s2  }
0x8f: {  	_ = 	snop  }
0x90: {  	(tm) =	ssettm $0x1  }
0x91: {  	s17 =	sld [smem:$0x3FFB];
	_ =	sdelay $0x3  }
0x92: {  	_ =	strace s17  }
0x93: {  	s2 =	sld [smem:$0x3FFC];
	_ =	sdelay $0x3  }
0x94: {  	_ =	strace s2  }
0x95: {  	s2 =	sld [smem:$0x3FFD];
	_ =	sdelay $0x3  }
0x96: {  	_ =	strace s2  }
0x97: {  	_ =	strace $0x8FFFFFFF  }
0x98: {  	s18 =	sld [smem:$0x3FDB];
	_ =	sdelay $0x1  }
0x99: {  	s19 =	simm.s32 $_scs_section_size  }
0x9a: {  	s4 =	simm.s32 $_size__tile_overlayer_lowered;
	s5 =	simm.s32 $_tile_overlayer_lowered  }
0x9b: {  	s22 =	simm.s32 $0x1BFF;
	s21 =	sshll.u32 s5, $0x1;
	s2 =	sadd.s32 s19, s18  }
0x9c: {  	s6 =	simm.s32 $0x0;
	s20 =	sshll.u32 s4, $0x1;
	s4 =	sadd.s32 s21, s2  }
0x9d: {  	[timem:s6], [sflag:s22] =	dma.local [hbm:s4], s20  }
0x9e: {  	_ =	swait.ge [sflag:s22], s20  }
0x9f: {  	s3 =	ssub.s32 $0x0, s20;
	[sflag:s22] =	ssyncset.done $0x0  }
0xa0: {  	[sflag:s22] =	ssyncadd.s32 s3;
	_ =	sdelay $0x1  }
0xa1: {  	s23 =	simm.s32 $0x1B8B  }
0xa2: {  	_ =	swait.ge [sflag:s23], $0x1  }
0xa3: {  	[sflag:s23] =	ssyncset.done $0x0  }
0xa4: {  	s25 =	simm.s32 $0x1B8E;
	s24 =	sld [smem:$0x3FFE];
	[sflag:s23] =	ssyncadd.s32 $0xFFFFFFFF  }
0xa5: {  	s26 =	simm.s32 $execute0_lowered;
	[smem:$0x3FD2] =	sst s25  }
0xa6: {  	s4 =	sshll.u32 s26, $0x1;
	_ =	strace $0x8000004F;
	[dreg:$0x1] =	wrdreg $0xFFFFFFFF  }
0xa7: {  	s28 =	simm.s32 $_size_execute0_lowered;
	s2 =	sadd.s32 s2, s4;
	[dreg:$0x0] =	wrdreg $0x0  }
0xa8: {  	s4 =	sshll.u32 s28, $0x1;
	[dreg:$0x2] =	wrdreg s2  }
0xa9: {  	[dreg:$0x3] =	wrdreg s4  }
0xaa: {  	[dreg:$0x4] =	wrdreg $0xC0  }
0xab: {  	_ =	task [dreg:s6], $0x5FFFF  }
0xac: {  	[dreg:$0x1] =	wrdreg $0xFFFFFFFF  }
0xad: {  	[dreg:$0x0] =	wrdreg $0x60  }
0xae: {  	[dreg:$0x2] =	wrdreg s24  }
0xaf: {  	[dreg:$0x3] =	wrdreg $0x99200  }
0xb0: {  	[dreg:$0x4] =	wrdreg $0x9  }
0xb1: {  	_ =	task.clear_ibuf [dreg:s6], $0x5FFFF;
	_ =	strace $0x9000004F  }
0xb2: {  	s29 =	simm.s32 $0x9;
	_ =	strace $0x80000051  }
0xb3: {  	_ =	swait.ge [sflag:s29], $0x1  }
0xb4: {  	[sflag:s29] =	ssyncadd.s32 $0xFFFFFFFF  }
0xb5: {  	_ =	strace $0x90000051  }
0xb6: {  	_ =	sfence  }
0xb7: {  	s30 =	sld [smem:$0x0];
	_ =	sdelay $0x2  }
0xb8: {  	s31 =	sshll.u32 s1, $0xD;
	s1 =	sshrl.u32 s1, $0x2  }
0xb9: {  	s3 =	sand.u32 $0x4000, s31;
	s1 =	sadd.s32 s1, s30  }
0xba: {  	s0 =	sor.u32 s3, s0;
	s1 =	sshll.u32 s1, $0x11  }
0xbb: {  	s0 =	sor.u32 s1, s0  }
0xbc: {  	s0 =	sadd.s32 $0x8F2B, s0  }
0xbd: {  	[sflag:s0] =	ssyncadd.remote.s32 $0x1  }
0xbe: {  	_ =	sfence.sel $0xFFFF  }
0xbf: {  	[dreg:$0x0] =	wrdreg $0xFFFFFFFF;
	(pc) =	sbr.abs _section_cstart, $3  }
0xc0: {  	[dreg:$0x1] =	wrdreg $0xFFFFFFFF  }
0xc1: {  	_ =	task.clear_ibuf [dreg:s6], $0x2FFFF;
	_ =	strace $0x9FFFFFFF  }
0xc2: {  	(tm) =	ssettm $0x7FFFFFFF  }
0xc3: {  	_ =	shalt  }
tec
execute0_lowered:
.L_overlay_start_1:
0x0: {  	(tag) =	ssettag $0x1  }
0x1: {  	s0 =	rddreg [dreg:$0x0]  }
0x2: {  	s2 =	rddreg [dreg:$0x1];
	s1 =	srdreg.scid  }
0x3: {  	s16 =	stileid.u32;
	s3 =	simm.s32 $0x0;
	s12 =	simm.s32 $0x1  }
0x4: {  	s13 =	simm.s32 $0x2;
	s14 =	simm.s32 $0x50;
	s15 =	simm.s32 $0x5D20  }
0x5: {  	s17 =	simm.s32 $0x6C20;
	s19 =	simm.s32 $0x7B20;
	s21 =	simm.s32 $0x8A20  }
0x6: {  	s28 =	simm.s32 $0x4;
	s29 =	simm.s32 $0x5;
	s30 =	simm.s32 $0x6  }
0x7: {  	s31 =	simm.s32 $0x7;
	s1 =	sand.u32 $0x1, s1;
	s7 =	smul.u32 $0x7530, s16  }
0x8: {  	s4 =	sshll.u32 s16, $0x1;
	[smem:$0x7FF] =	sst s3;
	s10 =	smul.u32 $0x1D4C0, s16  }
0x9: {  	s26 =	sshll.u32 s16, $0x6;
	s5 =	smul.u32 $0x75300, s1;
	s4 =	sor.u32 s1, s4  }
0xa: {  	_ =	strace $0x80000050;
	s8 =	ssub.s32 $0x2, s1;
	p0 =	sne.s32 s1, $0x0  }
0xb: {  	s22 =	sor.u32 $0x1C0B, s26;
	s26 =	simm.s32 $0x3;
	s1 =	simm.s32 $0x9  }
0xc: {  	s6 =	smul.u32 $0x4E2, s4;
	s4 =	sadd.s32 $0x16800, s0;
	s24 =	sshrl.u32 s8, $0x1  }
0xd: {  	s11 =	sadd.s32 s7, s2;
	s25 =	sshrl.u32 s10, $0x2;
	s5 =	sadd.s32 s7, s5  }
0xe: {  	s9 =	ssub.s32 s8, s24;
	s7 =	sshrl.u32 s7, $0x3;
	s10 =	sadd.s32 s25, s2  }
0xf: {  	s23 =	sshrl.u32 s11, $0x3;
	s24 =	simm.s32 $0xB;
	s25 =	simm.s32 $0x4E20  }
0x10: {  	s11 =	simm.s32 $0xA;
	s5 =	sshrl.u32 s5, $0x3;
	s6 =	sadd.s32 s6, s0  }
0x11: {  	s7 =	sadd.s32 s4, s7;
	s9 =	smax.u32 s9, $0x1;
	s0 =	sadd.s32 s5, s0  }
0x12: {  	s5 =	sadd.s32 $0x2C00, s6;
	s6 =	sadd.s32 $0xCA00, s6;
	[dreg:$0x3] =	wrdreg s7  }
0x13: {  	v0 =	vimm.f32 $0.0e+00;
	s7 =	simm.s32 $0x0;
	s8 =	sadd.s32 $0x25400, s0;
	s0 =	simm.s32 $0x8  }
.LBB2_1:
0x14: {  	[tilespmem:s3], [sflag:$0x1] =	stream.linear.gather [hbm4b:s5+s3], $0x2710, $0x38;
	[tilespmem:$0x10E50] =	vst v63  }
0x15: {  	s16 =	simm.s32 $0x2710  }
0x16: {  	[tilespmem:s16], [sflag:$0x2] =	stream.linear.gather [hbm4b:s6+s3], $0x2710, $0x38;
	[tilespmem:$0x10E50] =	vst v63  }
0x17: {  	[tilespmem:$0x4E20] =	vst v0  }
0x18: {  	[tilespmem:$0x4E30] =	vst v0  }
0x19: {  	[tilespmem:$0x4E40] =	vst v0  }
0x1a: {  	[tilespmem:$0x4E50] =	vst v0  }
0x1b: {  	[tilespmem:$0x4E60] =	vst v0  }
0x1c: {  	[tilespmem:$0x4E70] =	vst v0  }
0x1d: {  	[tilespmem:$0x4E80] =	vst v0  }
0x1e: {  	[tilespmem:$0x4E90] =	vst v0  }
0x1f: {  	[tilespmem:$0x4EA0] =	vst v0  }
0x20: {  	[tilespmem:$0x4EB0] =	vst v0  }
0x21: {  	[tilespmem:$0x4EC0] =	vst v0  }
0x22: {  	[tilespmem:$0x4ED0] =	vst v0  }
0x23: {  	[tilespmem:$0x4EE0] =	vst v0  }
0x24: {  	[tilespmem:$0x4EF0] =	vst v0  }
0x25: {  	[tilespmem:$0x4F00] =	vst v0  }
0x26: {  	[tilespmem:$0x4F10] =	vst v0  }
0x27: {  	[tilespmem:$0x4F20] =	vst v0  }
0x28: {  	[tilespmem:$0x4F30] =	vst v0  }
0x29: {  	[tilespmem:$0x4F40] =	vst v0  }
0x2a: {  	[tilespmem:$0x4F50] =	vst v0  }
0x2b: {  	[tilespmem:$0x4F60] =	vst v0  }
0x2c: {  	[tilespmem:$0x4F70] =	vst v0  }
0x2d: {  	[tilespmem:$0x4F80] =	vst v0  }
0x2e: {  	[tilespmem:$0x4F90] =	vst v0  }
0x2f: {  	[tilespmem:$0x4FA0] =	vst v0  }
0x30: {  	[tilespmem:$0x4FB0] =	vst v0  }
0x31: {  	[tilespmem:$0x4FC0] =	vst v0  }
0x32: {  	[tilespmem:$0x4FD0] =	vst v0  }
0x33: {  	[tilespmem:$0x4FE0] =	vst v0  }
0x34: {  	[tilespmem:$0x4FF0] =	vst v0  }
0x35: {  	[tilespmem:$0x5000] =	vst v0  }
0x36: {  	[tilespmem:$0x5010] =	vst v0  }
0x37: {  	[tilespmem:$0x5020] =	vst v0  }
0x38: {  	[tilespmem:$0x5030] =	vst v0  }
0x39: {  	[tilespmem:$0x5040] =	vst v0  }
0x3a: {  	[tilespmem:$0x5050] =	vst v0  }
0x3b: {  	[tilespmem:$0x5060] =	vst v0  }
0x3c: {  	[tilespmem:$0x5070] =	vst v0  }
0x3d: {  	[tilespmem:$0x5080] =	vst v0  }
0x3e: {  	[tilespmem:$0x5090] =	vst v0  }
0x3f: {  	[tilespmem:$0x50A0] =	vst v0  }
0x40: {  	[tilespmem:$0x50B0] =	vst v0  }
0x41: {  	[tilespmem:$0x50C0] =	vst v0  }
0x42: {  	[tilespmem:$0x50D0] =	vst v0  }
0x43: {  	[tilespmem:$0x50E0] =	vst v0  }
0x44: {  	[tilespmem:$0x50F0] =	vst v0  }
0x45: {  	[tilespmem:$0x5100] =	vst v0  }
0x46: {  	[tilespmem:$0x5110] =	vst v0  }
0x47: {  	[tilespmem:$0x5120] =	vst v0  }
0x48: {  	[tilespmem:$0x5130] =	vst v0  }
0x49: {  	[tilespmem:$0x5140] =	vst v0  }
0x4a: {  	[tilespmem:$0x5150] =	vst v0  }
0x4b: {  	[tilespmem:$0x5160] =	vst v0  }
0x4c: {  	[tilespmem:$0x5170] =	vst v0  }
0x4d: {  	[tilespmem:$0x5180] =	vst v0  }
0x4e: {  	[tilespmem:$0x5190] =	vst v0  }
0x4f: {  	[tilespmem:$0x51A0] =	vst v0  }
0x50: {  	[tilespmem:$0x51B0] =	vst v0  }
0x51: {  	[tilespmem:$0x51C0] =	vst v0  }
0x52: {  	[tilespmem:$0x51D0] =	vst v0  }
0x53: {  	[tilespmem:$0x51E0] =	vst v0  }
0x54: {  	[tilespmem:$0x51F0] =	vst v0  }
0x55: {  	[tilespmem:$0x5200] =	vst v0  }
0x56: {  	[tilespmem:$0x5210] =	vst v0  }
0x57: {  	[tilespmem:$0x5220] =	vst v0  }
0x58: {  	[tilespmem:$0x5230] =	vst v0  }
0x59: {  	[tilespmem:$0x5240] =	vst v0  }
0x5a: {  	[tilespmem:$0x5250] =	vst v0  }
0x5b: {  	[tilespmem:$0x5260] =	vst v0  }
0x5c: {  	[tilespmem:$0x5270] =	vst v0  }
0x5d: {  	[tilespmem:$0x5280] =	vst v0  }
0x5e: {  	[tilespmem:$0x5290] =	vst v0  }
0x5f: {  	[tilespmem:$0x52A0] =	vst v0  }
0x60: {  	[tilespmem:$0x52B0] =	vst v0  }
0x61: {  	[tilespmem:$0x52C0] =	vst v0  }
0x62: {  	_ =	swait.ge [sflag:s12], $0x2710  }
0x63: {  	[sflag:s12] =	ssyncset.done $0x0  }
0x64: {  	[sflag:s12] =	ssyncadd.s32 $0xFFFFD8F0  }
0x65: {  	_ =	swait.ge [sflag:s13], $0x2710  }
0x66: {  	[sflag:s13] =	ssyncset.done $0x0  }
0x67: {  	[sflag:s13] =	ssyncadd.s32 $0xFFFFD8F0  }
0x68: {  	[tilespmem:s15], [sflag:$0x2] =	stream.indirect.gather [hbm4b:s4+s14], $0x30, s14, s14, $0xb8;
	[tilespmem:$0x10E50] =	vst v63  }
0x69: {  	s20 =	simm.s32 $0xA0  }
0x6a: {  	[tilespmem:s17], [sflag:$0x3] =	stream.indirect.gather [hbm4b:s4+s14], $0x30, s20, s14, $0xb8;
	[tilespmem:$0x10E50] =	vst v63  }
.Ltmp0:
0x6b: {  	_ = 	snop;
	(pc) =	sbr.rel @p0 .LBB2_3-.Ltmp0, $4  }
0x6c: {  	s18 =	simm.s32 $0xF0  }
0x6d: {  	[tilespmem:s19], [sflag:$0x4] =	stream.indirect.gather [hbm4b:s4+s14], $0x30, s18, s14, $0xb8;
	[tilespmem:$0x10E50] =	vst v63  }
0x6e: {  	s20 =	simm.s32 $0x140  }
0x6f: {  	[tilespmem:s21], [sflag:$0x5] =	stream.indirect.gather [hbm4b:s4+s14], $0x30, s20, s14, $0xb8;
	[tilespmem:$0x10E50] =	vst v63  }
.Ltmp1:
0x70: {  	s16 =	rddreg [dreg:$0x3];
	(pc) =	sbr.rel .LBB2_6-.Ltmp1, $4  }
0x71: {  	[spmem:s23], [sflag:s22] =	dma.local [hbm:s16], $0xEA6  }
0x72: {  	_ =	swait.ge [sflag:s24], $0xEA6  }
0x73: {  	[sflag:s24] =	ssyncset.done $0x0  }
0x74: {  	[sflag:s24] =	ssyncadd.s32 $0xFFFFF15A  }
.LBB2_3:
0x75: {  	s18 =	sshra.s32 s3, $0x2  }
0x76: {  	s18 =	sadd.s32 s18, s10  }
0x77: {  	[spmem:s18] =	stream.linear.scatter [tilespmem:s25], [sflag:$0xB], $0x4B0, $0x38;
	[tilespmem:$0x10E50] =	vst v63  }
0x78: {  	s18 =	sadd.s32 $0x12C0, s3;
	_ =	swait.ge [sflag:s24], $0x4B0  }
.LBB2_4:
0x79: {  	s20 =	sshra.s32 s18, $0x2;
	[sflag:s24] =	ssyncset.done $0x0;
	p1 =	sne.s32 s18, $0x1C200  }
.Ltmp2:
0x7a: {  	s20 =	sadd.s32 s20, s10;
	[sflag:s24] =	ssyncadd.s32 $0xFFFFFB50;
	(pc) =	sbr.rel @p1 .LBB2_4-.Ltmp2, $3  }
0x7b: {  	[spmem:s20] =	stream.linear.scatter [tilespmem:s25], [sflag:$0xB], $0x4B0, $0x38;
	[tilespmem:$0x10E50] =	vst v63  }
0x7c: {  	s18 =	sadd.s32 $0x12C0, s18;
	_ =	sdelay $0x1  }
0x7d: {  	_ =	swait.ge [sflag:s24], $0x4B0  }
0x7e: {  	[sflag:s24] =	ssyncset.done $0x0  }
0x7f: {  	[sflag:s24] =	ssyncadd.s32 $0xFFFFFB50  }
.LBB2_6:
0x80: {  	[bflag:$0x0] =	sbarrier.arrive $0xFFFF;
	s18 =	simm.s32 $0x0  }
0x81: {  	[tilespmem:s25], [sflag:$0x1] =	stream.indirect.gather [hbm4b:s4+s14], $0x30, s18, s14, $0xb8;
	[tilespmem:$0x10E50] =	vst v63  }
0x82: {  	_ =	swait.ge [sflag:s12], $0xF00  }
0x83: {  	[sflag:s12] =	ssyncset.done $0x0  }
0x84: {  	s20 =	simm.s32 $0x2710;
	[sflag:s12] =	ssyncadd.s32 $0xFFFFF100  }
0x85: {  	[spmem:s2] =	stream.indirect.scatter.add.f32 [tilespmem:s25], [sflag:$0x6], $0x30, s20, s14, $0xb8;
	[tilespmem:$0x10E50] =	vst v63  }
0x86: {  	_ =	swait.ge [sflag:s13], $0xF00  }
0x87: {  	[sflag:s13] =	ssyncset.done $0x0  }
0x88: {  	s16 =	simm.s32 $0x2760;
	[sflag:s13] =	ssyncadd.s32 $0xFFFFF100  }
0x89: {  	[spmem:s2] =	stream.indirect.scatter.add.f32 [tilespmem:s15], [sflag:$0x7], $0x30, s16, s14, $0xb8;
	[tilespmem:$0x10E50] =	vst v63  }
0x8a: {  	_ =	swait.ge [sflag:s26], $0xF00  }
0x8b: {  	[sflag:s26] =	ssyncset.done $0x0  }
0x8c: {  	s20 =	simm.s32 $0x27B0;
	[sflag:s26] =	ssyncadd.s32 $0xFFFFF100  }
0x8d: {  	[spmem:s2] =	stream.indirect.scatter.add.f32 [tilespmem:s17], [sflag:$0x8], $0x30, s20, s14, $0xb8;
	[tilespmem:$0x10E50] =	vst v63  }
0x8e: {  	_ =	swait.ge [sflag:s28], $0xF00  }
0x8f: {  	[sflag:s28] =	ssyncset.done $0x0  }
0x90: {  	s16 =	simm.s32 $0x2800;
	[sflag:s28] =	ssyncadd.s32 $0xFFFFF100  }
0x91: {  	[spmem:s2] =	stream.indirect.scatter.add.f32 [tilespmem:s19], [sflag:$0x9], $0x30, s16, s14, $0xb8;
	[tilespmem:$0x10E50] =	vst v63  }
0x92: {  	_ =	swait.ge [sflag:s29], $0xF00  }
0x93: {  	[sflag:s29] =	ssyncset.done $0x0  }
0x94: {  	s20 =	simm.s32 $0x2850;
	[sflag:s29] =	ssyncadd.s32 $0xFFFFF100  }
0x95: {  	[spmem:s2] =	stream.indirect.scatter.add.f32 [tilespmem:s21], [sflag:$0xA], $0x30, s20, s14, $0xb8;
	[tilespmem:$0x10E50] =	vst v63  }
0x96: {  	_ =	swait.ge [sflag:s30], $0xF00  }
0x97: {  	[sflag:s30] =	ssyncset.done $0x0  }
0x98: {  	s16 =	simm.s32 $0x190;
	[sflag:s30] =	ssyncadd.s32 $0xFFFFF100  }
0x99: {  	[tilespmem:s25], [sflag:$0x1] =	stream.indirect.gather [hbm4b:s4+s14], $0x30, s16, s14, $0xb8;
	[tilespmem:$0x10E50] =	vst v63  }
0x9a: {  	_ =	swait.ge [sflag:s31], $0xF00  }
0x9b: {  	[sflag:s31] =	ssyncset.done $0x0  }
0x9c: {  	s20 =	simm.s32 $0x1E0;
	[sflag:s31] =	ssyncadd.s32 $0xFFFFF100  }
0x9d: {  	[tilespmem:s15], [sflag:$0x2] =	stream.indirect.gather [hbm4b:s4+s14], $0x30, s20, s14, $0xb8;
	[tilespmem:$0x10E50] =	vst v63  }
0x9e: {  	_ =	swait.ge [sflag:s0], $0xF00  }
0x9f: {  	[sflag:s0] =	ssyncset.done $0x0  }
0xa0: {  	s16 =	simm.s32 $0x230;
	[sflag:s0] =	ssyncadd.s32 $0xFFFFF100  }
0xa1: {  	[tilespmem:s17], [sflag:$0x3] =	stream.indirect.gather [hbm4b:s4+s14], $0x30, s16, s14, $0xb8;
	[tilespmem:$0x10E50] =	vst v63  }
0xa2: {  	_ =	swait.ge [sflag:s1], $0xF00  }
0xa3: {  	[sflag:s1] =	ssyncset.done $0x0  }
0xa4: {  	s20 =	simm.s32 $0x280;
	[sflag:s1] =	ssyncadd.s32 $0xFFFFF100  }
0xa5: {  	[tilespmem:s19], [sflag:$0x4] =	stream.indirect.gather [hbm4b:s4+s14], $0x30, s20, s14, $0xb8;
	[tilespmem:$0x10E50] =	vst v63  }
0xa6: {  	_ =	swait.ge [sflag:s11], $0xF00  }
0xa7: {  	[sflag:s11] =	ssyncset.done $0x0  }
0xa8: {  	s18 =	simm.s32 $0x640;
	s20 =	simm.s32 $0x2D0;
	[sflag:s11] =	ssyncadd.s32 $0xFFFFF100  }
.LBB2_7:
0xa9: {  	[tilespmem:s21], [sflag:$0x5] =	stream.indirect.gather [hbm4b:s4+s14], $0x30, s20, s14, $0xb8;
	[tilespmem:$0x10E50] =	vst v63  }
0xaa: {  	s20 =	smov.u32 s18  }
0xab: {  	p1 =	sne.s32 s18, $0x8FC0;
	s18 =	sadd.s32 $0x640, s18;
	_ =	swait.ge [sflag:s12], $0xF00  }
0xac: {  	s20 =	sshra.s32 s20, $0x2;
	[sflag:s12] =	ssyncset.done $0x0  }
0xad: {  	s16 =	sadd.s32 $0x2710, s20;
	[sflag:s12] =	ssyncadd.s32 $0xFFFFF100  }
0xae: {  	[spmem:s2] =	stream.indirect.scatter.add.f32 [tilespmem:s25], [sflag:$0x6], $0x30, s16, s14, $0xb8;
	[tilespmem:$0x10E50] =	vst v63  }
0xaf: {  	_ =	swait.ge [sflag:s13], $0xF00  }
0xb0: {  	[sflag:s13] =	ssyncset.done $0x0  }
0xb1: {  	s16 =	sadd.s32 $0x2760, s20;
	[sflag:s13] =	ssyncadd.s32 $0xFFFFF100  }
0xb2: {  	[spmem:s2] =	stream.indirect.scatter.add.f32 [tilespmem:s15], [sflag:$0x7], $0x30, s16, s14, $0xb8;
	[tilespmem:$0x10E50] =	vst v63  }
0xb3: {  	_ =	swait.ge [sflag:s26], $0xF00  }
0xb4: {  	[sflag:s26] =	ssyncset.done $0x0  }
0xb5: {  	s16 =	sadd.s32 $0x27B0, s20;
	[sflag:s26] =	ssyncadd.s32 $0xFFFFF100  }
0xb6: {  	[spmem:s2] =	stream.indirect.scatter.add.f32 [tilespmem:s17], [sflag:$0x8], $0x30, s16, s14, $0xb8;
	[tilespmem:$0x10E50] =	vst v63  }
0xb7: {  	_ =	swait.ge [sflag:s28], $0xF00  }
0xb8: {  	[sflag:s28] =	ssyncset.done $0x0  }
0xb9: {  	s16 =	sadd.s32 $0x2800, s20;
	[sflag:s28] =	ssyncadd.s32 $0xFFFFF100  }
0xba: {  	[spmem:s2] =	stream.indirect.scatter.add.f32 [tilespmem:s19], [sflag:$0x9], $0x30, s16, s14, $0xb8;
	[tilespmem:$0x10E50] =	vst v63  }
0xbb: {  	_ =	swait.ge [sflag:s29], $0xF00  }
0xbc: {  	[sflag:s29] =	ssyncset.done $0x0  }
0xbd: {  	s16 =	sadd.s32 $0x2850, s20;
	[sflag:s29] =	ssyncadd.s32 $0xFFFFF100  }
0xbe: {  	[spmem:s2] =	stream.indirect.scatter.add.f32 [tilespmem:s21], [sflag:$0xA], $0x30, s16, s14, $0xb8;
	[tilespmem:$0x10E50] =	vst v63  }
0xbf: {  	_ =	swait.ge [sflag:s30], $0xF00  }
0xc0: {  	[sflag:s30] =	ssyncset.done $0x0  }
0xc1: {  	s16 =	sadd.s32 $0x190, s20;
	[sflag:s30] =	ssyncadd.s32 $0xFFFFF100  }
0xc2: {  	[tilespmem:s25], [sflag:$0x1] =	stream.indirect.gather [hbm4b:s4+s14], $0x30, s16, s14, $0xb8;
	[tilespmem:$0x10E50] =	vst v63  }
0xc3: {  	_ =	swait.ge [sflag:s31], $0xF00  }
0xc4: {  	[sflag:s31] =	ssyncset.done $0x0  }
0xc5: {  	s16 =	sadd.s32 $0x1E0, s20;
	[sflag:s31] =	ssyncadd.s32 $0xFFFFF100  }
0xc6: {  	[tilespmem:s15], [sflag:$0x2] =	stream.indirect.gather [hbm4b:s4+s14], $0x30, s16, s14, $0xb8;
	[tilespmem:$0x10E50] =	vst v63  }
0xc7: {  	_ =	swait.ge [sflag:s0], $0xF00  }
0xc8: {  	[sflag:s0] =	ssyncset.done $0x0  }
0xc9: {  	s16 =	sadd.s32 $0x230, s20;
	[sflag:s0] =	ssyncadd.s32 $0xFFFFF100  }
0xca: {  	[tilespmem:s17], [sflag:$0x3] =	stream.indirect.gather [hbm4b:s4+s14], $0x30, s16, s14, $0xb8;
	[tilespmem:$0x10E50] =	vst v63  }
0xcb: {  	_ =	swait.ge [sflag:s1], $0xF00  }
0xcc: {  	[sflag:s1] =	ssyncset.done $0x0  }
.Ltmp3:
0xcd: {  	s16 =	sadd.s32 $0x280, s20;
	[sflag:s1] =	ssyncadd.s32 $0xFFFFF100;
	(pc) =	sbr.rel @p1 .LBB2_7-.Ltmp3, $4  }
0xce: {  	[tilespmem:s19], [sflag:$0x4] =	stream.indirect.gather [hbm4b:s4+s14], $0x30, s16, s14, $0xb8;
	[tilespmem:$0x10E50] =	vst v63  }
0xcf: {  	_ =	swait.ge [sflag:s11], $0xF00  }
0xd0: {  	[sflag:s11] =	ssyncset.done $0x0  }
0xd1: {  	s20 =	sadd.s32 $0x2D0, s20;
	[sflag:s11] =	ssyncadd.s32 $0xFFFFF100  }
0xd2: {  	[tilespmem:s21], [sflag:$0x5] =	stream.indirect.gather [hbm4b:s4+s14], $0x30, s20, s14, $0xb8;
	[tilespmem:$0x10E50] =	vst v63  }
0xd3: {  	_ =	swait.ge [sflag:s12], $0xF00  }
0xd4: {  	[sflag:s12] =	ssyncset.done $0x0  }
0xd5: {  	s16 =	simm.s32 $0x4C90;
	[sflag:s12] =	ssyncadd.s32 $0xFFFFF100  }
0xd6: {  	[spmem:s2] =	stream.indirect.scatter.add.f32 [tilespmem:s25], [sflag:$0x6], $0x30, s16, s14, $0xb8;
	[tilespmem:$0x10E50] =	vst v63  }
0xd7: {  	_ =	swait.ge [sflag:s13], $0xF00  }
0xd8: {  	[sflag:s13] =	ssyncset.done $0x0  }
0xd9: {  	s18 =	simm.s32 $0x4CE0;
	[sflag:s13] =	ssyncadd.s32 $0xFFFFF100  }
0xda: {  	[spmem:s2] =	stream.indirect.scatter.add.f32 [tilespmem:s15], [sflag:$0x7], $0x30, s18, s14, $0xb8;
	[tilespmem:$0x10E50] =	vst v63  }
0xdb: {  	_ =	swait.ge [sflag:s26], $0xF00  }
0xdc: {  	[sflag:s26] =	ssyncset.done $0x0  }
0xdd: {  	s20 =	simm.s32 $0x4D30;
	[sflag:s26] =	ssyncadd.s32 $0xFFFFF100  }
0xde: {  	[spmem:s2] =	stream.indirect.scatter.add.f32 [tilespmem:s17], [sflag:$0x8], $0x30, s20, s14, $0xb8;
	[tilespmem:$0x10E50] =	vst v63  }
0xdf: {  	_ =	swait.ge [sflag:s28], $0xF00  }
0xe0: {  	[sflag:s28] =	ssyncset.done $0x0  }
0xe1: {  	s18 =	simm.s32 $0x4D80;
	[sflag:s28] =	ssyncadd.s32 $0xFFFFF100  }
0xe2: {  	[spmem:s2] =	stream.indirect.scatter.add.f32 [tilespmem:s19], [sflag:$0x9], $0x30, s18, s14, $0xb8;
	[tilespmem:$0x10E50] =	vst v63  }
0xe3: {  	_ =	swait.ge [sflag:s29], $0xF00  }
0xe4: {  	[sflag:s29] =	ssyncset.done $0x0  }
0xe5: {  	s20 =	simm.s32 $0x4DD0;
	[sflag:s29] =	ssyncadd.s32 $0xFFFFF100  }
0xe6: {  	[spmem:s2] =	stream.indirect.scatter.add.f32 [tilespmem:s21], [sflag:$0xA], $0x30, s20, s14, $0xb8;
	[tilespmem:$0x10E50] =	vst v63  }
0xe7: {  	_ =	swait.ge [sflag:s30], $0xF00  }
0xe8: {  	[sflag:s30] =	ssyncset.done $0x0  }
0xe9: {  	[sflag:s30] =	ssyncadd.s32 $0xFFFFF100  }
0xea: {  	_ =	swait.ge [sflag:s31], $0xF00  }
0xeb: {  	[sflag:s31] =	ssyncset.done $0x0  }
0xec: {  	[sflag:s31] =	ssyncadd.s32 $0xFFFFF100  }
0xed: {  	_ =	swait.ge [sflag:s0], $0xF00  }
0xee: {  	[sflag:s0] =	ssyncset.done $0x0  }
0xef: {  	[sflag:s0] =	ssyncadd.s32 $0xFFFFF100  }
0xf0: {  	_ =	swait.ge [sflag:s1], $0xF00  }
0xf1: {  	[sflag:s1] =	ssyncset.done $0x0  }
0xf2: {  	[sflag:s1] =	ssyncadd.s32 $0xFFFFF100  }
0xf3: {  	_ =	swait.ge [sflag:s11], $0xF00  }
0xf4: {  	s7 =	sadd.s32 $0x1, s7;
	[sflag:s11] =	ssyncset.done $0x0  }
0xf5: {  	p1 =	sne.s32 s7, s9;
	[sflag:s11] =	ssyncadd.s32 $0xFFFFF100  }
.Ltmp4:
0xf6: {  	[bflag:$0x0] =	sbarrier.arrive $0xFFFF;
	(pc) =	sbr.rel @p1 .LBB2_1-.Ltmp4, $4  }
0xf7: {  	[hbm:s8], [sflag:s22] =	dma.local [spmem:s23], $0xEA6  }
0xf8: {  	_ =	swait.ge [sflag:s24], $0xEA6  }
0xf9: {  	[sflag:s24] =	ssyncset.done $0x0  }
0xfa: {  	[sflag:s24] =	ssyncadd.s32 $0xFFFFF15A  }
0xfb: {  	_ =	sfence.sel $0x180000  }
0xfc: {  	[bflag:$0x0] =	sbarrier.arrive $0xFFFF  }
0xfd: {  	_ =	strace $0x90000050  }
0xfe: {  	s0 =	stileid.u32;
	[bflag:$0x2] =	sbarrier.arrive $0xFFFF  }
0xff: {  	p0 =	sne.s32 s0, $0x0;
	s0 =	rddreg [dreg:$0x2]  }
0x100: {  	s0 =	sadd.s32 @!p0 $0x100000, s0  }
0x101: {  	[sflag:s0] =	ssyncadd.tile.s32 @!p0 $0x1;
	_ =	shalt  }
.Lfunc_end2:
_tile_overlayer_lowered:
.L_overlay_start_2:
0x102: {  	(tag) =	ssettag $0x2  }
0x103: {  	s0 =	rddreg [dreg:$0x0];
	s2 =	stileid.u32  }
0x104: {  	s1 =	rddreg [dreg:$0x1];
	p0 =	sne.s32 s2, $0x0  }
0x105: {  	s3 =	rddreg [dreg:$0x2];
	[bflag:$0x3] =	sbarrier.arrive $0xFFFF;
	s2 =	simm.s32 @!p0 $0x1C0B  }
0x106: {  	[timem:s3], [sflag:s2] =	dma.local @!p0 [hbm:s0], s1  }
0x107: {  	s0 =	simm.s32 @!p0 $0xB  }
0x108: {  	_ =	swait.ge @!p0 [sflag:s0], s1  }
0x109: {  	s1 =	ssub.s32 @!p0 $0x0, s1;
	[sflag:s0] =	ssyncset.done @!p0 $0x0  }
0x10a: {  	[sflag:s0] =	ssyncadd.s32 @!p0 s1  }
0x10b: {  	[bflag:$0x3] =	sbarrier.arrive $0xFFFF  }
0x10c: {  	_ =	shalt  }

</sc_bundles>
